<compile_context>
chip_gen: v7x
topology: tpu7x:2x2x1
jax: 0.10.2.dev20260603
libtpu: 0.0.44.dev20260713+nightly
codegen_flags: <defaults>
</compile_context>

<pallas_src>
import functools

import jax
import jax.numpy as jnp
from jax import lax
from jax.experimental import pallas as pl
from jax.experimental.pallas import tpu as pltpu
from jax.experimental.pallas import tpu_sc as plsc

M = 65536
D = 1024
B = 16384

NC = 2
NS = 16
NW = NC * NS
CH = M // NW
BW_ = B // NW
RC = 32
NCHUNK = BW_ // RC

_mesh = plsc.VectorSubcoreMesh(core_axis_name="c", subcore_axis_name="s")


@functools.partial(
    pl.kernel,
    mesh=_mesh,
    compiler_params=pltpu.CompilerParams(needs_layout_passes=False),
    out_type=(
        jax.ShapeDtypeStruct((M,), jnp.int32),
        jax.ShapeDtypeStruct((M,), jnp.int32),
        jax.ShapeDtypeStruct((NW, 16), jnp.int32),
    ),
    scratch_types=[
        pltpu.VMEM((B,), jnp.int32),
        pltpu.VMEM((CH,), jnp.int32),
        pltpu.VMEM((CH,), jnp.int32),
        pltpu.VMEM((16,), jnp.int32),
        pltpu.VMEM((16,), jnp.int32),
    ],
)
def _winner_kernel(idx_hbm, flg_hbm, win_hbm, nf_hbm, mn_hbm,
                   idx_v, win_v, flg_v, mn_v, tmp_v):
    wid = lax.axis_index("c") * NS + lax.axis_index("s")
    lo = wid * CH
    pltpu.sync_copy(idx_hbm, idx_v)
    pltpu.sync_copy(flg_hbm.at[pl.ds(lo, CH)], flg_v)

    neg1 = jnp.full((16,), -1, jnp.int32)

    def init(k, carry):
        win_v[pl.ds(k * 16, 16)] = neg1
        return carry

    lax.fori_loop(0, CH // 16, init, 0)

    lane = lax.iota(jnp.int32, 16)
    shift = jnp.minimum(lane + 1, 15)

    def step(i, carry):
        v = idx_v[pl.ds(i * 16, 16)]
        comb = v * 16 + lane
        sc = jnp.sort(comb)
        key = sc >> 4
        bv = i * 16 + (sc & 15)
        tmp_v[...] = key
        nxt = plsc.load_gather(tmp_v, [shift])
        is_last = (nxt != key) | (lane == 15)
        inr = (key >= lo) & (key < lo + CH)
        msk = is_last & inr
        rel = jnp.where(msk, key - lo, 0)
        plsc.store_scatter(win_v, [rel], bv, mask=msk)
        return carry

    lax.fori_loop(0, B // 16, step, 0)

    def flags_step(k, mn):
        w = win_v[pl.ds(k * 16, 16)]
        hit = (w >= 0).astype(jnp.int32)
        nf = flg_v[pl.ds(k * 16, 16)] | hit
        flg_v[pl.ds(k * 16, 16)] = nf
        return jnp.minimum(mn, nf)

    mn = lax.fori_loop(0, CH // 16, flags_step,
                       jnp.full((16,), 1, jnp.int32))
    mn_v[...] = mn
    pltpu.sync_copy(win_v, win_hbm.at[pl.ds(lo, CH)])
    pltpu.sync_copy(flg_v, nf_hbm.at[pl.ds(lo, CH)])
    pltpu.sync_copy(mn_v, mn_hbm.at[wid])


@functools.partial(
    pl.kernel,
    mesh=_mesh,
    compiler_params=pltpu.CompilerParams(needs_layout_passes=False),
    out_type=(),
    scratch_types=[
        pltpu.VMEM((BW_,), jnp.int32),
        pltpu.VMEM((BW_,), jnp.int32),
        pltpu.VMEM((NCHUNK, RC), jnp.int32),
        pltpu.VMEM((RC, D), jnp.float32),
        pltpu.VMEM((RC, D), jnp.float32),
        pltpu.VMEM((RC, D), jnp.float32),
        pltpu.SemaphoreType.DMA,
        pltpu.SemaphoreType.DMA,
        pltpu.SemaphoreType.DMA,
        pltpu.SemaphoreType.DMA,
        pltpu.SemaphoreType.DMA,
        pltpu.SemaphoreType.DMA,
    ],
)
def _scatter_kernel(out_hbm, val_hbm, idx_hbm, win_hbm,
                    idxc_v, wsrc_v, dst3_v, rows0_v, rows1_v, rows2_v,
                    gsem0, gsem1, gsem2, ssem0, ssem1, ssem2):
    wid = lax.axis_index("c") * NS + lax.axis_index("s")
    base = wid * BW_
    pltpu.sync_copy(idx_hbm.at[pl.ds(base, BW_)], idxc_v)
    wcp = []
    for j in range(BW_ // 128):
        wcp.append(pltpu.async_copy(
            win_hbm.at[idxc_v.at[pl.ds(j * 128, 128)]],
            wsrc_v.at[pl.ds(j * 128, 128)], gsem0))
    for c in range(NCHUNK):
        for k in range(RC // 16):
            dst3_v[c, pl.ds(k * 16, 16)] = idxc_v[pl.ds(c * RC + k * 16, 16)]
    for w in wcp:
        w.wait()

    NB = 3
    rows = (rows0_v, rows1_v, rows2_v)
    gsems = (gsem0, gsem1, gsem2)
    ssems = (ssem0, ssem1, ssem2)

    def gather(c):
        b = c % NB
        return pltpu.async_copy(
            val_hbm.at[wsrc_v.at[pl.ds(c * RC, RC)]], rows[b], gsems[b])

    gcp = [gather(0), gather(1)]
    scp = [None] * NB
    for c in range(NCHUNK):
        b = c % NB
        if c + 2 < NCHUNK:
            nb = (c + 2) % NB
            if scp[nb] is not None:
                scp[nb].wait()
            gcp.append(gather(c + 2))
        gcp[c].wait()
        scp[b] = pltpu.async_copy(rows[b], out_hbm.at[dst3_v.at[c]], ssems[b])
    for s in scp:
        s.wait()


def _copy_body(x_ref, o_ref):
    o_ref[...] = x_ref[...]


_ROWS_PER_BLOCK = 2048

_tc_copy = pl.pallas_call(
    _copy_body,
    grid=(M // _ROWS_PER_BLOCK,),
    in_specs=[pl.BlockSpec((_ROWS_PER_BLOCK, D), lambda i: (i, 0))],
    out_specs=pl.BlockSpec((_ROWS_PER_BLOCK, D), lambda i: (i, 0)),
    out_shape=jax.ShapeDtypeStruct((M, D), jnp.float32),
)


def kernel(mem, flags, val, idx):
    idx32 = idx.astype(jnp.int32)
    flg32 = flags.astype(jnp.int32)
    winner, nf32, mn = _winner_kernel(idx32, flg32)
    out0 = _tc_copy(mem)
    out_r = jax.new_ref(out0)
    _scatter_kernel(out_r, val, idx32, winner)
    out = jax.freeze(out_r)
    return out, nf32.astype(bool), jnp.min(mn) == 1

# --- scband reference (transcript-rebuilt; emitter-appended) ---
"""Pipeline reference for scband-grid-constructor-86964497809958 (READ-ONLY COPY).

The authoritative reference and input builder live on the scoring server;
editing this copy changes nothing except your own understanding.
"""

import jax, jax.numpy as jnp
import numpy as np

M = 65536   # grid_shape[0] (number of grid slots)
D = 1024    # per-element feature dim
B = 16384   # writes per step (batched view of repeated forward() calls)


def setup_inputs(seed: int = 0) -> dict:
    key = jax.random.key(seed)
    k1, k2 = jax.random.split(key)
    # Persistent state of the GridConstructor: the (eventually constructed)
    # dense grid buffer and the boolean occupancy flags.
    mem = jnp.zeros((M, D), dtype=jnp.float32)
    flags = jnp.zeros((M,), dtype=jnp.bool_)
    # A batch of incoming samples and the grid indices they are written to.
    # (The torch module writes one (x, idx) pair per forward call; we model
    #  the production workload as B such writes applied in one step.)
    val = jax.random.normal(k1, (B, D), dtype=jnp.float32)
    idx = jax.random.randint(k2, (B,), 0, M, dtype=jnp.int64)
    return {"mem": mem, "flags": flags, "val": val, "idx": idx}


def reference(mem, flags, val, idx):
    # forward(): grid_elements[idx] = x  ->  scatter-overwrite into the grid
    new_mem = mem.at[idx].set(val)
    # forward(): grid_flags[idx] = True
    new_flags = flags.at[idx].set(True)
    # is_completed(): grid_flags.all()
    completed = jnp.all(new_flags)
    # construct() materializes the dense grid (new_mem is exactly that buffer)
    return new_mem, new_flags, completed

if __name__ == "__main__":
    import jax
    _d = setup_inputs()
    print(jax.jit(kernel)(*tuple(_d.values())))

</pallas_src>

<mosaic_0001>
#map = affine_map<(d0, d1) -> (0)>
#map1 = affine_map<(d0, d1) -> (0, 0)>
module attributes {stable_mosaic.version = 14 : i64} {
  func.func @_winner_kernel(%arg0: i32, %arg1: i32, %arg2: memref<16384xi32, #tpu.memory_space<hbm>>, %arg3: memref<65536xi32, #tpu.memory_space<hbm>>, %arg4: memref<65536xi32, #tpu.memory_space<hbm>>, %arg5: memref<65536xi32, #tpu.memory_space<hbm>>, %arg6: memref<32x16xi32, #tpu.memory_space<hbm>>, %arg7: memref<16384xi32, #tpu.memory_space<vmem>>, %arg8: memref<2048xi32, #tpu.memory_space<vmem>>, %arg9: memref<2048xi32, #tpu.memory_space<vmem>>, %arg10: memref<16xi32, #tpu.memory_space<vmem>>, %arg11: memref<16xi32, #tpu.memory_space<vmem>>) attributes {dimension_semantics = [#tpu.dimension_semantics<core_parallel>, #tpu.dimension_semantics<subcore_parallel>], iteration_bounds = array<i64: 2, 16>, scalar_prefetch = 0 : i64, scratch_operands = 5 : i64, tpu.core_type = #tpu.core_type<sc_vector_subcore>, window_params = [{transform_indices = #map}, {transform_indices = #map}, {transform_indices = #map}, {transform_indices = #map}, {transform_indices = #map1}]} {
    %mul3A = arith.constant 16 : i32
    %mul3A_0 = arith.muli %arg0, %mul3A : i32
    %add3A = arith.addi %mul3A_0, %arg1 : i32
    %mul3A_1 = arith.constant 2048 : i32
    %mul3A_2 = arith.muli %add3A, %mul3A_1 : i32
    "tpu.region"() ({
      %run_scoped3A = tpu.sem_alloc : memref<!tpu.dma_semaphore, #tpu.memory_space<semaphore_mem>>
      tpu.enqueue_dma source(%arg2 : memref<16384xi32, #tpu.memory_space<hbm>>) target(%arg7 : memref<16384xi32, #tpu.memory_space<vmem>>) target_semaphore(%run_scoped3A : memref<!tpu.dma_semaphore, #tpu.memory_space<semaphore_mem>>)
      tpu.wait_dma2 semaphore(%run_scoped3A : memref<!tpu.dma_semaphore, #tpu.memory_space<semaphore_mem>>) src(%arg2 : memref<16384xi32, #tpu.memory_space<hbm>>) dst(%arg7 : memref<16384xi32, #tpu.memory_space<vmem>>)
      tpu.yield
    }) : () -> ()
    "tpu.region"() ({
      %run_scoped3A = tpu.sem_alloc : memref<!tpu.dma_semaphore, #tpu.memory_space<semaphore_mem>>
      %dma_start3A = tpu.memref_slice %arg3[%mul3A_2] : memref<65536xi32, #tpu.memory_space<hbm>> -> memref<2048xi32, #tpu.memory_space<hbm>>
      %dma_start3A_29 = tpu.memref_slice %arg3[%mul3A_2] : memref<65536xi32, #tpu.memory_space<hbm>> -> memref<2048xi32, #tpu.memory_space<hbm>>
      tpu.enqueue_dma source(%dma_start3A_29 : memref<2048xi32, #tpu.memory_space<hbm>>) target(%arg9 : memref<2048xi32, #tpu.memory_space<vmem>>) target_semaphore(%run_scoped3A : memref<!tpu.dma_semaphore, #tpu.memory_space<semaphore_mem>>)
      %dma_wait3A = tpu.memref_slice %arg3[%mul3A_2] : memref<65536xi32, #tpu.memory_space<hbm>> -> memref<2048xi32, #tpu.memory_space<hbm>>
      %dma_wait3A_30 = tpu.memref_slice %arg3[%mul3A_2] : memref<65536xi32, #tpu.memory_space<hbm>> -> memref<2048xi32, #tpu.memory_space<hbm>>
      tpu.wait_dma2 semaphore(%run_scoped3A : memref<!tpu.dma_semaphore, #tpu.memory_space<semaphore_mem>>) src(%dma_wait3A_30 : memref<2048xi32, #tpu.memory_space<hbm>>) dst(%arg9 : memref<2048xi32, #tpu.memory_space<vmem>>)
      tpu.yield
    }) : () -> ()
    %broadcast_in_dim3A = arith.constant -1 : i32
    %broadcast_in_dim3A_3 = vector.broadcast %broadcast_in_dim3A : i32 to vector<16xi32>
    %scan3A = arith.constant 0 : i32
    %scan3A_4 = arith.constant 0 : i32
    %scan3A_5 = arith.constant 128 : i32
    %scan3A_6 = arith.addi %scan3A_4, %scan3A_5 : i32
    %scan3A_7 = arith.constant 1 : i32
    scf.for %scan3A_29 = %scan3A_4 to %scan3A_6 step %scan3A_7  : i32 {
      %mul3A_30 = arith.constant 16 : i32
      %mul3A_31 = arith.muli %scan3A_29, %mul3A_30 : i32
      %swap3A_32 = arith.index_cast %mul3A_31 : i32 to index
      %swap3A_33 = tpu.vector_load %arg8[%swap3A_32] {strides = array<i32>} : memref<2048xi32, #tpu.memory_space<vmem>>, vector<16xi32>,
      tpu.vector_store %arg8[%swap3A_32], %broadcast_in_dim3A_3 {strides = array<i32>} : memref<2048xi32, #tpu.memory_space<vmem>>, vector<16xi32>,
    }
    %scan3A_8 = arith.constant 128 : i32
    %iota3A = tpu.iota {dimensions = array<i32: 0>} : vector<16xi32>
    %add3A_9 = arith.constant 1 : i32
    %add3A_10 = vector.broadcast %add3A_9 : i32 to vector<16xi32>
    %add3A_11 = arith.addi %iota3A, %add3A_10 : vector<16xi32>
    %min3A = arith.constant 15 : i32
    %min3A_12 = vector.broadcast %min3A : i32 to vector<16xi32>
    %min3A_13 = arith.minsi %add3A_11, %min3A_12 : vector<16xi32>
    %scan3A_14 = arith.constant 0 : i32
    %scan3A_15 = arith.constant 0 : i32
    %scan3A_16 = arith.constant 1024 : i32
    %scan3A_17 = arith.addi %scan3A_15, %scan3A_16 : i32
    %scan3A_18 = arith.constant 1 : i32
    scf.for %scan3A_29 = %scan3A_15 to %scan3A_17 step %scan3A_18  : i32 {
      %mul3A_30 = arith.constant 16 : i32
      %mul3A_31 = arith.muli %scan3A_29, %mul3A_30 : i32
      %get3A = arith.index_cast %mul3A_31 : i32 to index
      %get3A_32 = tpu.vector_load %arg7[%get3A] {strides = array<i32>} : memref<16384xi32, #tpu.memory_space<vmem>>, vector<16xi32>,
      %mul3A_33 = arith.constant 16 : i32
      %mul3A_34 = vector.broadcast %mul3A_33 : i32 to vector<16xi32>
      %mul3A_35 = arith.muli %get3A_32, %mul3A_34 : vector<16xi32>
      %add3A_36 = arith.addi %mul3A_35, %iota3A : vector<16xi32>
      %sort3A = arith.constant dense<true> : vector<16xi1>
      %sort3A_37, %sort3A_38, %sort3A_39 = tpu.sort %add3A_36, %add3A_36 masked %sort3A : (vector<16xi32>, vector<16xi32>, vector<16xi1>) -> (vector<16xi1>, vector<16xi32>, vector<16xi32>)
      %shift_right_arithmetic3A = arith.constant 4 : i32
      %shift_right_arithmetic3A_40 = vector.broadcast %shift_right_arithmetic3A : i32 to vector<16xi32>
      %shift_right_arithmetic3A_41 = arith.shrsi %sort3A_38, %shift_right_arithmetic3A_40 : vector<16xi32>
      %mul3A_42 = arith.constant 16 : i32
      %mul3A_43 = arith.muli %scan3A_29, %mul3A_42 : i32
      %and3A = arith.constant 15 : i32
      %and3A_44 = vector.broadcast %and3A : i32 to vector<16xi32>
      %and3A_45 = arith.andi %sort3A_38, %and3A_44 : vector<16xi32>
      %add3A_46 = vector.broadcast %mul3A_43 : i32 to vector<16xi32>
      %add3A_47 = arith.addi %add3A_46, %and3A_45 : vector<16xi32>
      %swap3A_48 = arith.constant 0 : index
      %swap3A_49 = tpu.vector_load %arg11[%swap3A_48] {strides = array<i32>} : memref<16xi32, #tpu.memory_space<vmem>>, vector<16xi32>,
      tpu.vector_store %arg11[%swap3A_48], %shift_right_arithmetic3A_41 {strides = array<i32>} : memref<16xi32, #tpu.memory_space<vmem>>, vector<16xi32>,
      %gather3A = tpu.vector_load_idx %arg11[%min3A_13] : memref<16xi32, #tpu.memory_space<vmem>>[vector<16xi32>], vector<16xi32>,
      %ne3A = arith.cmpi ne, %gather3A, %shift_right_arithmetic3A_41 : vector<16xi32>
      %eq3A = arith.constant 15 : i32
      %eq3A_50 = vector.broadcast %eq3A : i32 to vector<16xi32>
      %eq3A_51 = arith.cmpi eq, %iota3A, %eq3A_50 : vector<16xi32>
      %or3A = arith.ori %ne3A, %eq3A_51 : vector<16xi1>
      %ge3A = vector.broadcast %mul3A_2 : i32 to vector<16xi32>
      %ge3A_52 = arith.cmpi sge, %shift_right_arithmetic3A_41, %ge3A : vector<16xi32>
      %add3A_53 = arith.constant 2048 : i32
      %add3A_54 = arith.addi %mul3A_2, %add3A_53 : i32
      %lt3A = vector.broadcast %add3A_54 : i32 to vector<16xi32>
      %lt3A_55 = arith.cmpi slt, %shift_right_arithmetic3A_41, %lt3A : vector<16xi32>
      %and3A_56 = arith.andi %ge3A_52, %lt3A_55 : vector<16xi1>
      %and3A_57 = arith.andi %or3A, %and3A_56 : vector<16xi1>
      %sub3A = vector.broadcast %mul3A_2 : i32 to vector<16xi32>
      %sub3A_58 = arith.subi %shift_right_arithmetic3A_41, %sub3A : vector<16xi32>
      %jit3A = arith.constant 0 : i32
      %broadcast_in_dim3A_59 = vector.broadcast %jit3A : i32 to vector<16xi32>
      %select_n3A = arith.select %and3A_57, %sub3A_58, %broadcast_in_dim3A_59 : vector<16xi1>, vector<16xi32>
      tpu.vector_store_idx %arg8[%select_n3A], %add3A_47 masked %and3A_57 : memref<2048xi32, #tpu.memory_space<vmem>>[vector<16xi32>], vector<16xi32>, vector<16xi1>
    }
    %scan3A_19 = arith.constant 1024 : i32
    %broadcast_in_dim3A_20 = arith.constant 1 : i32
    %broadcast_in_dim3A_21 = vector.broadcast %broadcast_in_dim3A_20 : i32 to vector<16xi32>
    %scan3A_22 = arith.constant 0 : i32
    %scan3A_23 = arith.constant 128 : i32
    %scan3A_24 = arith.addi %scan3A_22, %scan3A_23 : i32
    %scan3A_25 = arith.constant 1 : i32
    %scan3A_26 = scf.for %scan3A_29 = %scan3A_22 to %scan3A_24 step %scan3A_25 iter_args(%scan3A_30 = %broadcast_in_dim3A_21) -> (vector<16xi32>)  : i32 {
      %mul3A_31 = arith.constant 16 : i32
      %mul3A_32 = arith.muli %scan3A_29, %mul3A_31 : i32
      %get3A = arith.index_cast %mul3A_32 : i32 to index
      %get3A_33 = tpu.vector_load %arg8[%get3A] {strides = array<i32>} : memref<2048xi32, #tpu.memory_space<vmem>>, vector<16xi32>,
      %ge3A = arith.constant 0 : i32
      %ge3A_34 = vector.broadcast %ge3A : i32 to vector<16xi32>
      %ge3A_35 = arith.cmpi sge, %get3A_33, %ge3A_34 : vector<16xi32>
      %convert_element_type3A = arith.extui %ge3A_35 : vector<16xi1> to vector<16xi32>
      %mul3A_36 = arith.constant 16 : i32
      %mul3A_37 = arith.muli %scan3A_29, %mul3A_36 : i32
      %get3A_38 = arith.index_cast %mul3A_37 : i32 to index
      %get3A_39 = tpu.vector_load %arg9[%get3A_38] {strides = array<i32>} : memref<2048xi32, #tpu.memory_space<vmem>>, vector<16xi32>,
      %or3A = arith.ori %get3A_39, %convert_element_type3A : vector<16xi32>
      %mul3A_40 = arith.constant 16 : i32
      %mul3A_41 = arith.muli %scan3A_29, %mul3A_40 : i32
      %swap3A_42 = arith.index_cast %mul3A_41 : i32 to index
      %swap3A_43 = tpu.vector_load %arg9[%swap3A_42] {strides = array<i32>} : memref<2048xi32, #tpu.memory_space<vmem>>, vector<16xi32>,
      tpu.vector_store %arg9[%swap3A_42], %or3A {strides = array<i32>} : memref<2048xi32, #tpu.memory_space<vmem>>, vector<16xi32>,
      %min3A_44 = arith.minsi %scan3A_30, %or3A : vector<16xi32>
      scf.yield %min3A_44 : vector<16xi32>
    }
    %scan3A_27 = arith.constant 128 : i32
    %swap3A = arith.constant 0 : index
    %swap3A_28 = tpu.vector_load %arg10[%swap3A] {strides = array<i32>} : memref<16xi32, #tpu.memory_space<vmem>>, vector<16xi32>,
    tpu.vector_store %arg10[%swap3A], %scan3A_26 {strides = array<i32>} : memref<16xi32, #tpu.memory_space<vmem>>, vector<16xi32>,
    "tpu.region"() ({
      %run_scoped3A = tpu.sem_alloc : memref<!tpu.dma_semaphore, #tpu.memory_space<semaphore_mem>>
      %dma_start3A = tpu.memref_slice %arg4[%mul3A_2] : memref<65536xi32, #tpu.memory_space<hbm>> -> memref<2048xi32, #tpu.memory_space<hbm>>
      %dma_start3A_29 = tpu.memref_slice %arg4[%mul3A_2] : memref<65536xi32, #tpu.memory_space<hbm>> -> memref<2048xi32, #tpu.memory_space<hbm>>
      tpu.enqueue_dma source(%arg8 : memref<2048xi32, #tpu.memory_space<vmem>>) target(%dma_start3A_29 : memref<2048xi32, #tpu.memory_space<hbm>>) target_semaphore(%run_scoped3A : memref<!tpu.dma_semaphore, #tpu.memory_space<semaphore_mem>>)
      %dma_wait3A = tpu.memref_slice %arg4[%mul3A_2] : memref<65536xi32, #tpu.memory_space<hbm>> -> memref<2048xi32, #tpu.memory_space<hbm>>
      %dma_wait3A_30 = tpu.memref_slice %arg4[%mul3A_2] : memref<65536xi32, #tpu.memory_space<hbm>> -> memref<2048xi32, #tpu.memory_space<hbm>>
      tpu.wait_dma2 semaphore(%run_scoped3A : memref<!tpu.dma_semaphore, #tpu.memory_space<semaphore_mem>>) src(%arg8 : memref<2048xi32, #tpu.memory_space<vmem>>) dst(%dma_wait3A_30 : memref<2048xi32, #tpu.memory_space<hbm>>)
      tpu.yield
    }) : () -> ()
    "tpu.region"() ({
      %run_scoped3A = tpu.sem_alloc : memref<!tpu.dma_semaphore, #tpu.memory_space<semaphore_mem>>
      %dma_start3A = tpu.memref_slice %arg5[%mul3A_2] : memref<65536xi32, #tpu.memory_space<hbm>> -> memref<2048xi32, #tpu.memory_space<hbm>>
      %dma_start3A_29 = tpu.memref_slice %arg5[%mul3A_2] : memref<65536xi32, #tpu.memory_space<hbm>> -> memref<2048xi32, #tpu.memory_space<hbm>>
      tpu.enqueue_dma source(%arg9 : memref<2048xi32, #tpu.memory_space<vmem>>) target(%dma_start3A_29 : memref<2048xi32, #tpu.memory_space<hbm>>) target_semaphore(%run_scoped3A : memref<!tpu.dma_semaphore, #tpu.memory_space<semaphore_mem>>)
      %dma_wait3A = tpu.memref_slice %arg5[%mul3A_2] : memref<65536xi32, #tpu.memory_space<hbm>> -> memref<2048xi32, #tpu.memory_space<hbm>>
      %dma_wait3A_30 = tpu.memref_slice %arg5[%mul3A_2] : memref<65536xi32, #tpu.memory_space<hbm>> -> memref<2048xi32, #tpu.memory_space<hbm>>
      tpu.wait_dma2 semaphore(%run_scoped3A : memref<!tpu.dma_semaphore, #tpu.memory_space<semaphore_mem>>) src(%arg9 : memref<2048xi32, #tpu.memory_space<vmem>>) dst(%dma_wait3A_30 : memref<2048xi32, #tpu.memory_space<hbm>>)
      tpu.yield
    }) : () -> ()
    "tpu.region"() ({
      %run_scoped3A = tpu.sem_alloc : memref<!tpu.dma_semaphore, #tpu.memory_space<semaphore_mem>>
      %dma_start3A = arith.constant 0 : i32
      %dma_start3A_29 = tpu.memref_slice %arg6[%add3A, %dma_start3A] : memref<32x16xi32, #tpu.memory_space<hbm>> -> memref<1x16xi32, #tpu.memory_space<hbm>>
      %dma_start3A_30 = tpu.memref_squeeze %dma_start3A_29 : memref<1x16xi32, #tpu.memory_space<hbm>> -> memref<16xi32, #tpu.memory_space<hbm>>
      %dma_start3A_31 = arith.constant 0 : i32
      %dma_start3A_32 = tpu.memref_slice %arg6[%add3A, %dma_start3A_31] : memref<32x16xi32, #tpu.memory_space<hbm>> -> memref<1x16xi32, #tpu.memory_space<hbm>>
      %dma_start3A_33 = tpu.memref_squeeze %dma_start3A_32 : memref<1x16xi32, #tpu.memory_space<hbm>> -> memref<16xi32, #tpu.memory_space<hbm>>
      tpu.enqueue_dma source(%arg10 : memref<16xi32, #tpu.memory_space<vmem>>) target(%dma_start3A_33 : memref<16xi32, #tpu.memory_space<hbm>>) target_semaphore(%run_scoped3A : memref<!tpu.dma_semaphore, #tpu.memory_space<semaphore_mem>>)
      %dma_wait3A = arith.constant 0 : i32
      %dma_wait3A_34 = tpu.memref_slice %arg6[%add3A, %dma_wait3A] : memref<32x16xi32, #tpu.memory_space<hbm>> -> memref<1x16xi32, #tpu.memory_space<hbm>>
      %dma_wait3A_35 = tpu.memref_squeeze %dma_wait3A_34 : memref<1x16xi32, #tpu.memory_space<hbm>> -> memref<16xi32, #tpu.memory_space<hbm>>
      %dma_wait3A_36 = arith.constant 0 : i32
      %dma_wait3A_37 = tpu.memref_slice %arg6[%add3A, %dma_wait3A_36] : memref<32x16xi32, #tpu.memory_space<hbm>> -> memref<1x16xi32, #tpu.memory_space<hbm>>
      %dma_wait3A_38 = tpu.memref_squeeze %dma_wait3A_37 : memref<1x16xi32, #tpu.memory_space<hbm>> -> memref<16xi32, #tpu.memory_space<hbm>>
      tpu.wait_dma2 semaphore(%run_scoped3A : memref<!tpu.dma_semaphore, #tpu.memory_space<semaphore_mem>>) src(%arg10 : memref<16xi32, #tpu.memory_space<vmem>>) dst(%dma_wait3A_38 : memref<16xi32, #tpu.memory_space<hbm>>)
      tpu.yield
    }) : () -> ()
    return
  }
}

#map = affine_map<(d0, d1) -> (0, 0)>
#map1 = affine_map<(d0, d1) -> (0)>
module attributes {stable_mosaic.version = 14 : i64} {
  func.func @new_body(%arg0: i32, %arg1: i32, %arg2: memref<65536x1024xf32, #tpu.memory_space<hbm>>, %arg3: memref<16384x1024xf32, #tpu.memory_space<hbm>>, %arg4: memref<16384xi32, #tpu.memory_space<hbm>>, %arg5: memref<65536xi32, #tpu.memory_space<hbm>>, %arg6: memref<65536x1024xf32, #tpu.memory_space<hbm>>, %arg7: memref<512xi32, #tpu.memory_space<vmem>>, %arg8: memref<512xi32, #tpu.memory_space<vmem>>, %arg9: memref<16x32xi32, #tpu.memory_space<vmem>>, %arg10: memref<32x1024xf32, #tpu.memory_space<vmem>>, %arg11: memref<32x1024xf32, #tpu.memory_space<vmem>>, %arg12: memref<32x1024xf32, #tpu.memory_space<vmem>>, %arg13: memref<!tpu.dma_semaphore, #tpu.memory_space<semaphore_mem>>, %arg14: memref<!tpu.dma_semaphore, #tpu.memory_space<semaphore_mem>>, %arg15: memref<!tpu.dma_semaphore, #tpu.memory_space<semaphore_mem>>, %arg16: memref<!tpu.dma_semaphore, #tpu.memory_space<semaphore_mem>>, %arg17: memref<!tpu.dma_semaphore, #tpu.memory_space<semaphore_mem>>, %arg18: memref<!tpu.dma_semaphore, #tpu.memory_space<semaphore_mem>>) attributes {dimension_semantics = [#tpu.dimension_semantics<core_parallel>, #tpu.dimension_semantics<subcore_parallel>], iteration_bounds = array<i64: 2, 16>, scalar_prefetch = 0 : i64, scratch_operands = 12 : i64, tpu.core_type = #tpu.core_type<sc_vector_subcore>, window_params = [{transform_indices = #map}, {transform_indices = #map}, {transform_indices = #map1}, {transform_indices = #map1}, {transform_indices = #map}]} {
    %mul3A = arith.constant 16 : i32
    %mul3A_0 = arith.muli %arg0, %mul3A : i32
    %add3A = arith.addi %mul3A_0, %arg1 : i32
    %mul3A_1 = arith.constant 512 : i32
    %mul3A_2 = arith.muli %add3A, %mul3A_1 : i32
    "tpu.region"() ({
      %run_scoped3A = tpu.sem_alloc : memref<!tpu.dma_semaphore, #tpu.memory_space<semaphore_mem>>
      %dma_start3A_623 = tpu.memref_slice %arg4[%mul3A_2] : memref<16384xi32, #tpu.memory_space<hbm>> -> memref<512xi32, #tpu.memory_space<hbm>>
      %dma_start3A_624 = tpu.memref_slice %arg4[%mul3A_2] : memref<16384xi32, #tpu.memory_space<hbm>> -> memref<512xi32, #tpu.memory_space<hbm>>
      tpu.enqueue_dma source(%dma_start3A_624 : memref<512xi32, #tpu.memory_space<hbm>>) target(%arg7 : memref<512xi32, #tpu.memory_space<vmem>>) target_semaphore(%run_scoped3A : memref<!tpu.dma_semaphore, #tpu.memory_space<semaphore_mem>>)
      %dma_wait3A_625 = tpu.memref_slice %arg4[%mul3A_2] : memref<16384xi32, #tpu.memory_space<hbm>> -> memref<512xi32, #tpu.memory_space<hbm>>
      %dma_wait3A_626 = tpu.memref_slice %arg4[%mul3A_2] : memref<16384xi32, #tpu.memory_space<hbm>> -> memref<512xi32, #tpu.memory_space<hbm>>
      tpu.wait_dma2 semaphore(%run_scoped3A : memref<!tpu.dma_semaphore, #tpu.memory_space<semaphore_mem>>) src(%dma_wait3A_626 : memref<512xi32, #tpu.memory_space<hbm>>) dst(%arg7 : memref<512xi32, #tpu.memory_space<vmem>>)
      tpu.yield
    }) : () -> ()
    %dma_start3A = arith.constant 0 : i32
    %dma_start3A_3 = tpu.memref_slice %arg8[%dma_start3A] : memref<512xi32, #tpu.memory_space<vmem>> -> memref<128xi32, #tpu.memory_space<vmem>>
    %dma_start3A_4 = arith.constant 0 : i32
    %dma_start3A_5 = tpu.memref_slice %arg7[%dma_start3A_4] : memref<512xi32, #tpu.memory_space<vmem>> -> memref<128xi32, #tpu.memory_space<vmem>>
    %dma_start3A_6 = arith.constant 0 : i32
    %dma_start3A_7 = tpu.memref_slice %arg5[%dma_start3A_6] : memref<65536xi32, #tpu.memory_space<hbm>> -> memref<65536xi32, #tpu.memory_space<hbm>>
    tpu.enqueue_indirect_dma source(%dma_start3A_7 : memref<65536xi32, #tpu.memory_space<hbm>>) target(%dma_start3A_3 : memref<128xi32, #tpu.memory_space<vmem>>) offsets(%dma_start3A_5 : memref<128xi32, #tpu.memory_space<vmem>>) semaphore(%arg13 : memref<!tpu.dma_semaphore, #tpu.memory_space<semaphore_mem>>)
    %dma_start3A_8 = arith.constant 128 : i32
    %dma_start3A_9 = tpu.memref_slice %arg8[%dma_start3A_8] : memref<512xi32, #tpu.memory_space<vmem>> -> memref<128xi32, #tpu.memory_space<vmem>>
    %dma_start3A_10 = arith.constant 128 : i32
    %dma_start3A_11 = tpu.memref_slice %arg7[%dma_start3A_10] : memref<512xi32, #tpu.memory_space<vmem>> -> memref<128xi32, #tpu.memory_space<vmem>>
    %dma_start3A_12 = arith.constant 0 : i32
    %dma_start3A_13 = tpu.memref_slice %arg5[%dma_start3A_12] : memref<65536xi32, #tpu.memory_space<hbm>> -> memref<65536xi32, #tpu.memory_space<hbm>>
    tpu.enqueue_indirect_dma source(%dma_start3A_13 : memref<65536xi32, #tpu.memory_space<hbm>>) target(%dma_start3A_9 : memref<128xi32, #tpu.memory_space<vmem>>) offsets(%dma_start3A_11 : memref<128xi32, #tpu.memory_space<vmem>>) semaphore(%arg13 : memref<!tpu.dma_semaphore, #tpu.memory_space<semaphore_mem>>)
    %dma_start3A_14 = arith.constant 256 : i32
    %dma_start3A_15 = tpu.memref_slice %arg8[%dma_start3A_14] : memref<512xi32, #tpu.memory_space<vmem>> -> memref<128xi32, #tpu.memory_space<vmem>>
    %dma_start3A_16 = arith.constant 256 : i32
    %dma_start3A_17 = tpu.memref_slice %arg7[%dma_start3A_16] : memref<512xi32, #tpu.memory_space<vmem>> -> memref<128xi32, #tpu.memory_space<vmem>>
    %dma_start3A_18 = arith.constant 0 : i32
    %dma_start3A_19 = tpu.memref_slice %arg5[%dma_start3A_18] : memref<65536xi32, #tpu.memory_space<hbm>> -> memref<65536xi32, #tpu.memory_space<hbm>>
    tpu.enqueue_indirect_dma source(%dma_start3A_19 : memref<65536xi32, #tpu.memory_space<hbm>>) target(%dma_start3A_15 : memref<128xi32, #tpu.memory_space<vmem>>) offsets(%dma_start3A_17 : memref<128xi32, #tpu.memory_space<vmem>>) semaphore(%arg13 : memref<!tpu.dma_semaphore, #tpu.memory_space<semaphore_mem>>)
    %dma_start3A_20 = arith.constant 384 : i32
    %dma_start3A_21 = tpu.memref_slice %arg8[%dma_start3A_20] : memref<512xi32, #tpu.memory_space<vmem>> -> memref<128xi32, #tpu.memory_space<vmem>>
    %dma_start3A_22 = arith.constant 384 : i32
    %dma_start3A_23 = tpu.memref_slice %arg7[%dma_start3A_22] : memref<512xi32, #tpu.memory_space<vmem>> -> memref<128xi32, #tpu.memory_space<vmem>>
    %dma_start3A_24 = arith.constant 0 : i32
    %dma_start3A_25 = tpu.memref_slice %arg5[%dma_start3A_24] : memref<65536xi32, #tpu.memory_space<hbm>> -> memref<65536xi32, #tpu.memory_space<hbm>>
    tpu.enqueue_indirect_dma source(%dma_start3A_25 : memref<65536xi32, #tpu.memory_space<hbm>>) target(%dma_start3A_21 : memref<128xi32, #tpu.memory_space<vmem>>) offsets(%dma_start3A_23 : memref<128xi32, #tpu.memory_space<vmem>>) semaphore(%arg13 : memref<!tpu.dma_semaphore, #tpu.memory_space<semaphore_mem>>)
    %get3A = arith.constant 0 : index
    %get3A_26 = tpu.vector_load %arg7[%get3A] {strides = array<i32>} : memref<512xi32, #tpu.memory_space<vmem>>, vector<16xi32>,
    %swap3A = arith.constant 0 : i32
    %swap3A_27 = arith.index_cast %swap3A : i32 to index
    %swap3A_28 = arith.constant 0 : index
    %swap3A_29 = tpu.vector_load %arg9[%swap3A_27, %swap3A_28] {strides = array<i32>} : memref<16x32xi32, #tpu.memory_space<vmem>>, vector<16xi32>,
    tpu.vector_store %arg9[%swap3A_27, %swap3A_28], %get3A_26 {strides = array<i32>} : memref<16x32xi32, #tpu.memory_space<vmem>>, vector<16xi32>,
    %get3A_30 = arith.constant 16 : index
    %get3A_31 = tpu.vector_load %arg7[%get3A_30] {strides = array<i32>} : memref<512xi32, #tpu.memory_space<vmem>>, vector<16xi32>,
    %swap3A_32 = arith.constant 0 : i32
    %swap3A_33 = arith.index_cast %swap3A_32 : i32 to index
    %swap3A_34 = arith.constant 16 : index
    %swap3A_35 = tpu.vector_load %arg9[%swap3A_33, %swap3A_34] {strides = array<i32>} : memref<16x32xi32, #tpu.memory_space<vmem>>, vector<16xi32>,
    tpu.vector_store %arg9[%swap3A_33, %swap3A_34], %get3A_31 {strides = array<i32>} : memref<16x32xi32, #tpu.memory_space<vmem>>, vector<16xi32>,
    %get3A_36 = arith.constant 32 : index
    %get3A_37 = tpu.vector_load %arg7[%get3A_36] {strides = array<i32>} : memref<512xi32, #tpu.memory_space<vmem>>, vector<16xi32>,
    %swap3A_38 = arith.constant 1 : i32
    %swap3A_39 = arith.index_cast %swap3A_38 : i32 to index
    %swap3A_40 = arith.constant 0 : index
    %swap3A_41 = tpu.vector_load %arg9[%swap3A_39, %swap3A_40] {strides = array<i32>} : memref<16x32xi32, #tpu.memory_space<vmem>>, vector<16xi32>,
    tpu.vector_store %arg9[%swap3A_39, %swap3A_40], %get3A_37 {strides = array<i32>} : memref<16x32xi32, #tpu.memory_space<vmem>>, vector<16xi32>,
    %get3A_42 = arith.constant 48 : index
    %get3A_43 = tpu.vector_load %arg7[%get3A_42] {strides = array<i32>} : memref<512xi32, #tpu.memory_space<vmem>>, vector<16xi32>,
    %swap3A_44 = arith.constant 1 : i32
    %swap3A_45 = arith.index_cast %swap3A_44 : i32 to index
    %swap3A_46 = arith.constant 16 : index
    %swap3A_47 = tpu.vector_load %arg9[%swap3A_45, %swap3A_46] {strides = array<i32>} : memref<16x32xi32, #tpu.memory_space<vmem>>, vector<16xi32>,
    tpu.vector_store %arg9[%swap3A_45, %swap3A_46], %get3A_43 {strides = array<i32>} : memref<16x32xi32, #tpu.memory_space<vmem>>, vector<16xi32>,
    %get3A_48 = arith.constant 64 : index
    %get3A_49 = tpu.vector_load %arg7[%get3A_48] {strides = array<i32>} : memref<512xi32, #tpu.memory_space<vmem>>, vector<16xi32>,
    %swap3A_50 = arith.constant 2 : i32
    %swap3A_51 = arith.index_cast %swap3A_50 : i32 to index
    %swap3A_52 = arith.constant 0 : index
    %swap3A_53 = tpu.vector_load %arg9[%swap3A_51, %swap3A_52] {strides = array<i32>} : memref<16x32xi32, #tpu.memory_space<vmem>>, vector<16xi32>,
    tpu.vector_store %arg9[%swap3A_51, %swap3A_52], %get3A_49 {strides = array<i32>} : memref<16x32xi32, #tpu.memory_space<vmem>>, vector<16xi32>,
    %get3A_54 = arith.constant 80 : index
    %get3A_55 = tpu.vector_load %arg7[%get3A_54] {strides = array<i32>} : memref<512xi32, #tpu.memory_space<vmem>>, vector<16xi32>,
    %swap3A_56 = arith.constant 2 : i32
    %swap3A_57 = arith.index_cast %swap3A_56 : i32 to index
    %swap3A_58 = arith.constant 16 : index
    %swap3A_59 = tpu.vector_load %arg9[%swap3A_57, %swap3A_58] {strides = array<i32>} : memref<16x32xi32, #tpu.memory_space<vmem>>, vector<16xi32>,
    tpu.vector_store %arg9[%swap3A_57, %swap3A_58], %get3A_55 {strides = array<i32>} : memref<16x32xi32, #tpu.memory_space<vmem>>, vector<16xi32>,
    %get3A_60 = arith.constant 96 : index
    %get3A_61 = tpu.vector_load %arg7[%get3A_60] {strides = array<i32>} : memref<512xi32, #tpu.memory_space<vmem>>, vector<16xi32>,
    %swap3A_62 = arith.constant 3 : i32
    %swap3A_63 = arith.index_cast %swap3A_62 : i32 to index
    %swap3A_64 = arith.constant 0 : index
    %swap3A_65 = tpu.vector_load %arg9[%swap3A_63, %swap3A_64] {strides = array<i32>} : memref<16x32xi32, #tpu.memory_space<vmem>>, vector<16xi32>,
    tpu.vector_store %arg9[%swap3A_63, %swap3A_64], %get3A_61 {strides = array<i32>} : memref<16x32xi32, #tpu.memory_space<vmem>>, vector<16xi32>,
    %get3A_66 = arith.constant 112 : index
    %get3A_67 = tpu.vector_load %arg7[%get3A_66] {strides = array<i32>} : memref<512xi32, #tpu.memory_space<vmem>>, vector<16xi32>,
    %swap3A_68 = arith.constant 3 : i32
    %swap3A_69 = arith.index_cast %swap3A_68 : i32 to index
    %swap3A_70 = arith.constant 16 : index
    %swap3A_71 = tpu.vector_load %arg9[%swap3A_69, %swap3A_70] {strides = array<i32>} : memref<16x32xi32, #tpu.memory_space<vmem>>, vector<16xi32>,
    tpu.vector_store %arg9[%swap3A_69, %swap3A_70], %get3A_67 {strides = array<i32>} : memref<16x32xi32, #tpu.memory_space<vmem>>, vector<16xi32>,
    %get3A_72 = arith.constant 128 : index
    %get3A_73 = tpu.vector_load %arg7[%get3A_72] {strides = array<i32>} : memref<512xi32, #tpu.memory_space<vmem>>, vector<16xi32>,
    %swap3A_74 = arith.constant 4 : i32
    %swap3A_75 = arith.index_cast %swap3A_74 : i32 to index
    %swap3A_76 = arith.constant 0 : index
    %swap3A_77 = tpu.vector_load %arg9[%swap3A_75, %swap3A_76] {strides = array<i32>} : memref<16x32xi32, #tpu.memory_space<vmem>>, vector<16xi32>,
    tpu.vector_store %arg9[%swap3A_75, %swap3A_76], %get3A_73 {strides = array<i32>} : memref<16x32xi32, #tpu.memory_space<vmem>>, vector<16xi32>,
    %get3A_78 = arith.constant 144 : index
    %get3A_79 = tpu.vector_load %arg7[%get3A_78] {strides = array<i32>} : memref<512xi32, #tpu.memory_space<vmem>>, vector<16xi32>,
    %swap3A_80 = arith.constant 4 : i32
    %swap3A_81 = arith.index_cast %swap3A_80 : i32 to index
    %swap3A_82 = arith.constant 16 : index
    %swap3A_83 = tpu.vector_load %arg9[%swap3A_81, %swap3A_82] {strides = array<i32>} : memref<16x32xi32, #tpu.memory_space<vmem>>, vector<16xi32>,
    tpu.vector_store %arg9[%swap3A_81, %swap3A_82], %get3A_79 {strides = array<i32>} : memref<16x32xi32, #tpu.memory_space<vmem>>, vector<16xi32>,
    %get3A_84 = arith.constant 160 : index
    %get3A_85 = tpu.vector_load %arg7[%get3A_84] {strides = array<i32>} : memref<512xi32, #tpu.memory_space<vmem>>, vector<16xi32>,
    %swap3A_86 = arith.constant 5 : i32
    %swap3A_87 = arith.index_cast %swap3A_86 : i32 to index
    %swap3A_88 = arith.constant 0 : index
    %swap3A_89 = tpu.vector_load %arg9[%swap3A_87, %swap3A_88] {strides = array<i32>} : memref<16x32xi32, #tpu.memory_space<vmem>>, vector<16xi32>,
    tpu.vector_store %arg9[%swap3A_87, %swap3A_88], %get3A_85 {strides = array<i32>} : memref<16x32xi32, #tpu.memory_space<vmem>>, vector<16xi32>,
    %get3A_90 = arith.constant 176 : index
    %get3A_91 = tpu.vector_load %arg7[%get3A_90] {strides = array<i32>} : memref<512xi32, #tpu.memory_space<vmem>>, vector<16xi32>,
    %swap3A_92 = arith.constant 5 : i32
    %swap3A_93 = arith.index_cast %swap3A_92 : i32 to index
    %swap3A_94 = arith.constant 16 : index
    %swap3A_95 = tpu.vector_load %arg9[%swap3A_93, %swap3A_94] {strides = array<i32>} : memref<16x32xi32, #tpu.memory_space<vmem>>, vector<16xi32>,
    tpu.vector_store %arg9[%swap3A_93, %swap3A_94], %get3A_91 {strides = array<i32>} : memref<16x32xi32, #tpu.memory_space<vmem>>, vector<16xi32>,
    %get3A_96 = arith.constant 192 : index
    %get3A_97 = tpu.vector_load %arg7[%get3A_96] {strides = array<i32>} : memref<512xi32, #tpu.memory_space<vmem>>, vector<16xi32>,
    %swap3A_98 = arith.constant 6 : i32
    %swap3A_99 = arith.index_cast %swap3A_98 : i32 to index
    %swap3A_100 = arith.constant 0 : index
    %swap3A_101 = tpu.vector_load %arg9[%swap3A_99, %swap3A_100] {strides = array<i32>} : memref<16x32xi32, #tpu.memory_space<vmem>>, vector<16xi32>,
    tpu.vector_store %arg9[%swap3A_99, %swap3A_100], %get3A_97 {strides = array<i32>} : memref<16x32xi32, #tpu.memory_space<vmem>>, vector<16xi32>,
    %get3A_102 = arith.constant 208 : index
    %get3A_103 = tpu.vector_load %arg7[%get3A_102] {strides = array<i32>} : memref<512xi32, #tpu.memory_space<vmem>>, vector<16xi32>,
    %swap3A_104 = arith.constant 6 : i32
    %swap3A_105 = arith.index_cast %swap3A_104 : i32 to index
    %swap3A_106 = arith.constant 16 : index
    %swap3A_107 = tpu.vector_load %arg9[%swap3A_105, %swap3A_106] {strides = array<i32>} : memref<16x32xi32, #tpu.memory_space<vmem>>, vector<16xi32>,
    tpu.vector_store %arg9[%swap3A_105, %swap3A_106], %get3A_103 {strides = array<i32>} : memref<16x32xi32, #tpu.memory_space<vmem>>, vector<16xi32>,
    %get3A_108 = arith.constant 224 : index
    %get3A_109 = tpu.vector_load %arg7[%get3A_108] {strides = array<i32>} : memref<512xi32, #tpu.memory_space<vmem>>, vector<16xi32>,
    %swap3A_110 = arith.constant 7 : i32
    %swap3A_111 = arith.index_cast %swap3A_110 : i32 to index
    %swap3A_112 = arith.constant 0 : index
    %swap3A_113 = tpu.vector_load %arg9[%swap3A_111, %swap3A_112] {strides = array<i32>} : memref<16x32xi32, #tpu.memory_space<vmem>>, vector<16xi32>,
    tpu.vector_store %arg9[%swap3A_111, %swap3A_112], %get3A_109 {strides = array<i32>} : memref<16x32xi32, #tpu.memory_space<vmem>>, vector<16xi32>,
    %get3A_114 = arith.constant 240 : index
    %get3A_115 = tpu.vector_load %arg7[%get3A_114] {strides = array<i32>} : memref<512xi32, #tpu.memory_space<vmem>>, vector<16xi32>,
    %swap3A_116 = arith.constant 7 : i32
    %swap3A_117 = arith.index_cast %swap3A_116 : i32 to index
    %swap3A_118 = arith.constant 16 : index
    %swap3A_119 = tpu.vector_load %arg9[%swap3A_117, %swap3A_118] {strides = array<i32>} : memref<16x32xi32, #tpu.memory_space<vmem>>, vector<16xi32>,
    tpu.vector_store %arg9[%swap3A_117, %swap3A_118], %get3A_115 {strides = array<i32>} : memref<16x32xi32, #tpu.memory_space<vmem>>, vector<16xi32>,
    %get3A_120 = arith.constant 256 : index
    %get3A_121 = tpu.vector_load %arg7[%get3A_120] {strides = array<i32>} : memref<512xi32, #tpu.memory_space<vmem>>, vector<16xi32>,
    %swap3A_122 = arith.constant 8 : i32
    %swap3A_123 = arith.index_cast %swap3A_122 : i32 to index
    %swap3A_124 = arith.constant 0 : index
    %swap3A_125 = tpu.vector_load %arg9[%swap3A_123, %swap3A_124] {strides = array<i32>} : memref<16x32xi32, #tpu.memory_space<vmem>>, vector<16xi32>,
    tpu.vector_store %arg9[%swap3A_123, %swap3A_124], %get3A_121 {strides = array<i32>} : memref<16x32xi32, #tpu.memory_space<vmem>>, vector<16xi32>,
    %get3A_126 = arith.constant 272 : index
    %get3A_127 = tpu.vector_load %arg7[%get3A_126] {strides = array<i32>} : memref<512xi32, #tpu.memory_space<vmem>>, vector<16xi32>,
    %swap3A_128 = arith.constant 8 : i32
    %swap3A_129 = arith.index_cast %swap3A_128 : i32 to index
    %swap3A_130 = arith.constant 16 : index
    %swap3A_131 = tpu.vector_load %arg9[%swap3A_129, %swap3A_130] {strides = array<i32>} : memref<16x32xi32, #tpu.memory_space<vmem>>, vector<16xi32>,
    tpu.vector_store %arg9[%swap3A_129, %swap3A_130], %get3A_127 {strides = array<i32>} : memref<16x32xi32, #tpu.memory_space<vmem>>, vector<16xi32>,
    %get3A_132 = arith.constant 288 : index
    %get3A_133 = tpu.vector_load %arg7[%get3A_132] {strides = array<i32>} : memref<512xi32, #tpu.memory_space<vmem>>, vector<16xi32>,
    %swap3A_134 = arith.constant 9 : i32
    %swap3A_135 = arith.index_cast %swap3A_134 : i32 to index
    %swap3A_136 = arith.constant 0 : index
    %swap3A_137 = tpu.vector_load %arg9[%swap3A_135, %swap3A_136] {strides = array<i32>} : memref<16x32xi32, #tpu.memory_space<vmem>>, vector<16xi32>,
    tpu.vector_store %arg9[%swap3A_135, %swap3A_136], %get3A_133 {strides = array<i32>} : memref<16x32xi32, #tpu.memory_space<vmem>>, vector<16xi32>,
    %get3A_138 = arith.constant 304 : index
    %get3A_139 = tpu.vector_load %arg7[%get3A_138] {strides = array<i32>} : memref<512xi32, #tpu.memory_space<vmem>>, vector<16xi32>,
    %swap3A_140 = arith.constant 9 : i32
    %swap3A_141 = arith.index_cast %swap3A_140 : i32 to index
    %swap3A_142 = arith.constant 16 : index
    %swap3A_143 = tpu.vector_load %arg9[%swap3A_141, %swap3A_142] {strides = array<i32>} : memref<16x32xi32, #tpu.memory_space<vmem>>, vector<16xi32>,
    tpu.vector_store %arg9[%swap3A_141, %swap3A_142], %get3A_139 {strides = array<i32>} : memref<16x32xi32, #tpu.memory_space<vmem>>, vector<16xi32>,
    %get3A_144 = arith.constant 320 : index
    %get3A_145 = tpu.vector_load %arg7[%get3A_144] {strides = array<i32>} : memref<512xi32, #tpu.memory_space<vmem>>, vector<16xi32>,
    %swap3A_146 = arith.constant 10 : i32
    %swap3A_147 = arith.index_cast %swap3A_146 : i32 to index
    %swap3A_148 = arith.constant 0 : index
    %swap3A_149 = tpu.vector_load %arg9[%swap3A_147, %swap3A_148] {strides = array<i32>} : memref<16x32xi32, #tpu.memory_space<vmem>>, vector<16xi32>,
    tpu.vector_store %arg9[%swap3A_147, %swap3A_148], %get3A_145 {strides = array<i32>} : memref<16x32xi32, #tpu.memory_space<vmem>>, vector<16xi32>,
    %get3A_150 = arith.constant 336 : index
    %get3A_151 = tpu.vector_load %arg7[%get3A_150] {strides = array<i32>} : memref<512xi32, #tpu.memory_space<vmem>>, vector<16xi32>,
    %swap3A_152 = arith.constant 10 : i32
    %swap3A_153 = arith.index_cast %swap3A_152 : i32 to index
    %swap3A_154 = arith.constant 16 : index
    %swap3A_155 = tpu.vector_load %arg9[%swap3A_153, %swap3A_154] {strides = array<i32>} : memref<16x32xi32, #tpu.memory_space<vmem>>, vector<16xi32>,
    tpu.vector_store %arg9[%swap3A_153, %swap3A_154], %get3A_151 {strides = array<i32>} : memref<16x32xi32, #tpu.memory_space<vmem>>, vector<16xi32>,
    %get3A_156 = arith.constant 352 : index
    %get3A_157 = tpu.vector_load %arg7[%get3A_156] {strides = array<i32>} : memref<512xi32, #tpu.memory_space<vmem>>, vector<16xi32>,
    %swap3A_158 = arith.constant 11 : i32
    %swap3A_159 = arith.index_cast %swap3A_158 : i32 to index
    %swap3A_160 = arith.constant 0 : index
    %swap3A_161 = tpu.vector_load %arg9[%swap3A_159, %swap3A_160] {strides = array<i32>} : memref<16x32xi32, #tpu.memory_space<vmem>>, vector<16xi32>,
    tpu.vector_store %arg9[%swap3A_159, %swap3A_160], %get3A_157 {strides = array<i32>} : memref<16x32xi32, #tpu.memory_space<vmem>>, vector<16xi32>,
    %get3A_162 = arith.constant 368 : index
    %get3A_163 = tpu.vector_load %arg7[%get3A_162] {strides = array<i32>} : memref<512xi32, #tpu.memory_space<vmem>>, vector<16xi32>,
    %swap3A_164 = arith.constant 11 : i32
    %swap3A_165 = arith.index_cast %swap3A_164 : i32 to index
    %swap3A_166 = arith.constant 16 : index
    %swap3A_167 = tpu.vector_load %arg9[%swap3A_165, %swap3A_166] {strides = array<i32>} : memref<16x32xi32, #tpu.memory_space<vmem>>, vector<16xi32>,
    tpu.vector_store %arg9[%swap3A_165, %swap3A_166], %get3A_163 {strides = array<i32>} : memref<16x32xi32, #tpu.memory_space<vmem>>, vector<16xi32>,
    %get3A_168 = arith.constant 384 : index
    %get3A_169 = tpu.vector_load %arg7[%get3A_168] {strides = array<i32>} : memref<512xi32, #tpu.memory_space<vmem>>, vector<16xi32>,
    %swap3A_170 = arith.constant 12 : i32
    %swap3A_171 = arith.index_cast %swap3A_170 : i32 to index
    %swap3A_172 = arith.constant 0 : index
    %swap3A_173 = tpu.vector_load %arg9[%swap3A_171, %swap3A_172] {strides = array<i32>} : memref<16x32xi32, #tpu.memory_space<vmem>>, vector<16xi32>,
    tpu.vector_store %arg9[%swap3A_171, %swap3A_172], %get3A_169 {strides = array<i32>} : memref<16x32xi32, #tpu.memory_space<vmem>>, vector<16xi32>,
    %get3A_174 = arith.constant 400 : index
    %get3A_175 = tpu.vector_load %arg7[%get3A_174] {strides = array<i32>} : memref<512xi32, #tpu.memory_space<vmem>>, vector<16xi32>,
    %swap3A_176 = arith.constant 12 : i32
    %swap3A_177 = arith.index_cast %swap3A_176 : i32 to index
    %swap3A_178 = arith.constant 16 : index
    %swap3A_179 = tpu.vector_load %arg9[%swap3A_177, %swap3A_178] {strides = array<i32>} : memref<16x32xi32, #tpu.memory_space<vmem>>, vector<16xi32>,
    tpu.vector_store %arg9[%swap3A_177, %swap3A_178], %get3A_175 {strides = array<i32>} : memref<16x32xi32, #tpu.memory_space<vmem>>, vector<16xi32>,
    %get3A_180 = arith.constant 416 : index
    %get3A_181 = tpu.vector_load %arg7[%get3A_180] {strides = array<i32>} : memref<512xi32, #tpu.memory_space<vmem>>, vector<16xi32>,
    %swap3A_182 = arith.constant 13 : i32
    %swap3A_183 = arith.index_cast %swap3A_182 : i32 to index
    %swap3A_184 = arith.constant 0 : index
    %swap3A_185 = tpu.vector_load %arg9[%swap3A_183, %swap3A_184] {strides = array<i32>} : memref<16x32xi32, #tpu.memory_space<vmem>>, vector<16xi32>,
    tpu.vector_store %arg9[%swap3A_183, %swap3A_184], %get3A_181 {strides = array<i32>} : memref<16x32xi32, #tpu.memory_space<vmem>>, vector<16xi32>,
    %get3A_186 = arith.constant 432 : index
    %get3A_187 = tpu.vector_load %arg7[%get3A_186] {strides = array<i32>} : memref<512xi32, #tpu.memory_space<vmem>>, vector<16xi32>,
    %swap3A_188 = arith.constant 13 : i32
    %swap3A_189 = arith.index_cast %swap3A_188 : i32 to index
    %swap3A_190 = arith.constant 16 : index
    %swap3A_191 = tpu.vector_load %arg9[%swap3A_189, %swap3A_190] {strides = array<i32>} : memref<16x32xi32, #tpu.memory_space<vmem>>, vector<16xi32>,
    tpu.vector_store %arg9[%swap3A_189, %swap3A_190], %get3A_187 {strides = array<i32>} : memref<16x32xi32, #tpu.memory_space<vmem>>, vector<16xi32>,
    %get3A_192 = arith.constant 448 : index
    %get3A_193 = tpu.vector_load %arg7[%get3A_192] {strides = array<i32>} : memref<512xi32, #tpu.memory_space<vmem>>, vector<16xi32>,
    %swap3A_194 = arith.constant 14 : i32
    %swap3A_195 = arith.index_cast %swap3A_194 : i32 to index
    %swap3A_196 = arith.constant 0 : index
    %swap3A_197 = tpu.vector_load %arg9[%swap3A_195, %swap3A_196] {strides = array<i32>} : memref<16x32xi32, #tpu.memory_space<vmem>>, vector<16xi32>,
    tpu.vector_store %arg9[%swap3A_195, %swap3A_196], %get3A_193 {strides = array<i32>} : memref<16x32xi32, #tpu.memory_space<vmem>>, vector<16xi32>,
    %get3A_198 = arith.constant 464 : index
    %get3A_199 = tpu.vector_load %arg7[%get3A_198] {strides = array<i32>} : memref<512xi32, #tpu.memory_space<vmem>>, vector<16xi32>,
    %swap3A_200 = arith.constant 14 : i32
    %swap3A_201 = arith.index_cast %swap3A_200 : i32 to index
    %swap3A_202 = arith.constant 16 : index
    %swap3A_203 = tpu.vector_load %arg9[%swap3A_201, %swap3A_202] {strides = array<i32>} : memref<16x32xi32, #tpu.memory_space<vmem>>, vector<16xi32>,
    tpu.vector_store %arg9[%swap3A_201, %swap3A_202], %get3A_199 {strides = array<i32>} : memref<16x32xi32, #tpu.memory_space<vmem>>, vector<16xi32>,
    %get3A_204 = arith.constant 480 : index
    %get3A_205 = tpu.vector_load %arg7[%get3A_204] {strides = array<i32>} : memref<512xi32, #tpu.memory_space<vmem>>, vector<16xi32>,
    %swap3A_206 = arith.constant 15 : i32
    %swap3A_207 = arith.index_cast %swap3A_206 : i32 to index
    %swap3A_208 = arith.constant 0 : index
    %swap3A_209 = tpu.vector_load %arg9[%swap3A_207, %swap3A_208] {strides = array<i32>} : memref<16x32xi32, #tpu.memory_space<vmem>>, vector<16xi32>,
    tpu.vector_store %arg9[%swap3A_207, %swap3A_208], %get3A_205 {strides = array<i32>} : memref<16x32xi32, #tpu.memory_space<vmem>>, vector<16xi32>,
    %get3A_210 = arith.constant 496 : index
    %get3A_211 = tpu.vector_load %arg7[%get3A_210] {strides = array<i32>} : memref<512xi32, #tpu.memory_space<vmem>>, vector<16xi32>,
    %swap3A_212 = arith.constant 15 : i32
    %swap3A_213 = arith.index_cast %swap3A_212 : i32 to index
    %swap3A_214 = arith.constant 16 : index
    %swap3A_215 = tpu.vector_load %arg9[%swap3A_213, %swap3A_214] {strides = array<i32>} : memref<16x32xi32, #tpu.memory_space<vmem>>, vector<16xi32>,
    tpu.vector_store %arg9[%swap3A_213, %swap3A_214], %get3A_211 {strides = array<i32>} : memref<16x32xi32, #tpu.memory_space<vmem>>, vector<16xi32>,
    %dma_wait3A = arith.constant 0 : i32
    %dma_wait3A_216 = tpu.memref_slice %arg8[%dma_wait3A] : memref<512xi32, #tpu.memory_space<vmem>> -> memref<128xi32, #tpu.memory_space<vmem>>
    %dma_wait3A_217 = arith.constant 0 : i32
    %dma_wait3A_218 = tpu.memref_slice %arg7[%dma_wait3A_217] : memref<512xi32, #tpu.memory_space<vmem>> -> memref<128xi32, #tpu.memory_space<vmem>>
    %dma_wait3A_219 = arith.constant 0 : i32
    %dma_wait3A_220 = tpu.memref_slice %arg5[%dma_wait3A_219] : memref<65536xi32, #tpu.memory_space<hbm>> -> memref<65536xi32, #tpu.memory_space<hbm>>
    tpu.wait_indirect_dma semaphore(%arg13 : memref<!tpu.dma_semaphore, #tpu.memory_space<semaphore_mem>>) src(%dma_wait3A_220 : memref<65536xi32, #tpu.memory_space<hbm>>) dst(%dma_wait3A_216 : memref<128xi32, #tpu.memory_space<vmem>>)
    %dma_wait3A_221 = arith.constant 128 : i32
    %dma_wait3A_222 = tpu.memref_slice %arg8[%dma_wait3A_221] : memref<512xi32, #tpu.memory_space<vmem>> -> memref<128xi32, #tpu.memory_space<vmem>>
    %dma_wait3A_223 = arith.constant 128 : i32
    %dma_wait3A_224 = tpu.memref_slice %arg7[%dma_wait3A_223] : memref<512xi32, #tpu.memory_space<vmem>> -> memref<128xi32, #tpu.memory_space<vmem>>
    %dma_wait3A_225 = arith.constant 0 : i32
    %dma_wait3A_226 = tpu.memref_slice %arg5[%dma_wait3A_225] : memref<65536xi32, #tpu.memory_space<hbm>> -> memref<65536xi32, #tpu.memory_space<hbm>>
    tpu.wait_indirect_dma semaphore(%arg13 : memref<!tpu.dma_semaphore, #tpu.memory_space<semaphore_mem>>) src(%dma_wait3A_226 : memref<65536xi32, #tpu.memory_space<hbm>>) dst(%dma_wait3A_222 : memref<128xi32, #tpu.memory_space<vmem>>)
    %dma_wait3A_227 = arith.constant 256 : i32
    %dma_wait3A_228 = tpu.memref_slice %arg8[%dma_wait3A_227] : memref<512xi32, #tpu.memory_space<vmem>> -> memref<128xi32, #tpu.memory_space<vmem>>
    %dma_wait3A_229 = arith.constant 256 : i32
    %dma_wait3A_230 = tpu.memref_slice %arg7[%dma_wait3A_229] : memref<512xi32, #tpu.memory_space<vmem>> -> memref<128xi32, #tpu.memory_space<vmem>>
    %dma_wait3A_231 = arith.constant 0 : i32
    %dma_wait3A_232 = tpu.memref_slice %arg5[%dma_wait3A_231] : memref<65536xi32, #tpu.memory_space<hbm>> -> memref<65536xi32, #tpu.memory_space<hbm>>
    tpu.wait_indirect_dma semaphore(%arg13 : memref<!tpu.dma_semaphore, #tpu.memory_space<semaphore_mem>>) src(%dma_wait3A_232 : memref<65536xi32, #tpu.memory_space<hbm>>) dst(%dma_wait3A_228 : memref<128xi32, #tpu.memory_space<vmem>>)
    %dma_wait3A_233 = arith.constant 384 : i32
    %dma_wait3A_234 = tpu.memref_slice %arg8[%dma_wait3A_233] : memref<512xi32, #tpu.memory_space<vmem>> -> memref<128xi32, #tpu.memory_space<vmem>>
    %dma_wait3A_235 = arith.constant 384 : i32
    %dma_wait3A_236 = tpu.memref_slice %arg7[%dma_wait3A_235] : memref<512xi32, #tpu.memory_space<vmem>> -> memref<128xi32, #tpu.memory_space<vmem>>
    %dma_wait3A_237 = arith.constant 0 : i32
    %dma_wait3A_238 = tpu.memref_slice %arg5[%dma_wait3A_237] : memref<65536xi32, #tpu.memory_space<hbm>> -> memref<65536xi32, #tpu.memory_space<hbm>>
    tpu.wait_indirect_dma semaphore(%arg13 : memref<!tpu.dma_semaphore, #tpu.memory_space<semaphore_mem>>) src(%dma_wait3A_238 : memref<65536xi32, #tpu.memory_space<hbm>>) dst(%dma_wait3A_234 : memref<128xi32, #tpu.memory_space<vmem>>)
    %dma_start3A_239 = arith.constant 0 : i32
    %dma_start3A_240 = tpu.memref_slice %arg8[%dma_start3A_239] : memref<512xi32, #tpu.memory_space<vmem>> -> memref<32xi32, #tpu.memory_space<vmem>>
    %dma_start3A_241 = arith.constant 0 : i32
    %dma_start3A_242 = arith.constant 0 : i32
    %dma_start3A_243 = tpu.memref_slice %arg3[%dma_start3A_241, %dma_start3A_242] : memref<16384x1024xf32, #tpu.memory_space<hbm>> -> memref<16384x1024xf32, #tpu.memory_space<hbm>>
    tpu.enqueue_indirect_dma source(%dma_start3A_243 : memref<16384x1024xf32, #tpu.memory_space<hbm>>) target(%arg10 : memref<32x1024xf32, #tpu.memory_space<vmem>>) offsets(%dma_start3A_240 : memref<32xi32, #tpu.memory_space<vmem>>) semaphore(%arg13 : memref<!tpu.dma_semaphore, #tpu.memory_space<semaphore_mem>>)
    %dma_start3A_244 = arith.constant 32 : i32
    %dma_start3A_245 = tpu.memref_slice %arg8[%dma_start3A_244] : memref<512xi32, #tpu.memory_space<vmem>> -> memref<32xi32, #tpu.memory_space<vmem>>
    %dma_start3A_246 = arith.constant 0 : i32
    %dma_start3A_247 = arith.constant 0 : i32
    %dma_start3A_248 = tpu.memref_slice %arg3[%dma_start3A_246, %dma_start3A_247] : memref<16384x1024xf32, #tpu.memory_space<hbm>> -> memref<16384x1024xf32, #tpu.memory_space<hbm>>
    tpu.enqueue_indirect_dma source(%dma_start3A_248 : memref<16384x1024xf32, #tpu.memory_space<hbm>>) target(%arg11 : memref<32x1024xf32, #tpu.memory_space<vmem>>) offsets(%dma_start3A_245 : memref<32xi32, #tpu.memory_space<vmem>>) semaphore(%arg14 : memref<!tpu.dma_semaphore, #tpu.memory_space<semaphore_mem>>)
    %dma_start3A_249 = arith.constant 64 : i32
    %dma_start3A_250 = tpu.memref_slice %arg8[%dma_start3A_249] : memref<512xi32, #tpu.memory_space<vmem>> -> memref<32xi32, #tpu.memory_space<vmem>>
    %dma_start3A_251 = arith.constant 0 : i32
    %dma_start3A_252 = arith.constant 0 : i32
    %dma_start3A_253 = tpu.memref_slice %arg3[%dma_start3A_251, %dma_start3A_252] : memref<16384x1024xf32, #tpu.memory_space<hbm>> -> memref<16384x1024xf32, #tpu.memory_space<hbm>>
    tpu.enqueue_indirect_dma source(%dma_start3A_253 : memref<16384x1024xf32, #tpu.memory_space<hbm>>) target(%arg12 : memref<32x1024xf32, #tpu.memory_space<vmem>>) offsets(%dma_start3A_250 : memref<32xi32, #tpu.memory_space<vmem>>) semaphore(%arg15 : memref<!tpu.dma_semaphore, #tpu.memory_space<semaphore_mem>>)
    %dma_wait3A_254 = arith.constant 0 : i32
    %dma_wait3A_255 = tpu.memref_slice %arg8[%dma_wait3A_254] : memref<512xi32, #tpu.memory_space<vmem>> -> memref<32xi32, #tpu.memory_space<vmem>>
    %dma_wait3A_256 = arith.constant 0 : i32
    %dma_wait3A_257 = arith.constant 0 : i32
    %dma_wait3A_258 = tpu.memref_slice %arg3[%dma_wait3A_256, %dma_wait3A_257] : memref<16384x1024xf32, #tpu.memory_space<hbm>> -> memref<16384x1024xf32, #tpu.memory_space<hbm>>
    tpu.wait_indirect_dma semaphore(%arg13 : memref<!tpu.dma_semaphore, #tpu.memory_space<semaphore_mem>>) src(%dma_wait3A_258 : memref<16384x1024xf32, #tpu.memory_space<hbm>>) dst(%arg10 : memref<32x1024xf32, #tpu.memory_space<vmem>>)
    %dma_start3A_259 = arith.constant 0 : i32
    %dma_start3A_260 = arith.constant 0 : i32
    %dma_start3A_261 = tpu.memref_slice %arg9[%dma_start3A_259, %dma_start3A_260] : memref<16x32xi32, #tpu.memory_space<vmem>> -> memref<1x32xi32, #tpu.memory_space<vmem>>
    %dma_start3A_262 = tpu.memref_squeeze %dma_start3A_261 : memref<1x32xi32, #tpu.memory_space<vmem>> -> memref<32xi32, #tpu.memory_space<vmem>>
    %dma_start3A_263 = arith.constant 0 : i32
    %dma_start3A_264 = arith.constant 0 : i32
    %dma_start3A_265 = tpu.memref_slice %arg2[%dma_start3A_263, %dma_start3A_264] : memref<65536x1024xf32, #tpu.memory_space<hbm>> -> memref<65536x1024xf32, #tpu.memory_space<hbm>>
    tpu.enqueue_indirect_dma source(%arg10 : memref<32x1024xf32, #tpu.memory_space<vmem>>) target(%dma_start3A_265 : memref<65536x1024xf32, #tpu.memory_space<hbm>>) offsets(%dma_start3A_262 : memref<32xi32, #tpu.memory_space<vmem>>) semaphore(%arg16 : memref<!tpu.dma_semaphore, #tpu.memory_space<semaphore_mem>>)
    %dma_wait3A_266 = arith.constant 0 : i32
    %dma_wait3A_267 = arith.constant 0 : i32
    %dma_wait3A_268 = tpu.memref_slice %arg9[%dma_wait3A_266, %dma_wait3A_267] : memref<16x32xi32, #tpu.memory_space<vmem>> -> memref<1x32xi32, #tpu.memory_space<vmem>>
    %dma_wait3A_269 = tpu.memref_squeeze %dma_wait3A_268 : memref<1x32xi32, #tpu.memory_space<vmem>> -> memref<32xi32, #tpu.memory_space<vmem>>
    %dma_wait3A_270 = arith.constant 0 : i32
    %dma_wait3A_271 = arith.constant 0 : i32
    %dma_wait3A_272 = tpu.memref_slice %arg2[%dma_wait3A_270, %dma_wait3A_271] : memref<65536x1024xf32, #tpu.memory_space<hbm>> -> memref<65536x1024xf32, #tpu.memory_space<hbm>>
    tpu.wait_indirect_dma semaphore(%arg16 : memref<!tpu.dma_semaphore, #tpu.memory_space<semaphore_mem>>) src(%arg10 : memref<32x1024xf32, #tpu.memory_space<vmem>>) dst(%dma_wait3A_272 : memref<65536x1024xf32, #tpu.memory_space<hbm>>)
    %dma_start3A_273 = arith.constant 96 : i32
    %dma_start3A_274 = tpu.memref_slice %arg8[%dma_start3A_273] : memref<512xi32, #tpu.memory_space<vmem>> -> memref<32xi32, #tpu.memory_space<vmem>>
    %dma_start3A_275 = arith.constant 0 : i32
    %dma_start3A_276 = arith.constant 0 : i32
    %dma_start3A_277 = tpu.memref_slice %arg3[%dma_start3A_275, %dma_start3A_276] : memref<16384x1024xf32, #tpu.memory_space<hbm>> -> memref<16384x1024xf32, #tpu.memory_space<hbm>>
    tpu.enqueue_indirect_dma source(%dma_start3A_277 : memref<16384x1024xf32, #tpu.memory_space<hbm>>) target(%arg10 : memref<32x1024xf32, #tpu.memory_space<vmem>>) offsets(%dma_start3A_274 : memref<32xi32, #tpu.memory_space<vmem>>) semaphore(%arg13 : memref<!tpu.dma_semaphore, #tpu.memory_space<semaphore_mem>>)
    %dma_wait3A_278 = arith.constant 32 : i32
    %dma_wait3A_279 = tpu.memref_slice %arg8[%dma_wait3A_278] : memref<512xi32, #tpu.memory_space<vmem>> -> memref<32xi32, #tpu.memory_space<vmem>>
    %dma_wait3A_280 = arith.constant 0 : i32
    %dma_wait3A_281 = arith.constant 0 : i32
    %dma_wait3A_282 = tpu.memref_slice %arg3[%dma_wait3A_280, %dma_wait3A_281] : memref<16384x1024xf32, #tpu.memory_space<hbm>> -> memref<16384x1024xf32, #tpu.memory_space<hbm>>
    tpu.wait_indirect_dma semaphore(%arg14 : memref<!tpu.dma_semaphore, #tpu.memory_space<semaphore_mem>>) src(%dma_wait3A_282 : memref<16384x1024xf32, #tpu.memory_space<hbm>>) dst(%arg11 : memref<32x1024xf32, #tpu.memory_space<vmem>>)
    %dma_start3A_283 = arith.constant 1 : i32
    %dma_start3A_284 = arith.constant 0 : i32
    %dma_start3A_285 = tpu.memref_slice %arg9[%dma_start3A_283, %dma_start3A_284] : memref<16x32xi32, #tpu.memory_space<vmem>> -> memref<1x32xi32, #tpu.memory_space<vmem>>
    %dma_start3A_286 = tpu.memref_squeeze %dma_start3A_285 : memref<1x32xi32, #tpu.memory_space<vmem>> -> memref<32xi32, #tpu.memory_space<vmem>>
    %dma_start3A_287 = arith.constant 0 : i32
    %dma_start3A_288 = arith.constant 0 : i32
    %dma_start3A_289 = tpu.memref_slice %arg2[%dma_start3A_287, %dma_start3A_288] : memref<65536x1024xf32, #tpu.memory_space<hbm>> -> memref<65536x1024xf32, #tpu.memory_space<hbm>>
    tpu.enqueue_indirect_dma source(%arg11 : memref<32x1024xf32, #tpu.memory_space<vmem>>) target(%dma_start3A_289 : memref<65536x1024xf32, #tpu.memory_space<hbm>>) offsets(%dma_start3A_286 : memref<32xi32, #tpu.memory_space<vmem>>) semaphore(%arg17 : memref<!tpu.dma_semaphore, #tpu.memory_space<semaphore_mem>>)
    %dma_wait3A_290 = arith.constant 1 : i32
    %dma_wait3A_291 = arith.constant 0 : i32
    %dma_wait3A_292 = tpu.memref_slice %arg9[%dma_wait3A_290, %dma_wait3A_291] : memref<16x32xi32, #tpu.memory_space<vmem>> -> memref<1x32xi32, #tpu.memory_space<vmem>>
    %dma_wait3A_293 = tpu.memref_squeeze %dma_wait3A_292 : memref<1x32xi32, #tpu.memory_space<vmem>> -> memref<32xi32, #tpu.memory_space<vmem>>
    %dma_wait3A_294 = arith.constant 0 : i32
    %dma_wait3A_295 = arith.constant 0 : i32
    %dma_wait3A_296 = tpu.memref_slice %arg2[%dma_wait3A_294, %dma_wait3A_295] : memref<65536x1024xf32, #tpu.memory_space<hbm>> -> memref<65536x1024xf32, #tpu.memory_space<hbm>>
    tpu.wait_indirect_dma semaphore(%arg17 : memref<!tpu.dma_semaphore, #tpu.memory_space<semaphore_mem>>) src(%arg11 : memref<32x1024xf32, #tpu.memory_space<vmem>>) dst(%dma_wait3A_296 : memref<65536x1024xf32, #tpu.memory_space<hbm>>)
    %dma_start3A_297 = arith.constant 128 : i32
    %dma_start3A_298 = tpu.memref_slice %arg8[%dma_start3A_297] : memref<512xi32, #tpu.memory_space<vmem>> -> memref<32xi32, #tpu.memory_space<vmem>>
    %dma_start3A_299 = arith.constant 0 : i32
    %dma_start3A_300 = arith.constant 0 : i32
    %dma_start3A_301 = tpu.memref_slice %arg3[%dma_start3A_299, %dma_start3A_300] : memref<16384x1024xf32, #tpu.memory_space<hbm>> -> memref<16384x1024xf32, #tpu.memory_space<hbm>>
    tpu.enqueue_indirect_dma source(%dma_start3A_301 : memref<16384x1024xf32, #tpu.memory_space<hbm>>) target(%arg11 : memref<32x1024xf32, #tpu.memory_space<vmem>>) offsets(%dma_start3A_298 : memref<32xi32, #tpu.memory_space<vmem>>) semaphore(%arg14 : memref<!tpu.dma_semaphore, #tpu.memory_space<semaphore_mem>>)
    %dma_wait3A_302 = arith.constant 64 : i32
    %dma_wait3A_303 = tpu.memref_slice %arg8[%dma_wait3A_302] : memref<512xi32, #tpu.memory_space<vmem>> -> memref<32xi32, #tpu.memory_space<vmem>>
    %dma_wait3A_304 = arith.constant 0 : i32
    %dma_wait3A_305 = arith.constant 0 : i32
    %dma_wait3A_306 = tpu.memref_slice %arg3[%dma_wait3A_304, %dma_wait3A_305] : memref<16384x1024xf32, #tpu.memory_space<hbm>> -> memref<16384x1024xf32, #tpu.memory_space<hbm>>
    tpu.wait_indirect_dma semaphore(%arg15 : memref<!tpu.dma_semaphore, #tpu.memory_space<semaphore_mem>>) src(%dma_wait3A_306 : memref<16384x1024xf32, #tpu.memory_space<hbm>>) dst(%arg12 : memref<32x1024xf32, #tpu.memory_space<vmem>>)
    %dma_start3A_307 = arith.constant 2 : i32
    %dma_start3A_308 = arith.constant 0 : i32
    %dma_start3A_309 = tpu.memref_slice %arg9[%dma_start3A_307, %dma_start3A_308] : memref<16x32xi32, #tpu.memory_space<vmem>> -> memref<1x32xi32, #tpu.memory_space<vmem>>
    %dma_start3A_310 = tpu.memref_squeeze %dma_start3A_309 : memref<1x32xi32, #tpu.memory_space<vmem>> -> memref<32xi32, #tpu.memory_space<vmem>>
    %dma_start3A_311 = arith.constant 0 : i32
    %dma_start3A_312 = arith.constant 0 : i32
    %dma_start3A_313 = tpu.memref_slice %arg2[%dma_start3A_311, %dma_start3A_312] : memref<65536x1024xf32, #tpu.memory_space<hbm>> -> memref<65536x1024xf32, #tpu.memory_space<hbm>>
    tpu.enqueue_indirect_dma source(%arg12 : memref<32x1024xf32, #tpu.memory_space<vmem>>) target(%dma_start3A_313 : memref<65536x1024xf32, #tpu.memory_space<hbm>>) offsets(%dma_start3A_310 : memref<32xi32, #tpu.memory_space<vmem>>) semaphore(%arg18 : memref<!tpu.dma_semaphore, #tpu.memory_space<semaphore_mem>>)
    %dma_wait3A_314 = arith.constant 2 : i32
    %dma_wait3A_315 = arith.constant 0 : i32
    %dma_wait3A_316 = tpu.memref_slice %arg9[%dma_wait3A_314, %dma_wait3A_315] : memref<16x32xi32, #tpu.memory_space<vmem>> -> memref<1x32xi32, #tpu.memory_space<vmem>>
    %dma_wait3A_317 = tpu.memref_squeeze %dma_wait3A_316 : memref<1x32xi32, #tpu.memory_space<vmem>> -> memref<32xi32, #tpu.memory_space<vmem>>
    %dma_wait3A_318 = arith.constant 0 : i32
    %dma_wait3A_319 = arith.constant 0 : i32
    %dma_wait3A_320 = tpu.memref_slice %arg2[%dma_wait3A_318, %dma_wait3A_319] : memref<65536x1024xf32, #tpu.memory_space<hbm>> -> memref<65536x1024xf32, #tpu.memory_space<hbm>>
    tpu.wait_indirect_dma semaphore(%arg18 : memref<!tpu.dma_semaphore, #tpu.memory_space<semaphore_mem>>) src(%arg12 : memref<32x1024xf32, #tpu.memory_space<vmem>>) dst(%dma_wait3A_320 : memref<65536x1024xf32, #tpu.memory_space<hbm>>)
    %dma_start3A_321 = arith.constant 160 : i32
    %dma_start3A_322 = tpu.memref_slice %arg8[%dma_start3A_321] : memref<512xi32, #tpu.memory_space<vmem>> -> memref<32xi32, #tpu.memory_space<vmem>>
    %dma_start3A_323 = arith.constant 0 : i32
    %dma_start3A_324 = arith.constant 0 : i32
    %dma_start3A_325 = tpu.memref_slice %arg3[%dma_start3A_323, %dma_start3A_324] : memref<16384x1024xf32, #tpu.memory_space<hbm>> -> memref<16384x1024xf32, #tpu.memory_space<hbm>>
    tpu.enqueue_indirect_dma source(%dma_start3A_325 : memref<16384x1024xf32, #tpu.memory_space<hbm>>) target(%arg12 : memref<32x1024xf32, #tpu.memory_space<vmem>>) offsets(%dma_start3A_322 : memref<32xi32, #tpu.memory_space<vmem>>) semaphore(%arg15 : memref<!tpu.dma_semaphore, #tpu.memory_space<semaphore_mem>>)
    %dma_wait3A_326 = arith.constant 96 : i32
    %dma_wait3A_327 = tpu.memref_slice %arg8[%dma_wait3A_326] : memref<512xi32, #tpu.memory_space<vmem>> -> memref<32xi32, #tpu.memory_space<vmem>>
    %dma_wait3A_328 = arith.constant 0 : i32
    %dma_wait3A_329 = arith.constant 0 : i32
    %dma_wait3A_330 = tpu.memref_slice %arg3[%dma_wait3A_328, %dma_wait3A_329] : memref<16384x1024xf32, #tpu.memory_space<hbm>> -> memref<16384x1024xf32, #tpu.memory_space<hbm>>
    tpu.wait_indirect_dma semaphore(%arg13 : memref<!tpu.dma_semaphore, #tpu.memory_space<semaphore_mem>>) src(%dma_wait3A_330 : memref<16384x1024xf32, #tpu.memory_space<hbm>>) dst(%arg10 : memref<32x1024xf32, #tpu.memory_space<vmem>>)
    %dma_start3A_331 = arith.constant 3 : i32
    %dma_start3A_332 = arith.constant 0 : i32
    %dma_start3A_333 = tpu.memref_slice %arg9[%dma_start3A_331, %dma_start3A_332] : memref<16x32xi32, #tpu.memory_space<vmem>> -> memref<1x32xi32, #tpu.memory_space<vmem>>
    %dma_start3A_334 = tpu.memref_squeeze %dma_start3A_333 : memref<1x32xi32, #tpu.memory_space<vmem>> -> memref<32xi32, #tpu.memory_space<vmem>>
    %dma_start3A_335 = arith.constant 0 : i32
    %dma_start3A_336 = arith.constant 0 : i32
    %dma_start3A_337 = tpu.memref_slice %arg2[%dma_start3A_335, %dma_start3A_336] : memref<65536x1024xf32, #tpu.memory_space<hbm>> -> memref<65536x1024xf32, #tpu.memory_space<hbm>>
    tpu.enqueue_indirect_dma source(%arg10 : memref<32x1024xf32, #tpu.memory_space<vmem>>) target(%dma_start3A_337 : memref<65536x1024xf32, #tpu.memory_space<hbm>>) offsets(%dma_start3A_334 : memref<32xi32, #tpu.memory_space<vmem>>) semaphore(%arg16 : memref<!tpu.dma_semaphore, #tpu.memory_space<semaphore_mem>>)
    %dma_wait3A_338 = arith.constant 3 : i32
    %dma_wait3A_339 = arith.constant 0 : i32
    %dma_wait3A_340 = tpu.memref_slice %arg9[%dma_wait3A_338, %dma_wait3A_339] : memref<16x32xi32, #tpu.memory_space<vmem>> -> memref<1x32xi32, #tpu.memory_space<vmem>>
    %dma_wait3A_341 = tpu.memref_squeeze %dma_wait3A_340 : memref<1x32xi32, #tpu.memory_space<vmem>> -> memref<32xi32, #tpu.memory_space<vmem>>
    %dma_wait3A_342 = arith.constant 0 : i32
    %dma_wait3A_343 = arith.constant 0 : i32
    %dma_wait3A_344 = tpu.memref_slice %arg2[%dma_wait3A_342, %dma_wait3A_343] : memref<65536x1024xf32, #tpu.memory_space<hbm>> -> memref<65536x1024xf32, #tpu.memory_space<hbm>>
    tpu.wait_indirect_dma semaphore(%arg16 : memref<!tpu.dma_semaphore, #tpu.memory_space<semaphore_mem>>) src(%arg10 : memref<32x1024xf32, #tpu.memory_space<vmem>>) dst(%dma_wait3A_344 : memref<65536x1024xf32, #tpu.memory_space<hbm>>)
    %dma_start3A_345 = arith.constant 192 : i32
    %dma_start3A_346 = tpu.memref_slice %arg8[%dma_start3A_345] : memref<512xi32, #tpu.memory_space<vmem>> -> memref<32xi32, #tpu.memory_space<vmem>>
    %dma_start3A_347 = arith.constant 0 : i32
    %dma_start3A_348 = arith.constant 0 : i32
    %dma_start3A_349 = tpu.memref_slice %arg3[%dma_start3A_347, %dma_start3A_348] : memref<16384x1024xf32, #tpu.memory_space<hbm>> -> memref<16384x1024xf32, #tpu.memory_space<hbm>>
    tpu.enqueue_indirect_dma source(%dma_start3A_349 : memref<16384x1024xf32, #tpu.memory_space<hbm>>) target(%arg10 : memref<32x1024xf32, #tpu.memory_space<vmem>>) offsets(%dma_start3A_346 : memref<32xi32, #tpu.memory_space<vmem>>) semaphore(%arg13 : memref<!tpu.dma_semaphore, #tpu.memory_space<semaphore_mem>>)
    %dma_wait3A_350 = arith.constant 128 : i32
    %dma_wait3A_351 = tpu.memref_slice %arg8[%dma_wait3A_350] : memref<512xi32, #tpu.memory_space<vmem>> -> memref<32xi32, #tpu.memory_space<vmem>>
    %dma_wait3A_352 = arith.constant 0 : i32
    %dma_wait3A_353 = arith.constant 0 : i32
    %dma_wait3A_354 = tpu.memref_slice %arg3[%dma_wait3A_352, %dma_wait3A_353] : memref<16384x1024xf32, #tpu.memory_space<hbm>> -> memref<16384x1024xf32, #tpu.memory_space<hbm>>
    tpu.wait_indirect_dma semaphore(%arg14 : memref<!tpu.dma_semaphore, #tpu.memory_space<semaphore_mem>>) src(%dma_wait3A_354 : memref<16384x1024xf32, #tpu.memory_space<hbm>>) dst(%arg11 : memref<32x1024xf32, #tpu.memory_space<vmem>>)
    %dma_start3A_355 = arith.constant 4 : i32
    %dma_start3A_356 = arith.constant 0 : i32
    %dma_start3A_357 = tpu.memref_slice %arg9[%dma_start3A_355, %dma_start3A_356] : memref<16x32xi32, #tpu.memory_space<vmem>> -> memref<1x32xi32, #tpu.memory_space<vmem>>
    %dma_start3A_358 = tpu.memref_squeeze %dma_start3A_357 : memref<1x32xi32, #tpu.memory_space<vmem>> -> memref<32xi32, #tpu.memory_space<vmem>>
    %dma_start3A_359 = arith.constant 0 : i32
    %dma_start3A_360 = arith.constant 0 : i32
    %dma_start3A_361 = tpu.memref_slice %arg2[%dma_start3A_359, %dma_start3A_360] : memref<65536x1024xf32, #tpu.memory_space<hbm>> -> memref<65536x1024xf32, #tpu.memory_space<hbm>>
    tpu.enqueue_indirect_dma source(%arg11 : memref<32x1024xf32, #tpu.memory_space<vmem>>) target(%dma_start3A_361 : memref<65536x1024xf32, #tpu.memory_space<hbm>>) offsets(%dma_start3A_358 : memref<32xi32, #tpu.memory_space<vmem>>) semaphore(%arg17 : memref<!tpu.dma_semaphore, #tpu.memory_space<semaphore_mem>>)
    %dma_wait3A_362 = arith.constant 4 : i32
    %dma_wait3A_363 = arith.constant 0 : i32
    %dma_wait3A_364 = tpu.memref_slice %arg9[%dma_wait3A_362, %dma_wait3A_363] : memref<16x32xi32, #tpu.memory_space<vmem>> -> memref<1x32xi32, #tpu.memory_space<vmem>>
    %dma_wait3A_365 = tpu.memref_squeeze %dma_wait3A_364 : memref<1x32xi32, #tpu.memory_space<vmem>> -> memref<32xi32, #tpu.memory_space<vmem>>
    %dma_wait3A_366 = arith.constant 0 : i32
    %dma_wait3A_367 = arith.constant 0 : i32
    %dma_wait3A_368 = tpu.memref_slice %arg2[%dma_wait3A_366, %dma_wait3A_367] : memref<65536x1024xf32, #tpu.memory_space<hbm>> -> memref<65536x1024xf32, #tpu.memory_space<hbm>>
    tpu.wait_indirect_dma semaphore(%arg17 : memref<!tpu.dma_semaphore, #tpu.memory_space<semaphore_mem>>) src(%arg11 : memref<32x1024xf32, #tpu.memory_space<vmem>>) dst(%dma_wait3A_368 : memref<65536x1024xf32, #tpu.memory_space<hbm>>)
    %dma_start3A_369 = arith.constant 224 : i32
    %dma_start3A_370 = tpu.memref_slice %arg8[%dma_start3A_369] : memref<512xi32, #tpu.memory_space<vmem>> -> memref<32xi32, #tpu.memory_space<vmem>>
    %dma_start3A_371 = arith.constant 0 : i32
    %dma_start3A_372 = arith.constant 0 : i32
    %dma_start3A_373 = tpu.memref_slice %arg3[%dma_start3A_371, %dma_start3A_372] : memref<16384x1024xf32, #tpu.memory_space<hbm>> -> memref<16384x1024xf32, #tpu.memory_space<hbm>>
    tpu.enqueue_indirect_dma source(%dma_start3A_373 : memref<16384x1024xf32, #tpu.memory_space<hbm>>) target(%arg11 : memref<32x1024xf32, #tpu.memory_space<vmem>>) offsets(%dma_start3A_370 : memref<32xi32, #tpu.memory_space<vmem>>) semaphore(%arg14 : memref<!tpu.dma_semaphore, #tpu.memory_space<semaphore_mem>>)
    %dma_wait3A_374 = arith.constant 160 : i32
    %dma_wait3A_375 = tpu.memref_slice %arg8[%dma_wait3A_374] : memref<512xi32, #tpu.memory_space<vmem>> -> memref<32xi32, #tpu.memory_space<vmem>>
    %dma_wait3A_376 = arith.constant 0 : i32
    %dma_wait3A_377 = arith.constant 0 : i32
    %dma_wait3A_378 = tpu.memref_slice %arg3[%dma_wait3A_376, %dma_wait3A_377] : memref<16384x1024xf32, #tpu.memory_space<hbm>> -> memref<16384x1024xf32, #tpu.memory_space<hbm>>
    tpu.wait_indirect_dma semaphore(%arg15 : memref<!tpu.dma_semaphore, #tpu.memory_space<semaphore_mem>>) src(%dma_wait3A_378 : memref<16384x1024xf32, #tpu.memory_space<hbm>>) dst(%arg12 : memref<32x1024xf32, #tpu.memory_space<vmem>>)
    %dma_start3A_379 = arith.constant 5 : i32
    %dma_start3A_380 = arith.constant 0 : i32
    %dma_start3A_381 = tpu.memref_slice %arg9[%dma_start3A_379, %dma_start3A_380] : memref<16x32xi32, #tpu.memory_space<vmem>> -> memref<1x32xi32, #tpu.memory_space<vmem>>
    %dma_start3A_382 = tpu.memref_squeeze %dma_start3A_381 : memref<1x32xi32, #tpu.memory_space<vmem>> -> memref<32xi32, #tpu.memory_space<vmem>>
    %dma_start3A_383 = arith.constant 0 : i32
    %dma_start3A_384 = arith.constant 0 : i32
    %dma_start3A_385 = tpu.memref_slice %arg2[%dma_start3A_383, %dma_start3A_384] : memref<65536x1024xf32, #tpu.memory_space<hbm>> -> memref<65536x1024xf32, #tpu.memory_space<hbm>>
    tpu.enqueue_indirect_dma source(%arg12 : memref<32x1024xf32, #tpu.memory_space<vmem>>) target(%dma_start3A_385 : memref<65536x1024xf32, #tpu.memory_space<hbm>>) offsets(%dma_start3A_382 : memref<32xi32, #tpu.memory_space<vmem>>) semaphore(%arg18 : memref<!tpu.dma_semaphore, #tpu.memory_space<semaphore_mem>>)
    %dma_wait3A_386 = arith.constant 5 : i32
    %dma_wait3A_387 = arith.constant 0 : i32
    %dma_wait3A_388 = tpu.memref_slice %arg9[%dma_wait3A_386, %dma_wait3A_387] : memref<16x32xi32, #tpu.memory_space<vmem>> -> memref<1x32xi32, #tpu.memory_space<vmem>>
    %dma_wait3A_389 = tpu.memref_squeeze %dma_wait3A_388 : memref<1x32xi32, #tpu.memory_space<vmem>> -> memref<32xi32, #tpu.memory_space<vmem>>
    %dma_wait3A_390 = arith.constant 0 : i32
    %dma_wait3A_391 = arith.constant 0 : i32
    %dma_wait3A_392 = tpu.memref_slice %arg2[%dma_wait3A_390, %dma_wait3A_391] : memref<65536x1024xf32, #tpu.memory_space<hbm>> -> memref<65536x1024xf32, #tpu.memory_space<hbm>>
    tpu.wait_indirect_dma semaphore(%arg18 : memref<!tpu.dma_semaphore, #tpu.memory_space<semaphore_mem>>) src(%arg12 : memref<32x1024xf32, #tpu.memory_space<vmem>>) dst(%dma_wait3A_392 : memref<65536x1024xf32, #tpu.memory_space<hbm>>)
    %dma_start3A_393 = arith.constant 256 : i32
    %dma_start3A_394 = tpu.memref_slice %arg8[%dma_start3A_393] : memref<512xi32, #tpu.memory_space<vmem>> -> memref<32xi32, #tpu.memory_space<vmem>>
    %dma_start3A_395 = arith.constant 0 : i32
    %dma_start3A_396 = arith.constant 0 : i32
    %dma_start3A_397 = tpu.memref_slice %arg3[%dma_start3A_395, %dma_start3A_396] : memref<16384x1024xf32, #tpu.memory_space<hbm>> -> memref<16384x1024xf32, #tpu.memory_space<hbm>>
    tpu.enqueue_indirect_dma source(%dma_start3A_397 : memref<16384x1024xf32, #tpu.memory_space<hbm>>) target(%arg12 : memref<32x1024xf32, #tpu.memory_space<vmem>>) offsets(%dma_start3A_394 : memref<32xi32, #tpu.memory_space<vmem>>) semaphore(%arg15 : memref<!tpu.dma_semaphore, #tpu.memory_space<semaphore_mem>>)
    %dma_wait3A_398 = arith.constant 192 : i32
    %dma_wait3A_399 = tpu.memref_slice %arg8[%dma_wait3A_398] : memref<512xi32, #tpu.memory_space<vmem>> -> memref<32xi32, #tpu.memory_space<vmem>>
    %dma_wait3A_400 = arith.constant 0 : i32
    %dma_wait3A_401 = arith.constant 0 : i32
    %dma_wait3A_402 = tpu.memref_slice %arg3[%dma_wait3A_400, %dma_wait3A_401] : memref<16384x1024xf32, #tpu.memory_space<hbm>> -> memref<16384x1024xf32, #tpu.memory_space<hbm>>
    tpu.wait_indirect_dma semaphore(%arg13 : memref<!tpu.dma_semaphore, #tpu.memory_space<semaphore_mem>>) src(%dma_wait3A_402 : memref<16384x1024xf32, #tpu.memory_space<hbm>>) dst(%arg10 : memref<32x1024xf32, #tpu.memory_space<vmem>>)
    %dma_start3A_403 = arith.constant 6 : i32
    %dma_start3A_404 = arith.constant 0 : i32
    %dma_start3A_405 = tpu.memref_slice %arg9[%dma_start3A_403, %dma_start3A_404] : memref<16x32xi32, #tpu.memory_space<vmem>> -> memref<1x32xi32, #tpu.memory_space<vmem>>
    %dma_start3A_406 = tpu.memref_squeeze %dma_start3A_405 : memref<1x32xi32, #tpu.memory_space<vmem>> -> memref<32xi32, #tpu.memory_space<vmem>>
    %dma_start3A_407 = arith.constant 0 : i32
    %dma_start3A_408 = arith.constant 0 : i32
    %dma_start3A_409 = tpu.memref_slice %arg2[%dma_start3A_407, %dma_start3A_408] : memref<65536x1024xf32, #tpu.memory_space<hbm>> -> memref<65536x1024xf32, #tpu.memory_space<hbm>>
    tpu.enqueue_indirect_dma source(%arg10 : memref<32x1024xf32, #tpu.memory_space<vmem>>) target(%dma_start3A_409 : memref<65536x1024xf32, #tpu.memory_space<hbm>>) offsets(%dma_start3A_406 : memref<32xi32, #tpu.memory_space<vmem>>) semaphore(%arg16 : memref<!tpu.dma_semaphore, #tpu.memory_space<semaphore_mem>>)
    %dma_wait3A_410 = arith.constant 6 : i32
    %dma_wait3A_411 = arith.constant 0 : i32
    %dma_wait3A_412 = tpu.memref_slice %arg9[%dma_wait3A_410, %dma_wait3A_411] : memref<16x32xi32, #tpu.memory_space<vmem>> -> memref<1x32xi32, #tpu.memory_space<vmem>>
    %dma_wait3A_413 = tpu.memref_squeeze %dma_wait3A_412 : memref<1x32xi32, #tpu.memory_space<vmem>> -> memref<32xi32, #tpu.memory_space<vmem>>
    %dma_wait3A_414 = arith.constant 0 : i32
    %dma_wait3A_415 = arith.constant 0 : i32
    %dma_wait3A_416 = tpu.memref_slice %arg2[%dma_wait3A_414, %dma_wait3A_415] : memref<65536x1024xf32, #tpu.memory_space<hbm>> -> memref<65536x1024xf32, #tpu.memory_space<hbm>>
    tpu.wait_indirect_dma semaphore(%arg16 : memref<!tpu.dma_semaphore, #tpu.memory_space<semaphore_mem>>) src(%arg10 : memref<32x1024xf32, #tpu.memory_space<vmem>>) dst(%dma_wait3A_416 : memref<65536x1024xf32, #tpu.memory_space<hbm>>)
    %dma_start3A_417 = arith.constant 288 : i32
    %dma_start3A_418 = tpu.memref_slice %arg8[%dma_start3A_417] : memref<512xi32, #tpu.memory_space<vmem>> -> memref<32xi32, #tpu.memory_space<vmem>>
    %dma_start3A_419 = arith.constant 0 : i32
    %dma_start3A_420 = arith.constant 0 : i32
    %dma_start3A_421 = tpu.memref_slice %arg3[%dma_start3A_419, %dma_start3A_420] : memref<16384x1024xf32, #tpu.memory_space<hbm>> -> memref<16384x1024xf32, #tpu.memory_space<hbm>>
    tpu.enqueue_indirect_dma source(%dma_start3A_421 : memref<16384x1024xf32, #tpu.memory_space<hbm>>) target(%arg10 : memref<32x1024xf32, #tpu.memory_space<vmem>>) offsets(%dma_start3A_418 : memref<32xi32, #tpu.memory_space<vmem>>) semaphore(%arg13 : memref<!tpu.dma_semaphore, #tpu.memory_space<semaphore_mem>>)
    %dma_wait3A_422 = arith.constant 224 : i32
    %dma_wait3A_423 = tpu.memref_slice %arg8[%dma_wait3A_422] : memref<512xi32, #tpu.memory_space<vmem>> -> memref<32xi32, #tpu.memory_space<vmem>>
    %dma_wait3A_424 = arith.constant 0 : i32
    %dma_wait3A_425 = arith.constant 0 : i32
    %dma_wait3A_426 = tpu.memref_slice %arg3[%dma_wait3A_424, %dma_wait3A_425] : memref<16384x1024xf32, #tpu.memory_space<hbm>> -> memref<16384x1024xf32, #tpu.memory_space<hbm>>
    tpu.wait_indirect_dma semaphore(%arg14 : memref<!tpu.dma_semaphore, #tpu.memory_space<semaphore_mem>>) src(%dma_wait3A_426 : memref<16384x1024xf32, #tpu.memory_space<hbm>>) dst(%arg11 : memref<32x1024xf32, #tpu.memory_space<vmem>>)
    %dma_start3A_427 = arith.constant 7 : i32
    %dma_start3A_428 = arith.constant 0 : i32
    %dma_start3A_429 = tpu.memref_slice %arg9[%dma_start3A_427, %dma_start3A_428] : memref<16x32xi32, #tpu.memory_space<vmem>> -> memref<1x32xi32, #tpu.memory_space<vmem>>
    %dma_start3A_430 = tpu.memref_squeeze %dma_start3A_429 : memref<1x32xi32, #tpu.memory_space<vmem>> -> memref<32xi32, #tpu.memory_space<vmem>>
    %dma_start3A_431 = arith.constant 0 : i32
    %dma_start3A_432 = arith.constant 0 : i32
    %dma_start3A_433 = tpu.memref_slice %arg2[%dma_start3A_431, %dma_start3A_432] : memref<65536x1024xf32, #tpu.memory_space<hbm>> -> memref<65536x1024xf32, #tpu.memory_space<hbm>>
    tpu.enqueue_indirect_dma source(%arg11 : memref<32x1024xf32, #tpu.memory_space<vmem>>) target(%dma_start3A_433 : memref<65536x1024xf32, #tpu.memory_space<hbm>>) offsets(%dma_start3A_430 : memref<32xi32, #tpu.memory_space<vmem>>) semaphore(%arg17 : memref<!tpu.dma_semaphore, #tpu.memory_space<semaphore_mem>>)
    %dma_wait3A_434 = arith.constant 7 : i32
    %dma_wait3A_435 = arith.constant 0 : i32
    %dma_wait3A_436 = tpu.memref_slice %arg9[%dma_wait3A_434, %dma_wait3A_435] : memref<16x32xi32, #tpu.memory_space<vmem>> -> memref<1x32xi32, #tpu.memory_space<vmem>>
    %dma_wait3A_437 = tpu.memref_squeeze %dma_wait3A_436 : memref<1x32xi32, #tpu.memory_space<vmem>> -> memref<32xi32, #tpu.memory_space<vmem>>
    %dma_wait3A_438 = arith.constant 0 : i32
    %dma_wait3A_439 = arith.constant 0 : i32
    %dma_wait3A_440 = tpu.memref_slice %arg2[%dma_wait3A_438, %dma_wait3A_439] : memref<65536x1024xf32, #tpu.memory_space<hbm>> -> memref<65536x1024xf32, #tpu.memory_space<hbm>>
    tpu.wait_indirect_dma semaphore(%arg17 : memref<!tpu.dma_semaphore, #tpu.memory_space<semaphore_mem>>) src(%arg11 : memref<32x1024xf32, #tpu.memory_space<vmem>>) dst(%dma_wait3A_440 : memref<65536x1024xf32, #tpu.memory_space<hbm>>)
    %dma_start3A_441 = arith.constant 320 : i32
    %dma_start3A_442 = tpu.memref_slice %arg8[%dma_start3A_441] : memref<512xi32, #tpu.memory_space<vmem>> -> memref<32xi32, #tpu.memory_space<vmem>>
    %dma_start3A_443 = arith.constant 0 : i32
    %dma_start3A_444 = arith.constant 0 : i32
    %dma_start3A_445 = tpu.memref_slice %arg3[%dma_start3A_443, %dma_start3A_444] : memref<16384x1024xf32, #tpu.memory_space<hbm>> -> memref<16384x1024xf32, #tpu.memory_space<hbm>>
    tpu.enqueue_indirect_dma source(%dma_start3A_445 : memref<16384x1024xf32, #tpu.memory_space<hbm>>) target(%arg11 : memref<32x1024xf32, #tpu.memory_space<vmem>>) offsets(%dma_start3A_442 : memref<32xi32, #tpu.memory_space<vmem>>) semaphore(%arg14 : memref<!tpu.dma_semaphore, #tpu.memory_space<semaphore_mem>>)
    %dma_wait3A_446 = arith.constant 256 : i32
    %dma_wait3A_447 = tpu.memref_slice %arg8[%dma_wait3A_446] : memref<512xi32, #tpu.memory_space<vmem>> -> memref<32xi32, #tpu.memory_space<vmem>>
    %dma_wait3A_448 = arith.constant 0 : i32
    %dma_wait3A_449 = arith.constant 0 : i32
    %dma_wait3A_450 = tpu.memref_slice %arg3[%dma_wait3A_448, %dma_wait3A_449] : memref<16384x1024xf32, #tpu.memory_space<hbm>> -> memref<16384x1024xf32, #tpu.memory_space<hbm>>
    tpu.wait_indirect_dma semaphore(%arg15 : memref<!tpu.dma_semaphore, #tpu.memory_space<semaphore_mem>>) src(%dma_wait3A_450 : memref<16384x1024xf32, #tpu.memory_space<hbm>>) dst(%arg12 : memref<32x1024xf32, #tpu.memory_space<vmem>>)
    %dma_start3A_451 = arith.constant 8 : i32
    %dma_start3A_452 = arith.constant 0 : i32
    %dma_start3A_453 = tpu.memref_slice %arg9[%dma_start3A_451, %dma_start3A_452] : memref<16x32xi32, #tpu.memory_space<vmem>> -> memref<1x32xi32, #tpu.memory_space<vmem>>
    %dma_start3A_454 = tpu.memref_squeeze %dma_start3A_453 : memref<1x32xi32, #tpu.memory_space<vmem>> -> memref<32xi32, #tpu.memory_space<vmem>>
    %dma_start3A_455 = arith.constant 0 : i32
    %dma_start3A_456 = arith.constant 0 : i32
    %dma_start3A_457 = tpu.memref_slice %arg2[%dma_start3A_455, %dma_start3A_456] : memref<65536x1024xf32, #tpu.memory_space<hbm>> -> memref<65536x1024xf32, #tpu.memory_space<hbm>>
    tpu.enqueue_indirect_dma source(%arg12 : memref<32x1024xf32, #tpu.memory_space<vmem>>) target(%dma_start3A_457 : memref<65536x1024xf32, #tpu.memory_space<hbm>>) offsets(%dma_start3A_454 : memref<32xi32, #tpu.memory_space<vmem>>) semaphore(%arg18 : memref<!tpu.dma_semaphore, #tpu.memory_space<semaphore_mem>>)
    %dma_wait3A_458 = arith.constant 8 : i32
    %dma_wait3A_459 = arith.constant 0 : i32
    %dma_wait3A_460 = tpu.memref_slice %arg9[%dma_wait3A_458, %dma_wait3A_459] : memref<16x32xi32, #tpu.memory_space<vmem>> -> memref<1x32xi32, #tpu.memory_space<vmem>>
    %dma_wait3A_461 = tpu.memref_squeeze %dma_wait3A_460 : memref<1x32xi32, #tpu.memory_space<vmem>> -> memref<32xi32, #tpu.memory_space<vmem>>
    %dma_wait3A_462 = arith.constant 0 : i32
    %dma_wait3A_463 = arith.constant 0 : i32
    %dma_wait3A_464 = tpu.memref_slice %arg2[%dma_wait3A_462, %dma_wait3A_463] : memref<65536x1024xf32, #tpu.memory_space<hbm>> -> memref<65536x1024xf32, #tpu.memory_space<hbm>>
    tpu.wait_indirect_dma semaphore(%arg18 : memref<!tpu.dma_semaphore, #tpu.memory_space<semaphore_mem>>) src(%arg12 : memref<32x1024xf32, #tpu.memory_space<vmem>>) dst(%dma_wait3A_464 : memref<65536x1024xf32, #tpu.memory_space<hbm>>)
    %dma_start3A_465 = arith.constant 352 : i32
    %dma_start3A_466 = tpu.memref_slice %arg8[%dma_start3A_465] : memref<512xi32, #tpu.memory_space<vmem>> -> memref<32xi32, #tpu.memory_space<vmem>>
    %dma_start3A_467 = arith.constant 0 : i32
    %dma_start3A_468 = arith.constant 0 : i32
    %dma_start3A_469 = tpu.memref_slice %arg3[%dma_start3A_467, %dma_start3A_468] : memref<16384x1024xf32, #tpu.memory_space<hbm>> -> memref<16384x1024xf32, #tpu.memory_space<hbm>>
    tpu.enqueue_indirect_dma source(%dma_start3A_469 : memref<16384x1024xf32, #tpu.memory_space<hbm>>) target(%arg12 : memref<32x1024xf32, #tpu.memory_space<vmem>>) offsets(%dma_start3A_466 : memref<32xi32, #tpu.memory_space<vmem>>) semaphore(%arg15 : memref<!tpu.dma_semaphore, #tpu.memory_space<semaphore_mem>>)
    %dma_wait3A_470 = arith.constant 288 : i32
    %dma_wait3A_471 = tpu.memref_slice %arg8[%dma_wait3A_470] : memref<512xi32, #tpu.memory_space<vmem>> -> memref<32xi32, #tpu.memory_space<vmem>>
    %dma_wait3A_472 = arith.constant 0 : i32
    %dma_wait3A_473 = arith.constant 0 : i32
    %dma_wait3A_474 = tpu.memref_slice %arg3[%dma_wait3A_472, %dma_wait3A_473] : memref<16384x1024xf32, #tpu.memory_space<hbm>> -> memref<16384x1024xf32, #tpu.memory_space<hbm>>
    tpu.wait_indirect_dma semaphore(%arg13 : memref<!tpu.dma_semaphore, #tpu.memory_space<semaphore_mem>>) src(%dma_wait3A_474 : memref<16384x1024xf32, #tpu.memory_space<hbm>>) dst(%arg10 : memref<32x1024xf32, #tpu.memory_space<vmem>>)
    %dma_start3A_475 = arith.constant 9 : i32
    %dma_start3A_476 = arith.constant 0 : i32
    %dma_start3A_477 = tpu.memref_slice %arg9[%dma_start3A_475, %dma_start3A_476] : memref<16x32xi32, #tpu.memory_space<vmem>> -> memref<1x32xi32, #tpu.memory_space<vmem>>
    %dma_start3A_478 = tpu.memref_squeeze %dma_start3A_477 : memref<1x32xi32, #tpu.memory_space<vmem>> -> memref<32xi32, #tpu.memory_space<vmem>>
    %dma_start3A_479 = arith.constant 0 : i32
    %dma_start3A_480 = arith.constant 0 : i32
    %dma_start3A_481 = tpu.memref_slice %arg2[%dma_start3A_479, %dma_start3A_480] : memref<65536x1024xf32, #tpu.memory_space<hbm>> -> memref<65536x1024xf32, #tpu.memory_space<hbm>>
    tpu.enqueue_indirect_dma source(%arg10 : memref<32x1024xf32, #tpu.memory_space<vmem>>) target(%dma_start3A_481 : memref<65536x1024xf32, #tpu.memory_space<hbm>>) offsets(%dma_start3A_478 : memref<32xi32, #tpu.memory_space<vmem>>) semaphore(%arg16 : memref<!tpu.dma_semaphore, #tpu.memory_space<semaphore_mem>>)
    %dma_wait3A_482 = arith.constant 9 : i32
    %dma_wait3A_483 = arith.constant 0 : i32
    %dma_wait3A_484 = tpu.memref_slice %arg9[%dma_wait3A_482, %dma_wait3A_483] : memref<16x32xi32, #tpu.memory_space<vmem>> -> memref<1x32xi32, #tpu.memory_space<vmem>>
    %dma_wait3A_485 = tpu.memref_squeeze %dma_wait3A_484 : memref<1x32xi32, #tpu.memory_space<vmem>> -> memref<32xi32, #tpu.memory_space<vmem>>
    %dma_wait3A_486 = arith.constant 0 : i32
    %dma_wait3A_487 = arith.constant 0 : i32
    %dma_wait3A_488 = tpu.memref_slice %arg2[%dma_wait3A_486, %dma_wait3A_487] : memref<65536x1024xf32, #tpu.memory_space<hbm>> -> memref<65536x1024xf32, #tpu.memory_space<hbm>>
    tpu.wait_indirect_dma semaphore(%arg16 : memref<!tpu.dma_semaphore, #tpu.memory_space<semaphore_mem>>) src(%arg10 : memref<32x1024xf32, #tpu.memory_space<vmem>>) dst(%dma_wait3A_488 : memref<65536x1024xf32, #tpu.memory_space<hbm>>)
    %dma_start3A_489 = arith.constant 384 : i32
    %dma_start3A_490 = tpu.memref_slice %arg8[%dma_start3A_489] : memref<512xi32, #tpu.memory_space<vmem>> -> memref<32xi32, #tpu.memory_space<vmem>>
    %dma_start3A_491 = arith.constant 0 : i32
    %dma_start3A_492 = arith.constant 0 : i32
    %dma_start3A_493 = tpu.memref_slice %arg3[%dma_start3A_491, %dma_start3A_492] : memref<16384x1024xf32, #tpu.memory_space<hbm>> -> memref<16384x1024xf32, #tpu.memory_space<hbm>>
    tpu.enqueue_indirect_dma source(%dma_start3A_493 : memref<16384x1024xf32, #tpu.memory_space<hbm>>) target(%arg10 : memref<32x1024xf32, #tpu.memory_space<vmem>>) offsets(%dma_start3A_490 : memref<32xi32, #tpu.memory_space<vmem>>) semaphore(%arg13 : memref<!tpu.dma_semaphore, #tpu.memory_space<semaphore_mem>>)
    %dma_wait3A_494 = arith.constant 320 : i32
    %dma_wait3A_495 = tpu.memref_slice %arg8[%dma_wait3A_494] : memref<512xi32, #tpu.memory_space<vmem>> -> memref<32xi32, #tpu.memory_space<vmem>>
    %dma_wait3A_496 = arith.constant 0 : i32
    %dma_wait3A_497 = arith.constant 0 : i32
    %dma_wait3A_498 = tpu.memref_slice %arg3[%dma_wait3A_496, %dma_wait3A_497] : memref<16384x1024xf32, #tpu.memory_space<hbm>> -> memref<16384x1024xf32, #tpu.memory_space<hbm>>
    tpu.wait_indirect_dma semaphore(%arg14 : memref<!tpu.dma_semaphore, #tpu.memory_space<semaphore_mem>>) src(%dma_wait3A_498 : memref<16384x1024xf32, #tpu.memory_space<hbm>>) dst(%arg11 : memref<32x1024xf32, #tpu.memory_space<vmem>>)
    %dma_start3A_499 = arith.constant 10 : i32
    %dma_start3A_500 = arith.constant 0 : i32
    %dma_start3A_501 = tpu.memref_slice %arg9[%dma_start3A_499, %dma_start3A_500] : memref<16x32xi32, #tpu.memory_space<vmem>> -> memref<1x32xi32, #tpu.memory_space<vmem>>
    %dma_start3A_502 = tpu.memref_squeeze %dma_start3A_501 : memref<1x32xi32, #tpu.memory_space<vmem>> -> memref<32xi32, #tpu.memory_space<vmem>>
    %dma_start3A_503 = arith.constant 0 : i32
    %dma_start3A_504 = arith.constant 0 : i32
    %dma_start3A_505 = tpu.memref_slice %arg2[%dma_start3A_503, %dma_start3A_504] : memref<65536x1024xf32, #tpu.memory_space<hbm>> -> memref<65536x1024xf32, #tpu.memory_space<hbm>>
    tpu.enqueue_indirect_dma source(%arg11 : memref<32x1024xf32, #tpu.memory_space<vmem>>) target(%dma_start3A_505 : memref<65536x1024xf32, #tpu.memory_space<hbm>>) offsets(%dma_start3A_502 : memref<32xi32, #tpu.memory_space<vmem>>) semaphore(%arg17 : memref<!tpu.dma_semaphore, #tpu.memory_space<semaphore_mem>>)
    %dma_wait3A_506 = arith.constant 10 : i32
    %dma_wait3A_507 = arith.constant 0 : i32
    %dma_wait3A_508 = tpu.memref_slice %arg9[%dma_wait3A_506, %dma_wait3A_507] : memref<16x32xi32, #tpu.memory_space<vmem>> -> memref<1x32xi32, #tpu.memory_space<vmem>>
    %dma_wait3A_509 = tpu.memref_squeeze %dma_wait3A_508 : memref<1x32xi32, #tpu.memory_space<vmem>> -> memref<32xi32, #tpu.memory_space<vmem>>
    %dma_wait3A_510 = arith.constant 0 : i32
    %dma_wait3A_511 = arith.constant 0 : i32
    %dma_wait3A_512 = tpu.memref_slice %arg2[%dma_wait3A_510, %dma_wait3A_511] : memref<65536x1024xf32, #tpu.memory_space<hbm>> -> memref<65536x1024xf32, #tpu.memory_space<hbm>>
    tpu.wait_indirect_dma semaphore(%arg17 : memref<!tpu.dma_semaphore, #tpu.memory_space<semaphore_mem>>) src(%arg11 : memref<32x1024xf32, #tpu.memory_space<vmem>>) dst(%dma_wait3A_512 : memref<65536x1024xf32, #tpu.memory_space<hbm>>)
    %dma_start3A_513 = arith.constant 416 : i32
    %dma_start3A_514 = tpu.memref_slice %arg8[%dma_start3A_513] : memref<512xi32, #tpu.memory_space<vmem>> -> memref<32xi32, #tpu.memory_space<vmem>>
    %dma_start3A_515 = arith.constant 0 : i32
    %dma_start3A_516 = arith.constant 0 : i32
    %dma_start3A_517 = tpu.memref_slice %arg3[%dma_start3A_515, %dma_start3A_516] : memref<16384x1024xf32, #tpu.memory_space<hbm>> -> memref<16384x1024xf32, #tpu.memory_space<hbm>>
    tpu.enqueue_indirect_dma source(%dma_start3A_517 : memref<16384x1024xf32, #tpu.memory_space<hbm>>) target(%arg11 : memref<32x1024xf32, #tpu.memory_space<vmem>>) offsets(%dma_start3A_514 : memref<32xi32, #tpu.memory_space<vmem>>) semaphore(%arg14 : memref<!tpu.dma_semaphore, #tpu.memory_space<semaphore_mem>>)
    %dma_wait3A_518 = arith.constant 352 : i32
    %dma_wait3A_519 = tpu.memref_slice %arg8[%dma_wait3A_518] : memref<512xi32, #tpu.memory_space<vmem>> -> memref<32xi32, #tpu.memory_space<vmem>>
    %dma_wait3A_520 = arith.constant 0 : i32
    %dma_wait3A_521 = arith.constant 0 : i32
    %dma_wait3A_522 = tpu.memref_slice %arg3[%dma_wait3A_520, %dma_wait3A_521] : memref<16384x1024xf32, #tpu.memory_space<hbm>> -> memref<16384x1024xf32, #tpu.memory_space<hbm>>
    tpu.wait_indirect_dma semaphore(%arg15 : memref<!tpu.dma_semaphore, #tpu.memory_space<semaphore_mem>>) src(%dma_wait3A_522 : memref<16384x1024xf32, #tpu.memory_space<hbm>>) dst(%arg12 : memref<32x1024xf32, #tpu.memory_space<vmem>>)
    %dma_start3A_523 = arith.constant 11 : i32
    %dma_start3A_524 = arith.constant 0 : i32
    %dma_start3A_525 = tpu.memref_slice %arg9[%dma_start3A_523, %dma_start3A_524] : memref<16x32xi32, #tpu.memory_space<vmem>> -> memref<1x32xi32, #tpu.memory_space<vmem>>
    %dma_start3A_526 = tpu.memref_squeeze %dma_start3A_525 : memref<1x32xi32, #tpu.memory_space<vmem>> -> memref<32xi32, #tpu.memory_space<vmem>>
    %dma_start3A_527 = arith.constant 0 : i32
    %dma_start3A_528 = arith.constant 0 : i32
    %dma_start3A_529 = tpu.memref_slice %arg2[%dma_start3A_527, %dma_start3A_528] : memref<65536x1024xf32, #tpu.memory_space<hbm>> -> memref<65536x1024xf32, #tpu.memory_space<hbm>>
    tpu.enqueue_indirect_dma source(%arg12 : memref<32x1024xf32, #tpu.memory_space<vmem>>) target(%dma_start3A_529 : memref<65536x1024xf32, #tpu.memory_space<hbm>>) offsets(%dma_start3A_526 : memref<32xi32, #tpu.memory_space<vmem>>) semaphore(%arg18 : memref<!tpu.dma_semaphore, #tpu.memory_space<semaphore_mem>>)
    %dma_wait3A_530 = arith.constant 11 : i32
    %dma_wait3A_531 = arith.constant 0 : i32
    %dma_wait3A_532 = tpu.memref_slice %arg9[%dma_wait3A_530, %dma_wait3A_531] : memref<16x32xi32, #tpu.memory_space<vmem>> -> memref<1x32xi32, #tpu.memory_space<vmem>>
    %dma_wait3A_533 = tpu.memref_squeeze %dma_wait3A_532 : memref<1x32xi32, #tpu.memory_space<vmem>> -> memref<32xi32, #tpu.memory_space<vmem>>
    %dma_wait3A_534 = arith.constant 0 : i32
    %dma_wait3A_535 = arith.constant 0 : i32
    %dma_wait3A_536 = tpu.memref_slice %arg2[%dma_wait3A_534, %dma_wait3A_535] : memref<65536x1024xf32, #tpu.memory_space<hbm>> -> memref<65536x1024xf32, #tpu.memory_space<hbm>>
    tpu.wait_indirect_dma semaphore(%arg18 : memref<!tpu.dma_semaphore, #tpu.memory_space<semaphore_mem>>) src(%arg12 : memref<32x1024xf32, #tpu.memory_space<vmem>>) dst(%dma_wait3A_536 : memref<65536x1024xf32, #tpu.memory_space<hbm>>)
    %dma_start3A_537 = arith.constant 448 : i32
    %dma_start3A_538 = tpu.memref_slice %arg8[%dma_start3A_537] : memref<512xi32, #tpu.memory_space<vmem>> -> memref<32xi32, #tpu.memory_space<vmem>>
    %dma_start3A_539 = arith.constant 0 : i32
    %dma_start3A_540 = arith.constant 0 : i32
    %dma_start3A_541 = tpu.memref_slice %arg3[%dma_start3A_539, %dma_start3A_540] : memref<16384x1024xf32, #tpu.memory_space<hbm>> -> memref<16384x1024xf32, #tpu.memory_space<hbm>>
    tpu.enqueue_indirect_dma source(%dma_start3A_541 : memref<16384x1024xf32, #tpu.memory_space<hbm>>) target(%arg12 : memref<32x1024xf32, #tpu.memory_space<vmem>>) offsets(%dma_start3A_538 : memref<32xi32, #tpu.memory_space<vmem>>) semaphore(%arg15 : memref<!tpu.dma_semaphore, #tpu.memory_space<semaphore_mem>>)
    %dma_wait3A_542 = arith.constant 384 : i32
    %dma_wait3A_543 = tpu.memref_slice %arg8[%dma_wait3A_542] : memref<512xi32, #tpu.memory_space<vmem>> -> memref<32xi32, #tpu.memory_space<vmem>>
    %dma_wait3A_544 = arith.constant 0 : i32
    %dma_wait3A_545 = arith.constant 0 : i32
    %dma_wait3A_546 = tpu.memref_slice %arg3[%dma_wait3A_544, %dma_wait3A_545] : memref<16384x1024xf32, #tpu.memory_space<hbm>> -> memref<16384x1024xf32, #tpu.memory_space<hbm>>
    tpu.wait_indirect_dma semaphore(%arg13 : memref<!tpu.dma_semaphore, #tpu.memory_space<semaphore_mem>>) src(%dma_wait3A_546 : memref<16384x1024xf32, #tpu.memory_space<hbm>>) dst(%arg10 : memref<32x1024xf32, #tpu.memory_space<vmem>>)
    %dma_start3A_547 = arith.constant 12 : i32
    %dma_start3A_548 = arith.constant 0 : i32
    %dma_start3A_549 = tpu.memref_slice %arg9[%dma_start3A_547, %dma_start3A_548] : memref<16x32xi32, #tpu.memory_space<vmem>> -> memref<1x32xi32, #tpu.memory_space<vmem>>
    %dma_start3A_550 = tpu.memref_squeeze %dma_start3A_549 : memref<1x32xi32, #tpu.memory_space<vmem>> -> memref<32xi32, #tpu.memory_space<vmem>>
    %dma_start3A_551 = arith.constant 0 : i32
    %dma_start3A_552 = arith.constant 0 : i32
    %dma_start3A_553 = tpu.memref_slice %arg2[%dma_start3A_551, %dma_start3A_552] : memref<65536x1024xf32, #tpu.memory_space<hbm>> -> memref<65536x1024xf32, #tpu.memory_space<hbm>>
    tpu.enqueue_indirect_dma source(%arg10 : memref<32x1024xf32, #tpu.memory_space<vmem>>) target(%dma_start3A_553 : memref<65536x1024xf32, #tpu.memory_space<hbm>>) offsets(%dma_start3A_550 : memref<32xi32, #tpu.memory_space<vmem>>) semaphore(%arg16 : memref<!tpu.dma_semaphore, #tpu.memory_space<semaphore_mem>>)
    %dma_wait3A_554 = arith.constant 12 : i32
    %dma_wait3A_555 = arith.constant 0 : i32
    %dma_wait3A_556 = tpu.memref_slice %arg9[%dma_wait3A_554, %dma_wait3A_555] : memref<16x32xi32, #tpu.memory_space<vmem>> -> memref<1x32xi32, #tpu.memory_space<vmem>>
    %dma_wait3A_557 = tpu.memref_squeeze %dma_wait3A_556 : memref<1x32xi32, #tpu.memory_space<vmem>> -> memref<32xi32, #tpu.memory_space<vmem>>
    %dma_wait3A_558 = arith.constant 0 : i32
    %dma_wait3A_559 = arith.constant 0 : i32
    %dma_wait3A_560 = tpu.memref_slice %arg2[%dma_wait3A_558, %dma_wait3A_559] : memref<65536x1024xf32, #tpu.memory_space<hbm>> -> memref<65536x1024xf32, #tpu.memory_space<hbm>>
    tpu.wait_indirect_dma semaphore(%arg16 : memref<!tpu.dma_semaphore, #tpu.memory_space<semaphore_mem>>) src(%arg10 : memref<32x1024xf32, #tpu.memory_space<vmem>>) dst(%dma_wait3A_560 : memref<65536x1024xf32, #tpu.memory_space<hbm>>)
    %dma_start3A_561 = arith.constant 480 : i32
    %dma_start3A_562 = tpu.memref_slice %arg8[%dma_start3A_561] : memref<512xi32, #tpu.memory_space<vmem>> -> memref<32xi32, #tpu.memory_space<vmem>>
    %dma_start3A_563 = arith.constant 0 : i32
    %dma_start3A_564 = arith.constant 0 : i32
    %dma_start3A_565 = tpu.memref_slice %arg3[%dma_start3A_563, %dma_start3A_564] : memref<16384x1024xf32, #tpu.memory_space<hbm>> -> memref<16384x1024xf32, #tpu.memory_space<hbm>>
    tpu.enqueue_indirect_dma source(%dma_start3A_565 : memref<16384x1024xf32, #tpu.memory_space<hbm>>) target(%arg10 : memref<32x1024xf32, #tpu.memory_space<vmem>>) offsets(%dma_start3A_562 : memref<32xi32, #tpu.memory_space<vmem>>) semaphore(%arg13 : memref<!tpu.dma_semaphore, #tpu.memory_space<semaphore_mem>>)
    %dma_wait3A_566 = arith.constant 416 : i32
    %dma_wait3A_567 = tpu.memref_slice %arg8[%dma_wait3A_566] : memref<512xi32, #tpu.memory_space<vmem>> -> memref<32xi32, #tpu.memory_space<vmem>>
    %dma_wait3A_568 = arith.constant 0 : i32
    %dma_wait3A_569 = arith.constant 0 : i32
    %dma_wait3A_570 = tpu.memref_slice %arg3[%dma_wait3A_568, %dma_wait3A_569] : memref<16384x1024xf32, #tpu.memory_space<hbm>> -> memref<16384x1024xf32, #tpu.memory_space<hbm>>
    tpu.wait_indirect_dma semaphore(%arg14 : memref<!tpu.dma_semaphore, #tpu.memory_space<semaphore_mem>>) src(%dma_wait3A_570 : memref<16384x1024xf32, #tpu.memory_space<hbm>>) dst(%arg11 : memref<32x1024xf32, #tpu.memory_space<vmem>>)
    %dma_start3A_571 = arith.constant 13 : i32
    %dma_start3A_572 = arith.constant 0 : i32
    %dma_start3A_573 = tpu.memref_slice %arg9[%dma_start3A_571, %dma_start3A_572] : memref<16x32xi32, #tpu.memory_space<vmem>> -> memref<1x32xi32, #tpu.memory_space<vmem>>
    %dma_start3A_574 = tpu.memref_squeeze %dma_start3A_573 : memref<1x32xi32, #tpu.memory_space<vmem>> -> memref<32xi32, #tpu.memory_space<vmem>>
    %dma_start3A_575 = arith.constant 0 : i32
    %dma_start3A_576 = arith.constant 0 : i32
    %dma_start3A_577 = tpu.memref_slice %arg2[%dma_start3A_575, %dma_start3A_576] : memref<65536x1024xf32, #tpu.memory_space<hbm>> -> memref<65536x1024xf32, #tpu.memory_space<hbm>>
    tpu.enqueue_indirect_dma source(%arg11 : memref<32x1024xf32, #tpu.memory_space<vmem>>) target(%dma_start3A_577 : memref<65536x1024xf32, #tpu.memory_space<hbm>>) offsets(%dma_start3A_574 : memref<32xi32, #tpu.memory_space<vmem>>) semaphore(%arg17 : memref<!tpu.dma_semaphore, #tpu.memory_space<semaphore_mem>>)
    %dma_wait3A_578 = arith.constant 448 : i32
    %dma_wait3A_579 = tpu.memref_slice %arg8[%dma_wait3A_578] : memref<512xi32, #tpu.memory_space<vmem>> -> memref<32xi32, #tpu.memory_space<vmem>>
    %dma_wait3A_580 = arith.constant 0 : i32
    %dma_wait3A_581 = arith.constant 0 : i32
    %dma_wait3A_582 = tpu.memref_slice %arg3[%dma_wait3A_580, %dma_wait3A_581] : memref<16384x1024xf32, #tpu.memory_space<hbm>> -> memref<16384x1024xf32, #tpu.memory_space<hbm>>
    tpu.wait_indirect_dma semaphore(%arg15 : memref<!tpu.dma_semaphore, #tpu.memory_space<semaphore_mem>>) src(%dma_wait3A_582 : memref<16384x1024xf32, #tpu.memory_space<hbm>>) dst(%arg12 : memref<32x1024xf32, #tpu.memory_space<vmem>>)
    %dma_start3A_583 = arith.constant 14 : i32
    %dma_start3A_584 = arith.constant 0 : i32
    %dma_start3A_585 = tpu.memref_slice %arg9[%dma_start3A_583, %dma_start3A_584] : memref<16x32xi32, #tpu.memory_space<vmem>> -> memref<1x32xi32, #tpu.memory_space<vmem>>
    %dma_start3A_586 = tpu.memref_squeeze %dma_start3A_585 : memref<1x32xi32, #tpu.memory_space<vmem>> -> memref<32xi32, #tpu.memory_space<vmem>>
    %dma_start3A_587 = arith.constant 0 : i32
    %dma_start3A_588 = arith.constant 0 : i32
    %dma_start3A_589 = tpu.memref_slice %arg2[%dma_start3A_587, %dma_start3A_588] : memref<65536x1024xf32, #tpu.memory_space<hbm>> -> memref<65536x1024xf32, #tpu.memory_space<hbm>>
    tpu.enqueue_indirect_dma source(%arg12 : memref<32x1024xf32, #tpu.memory_space<vmem>>) target(%dma_start3A_589 : memref<65536x1024xf32, #tpu.memory_space<hbm>>) offsets(%dma_start3A_586 : memref<32xi32, #tpu.memory_space<vmem>>) semaphore(%arg18 : memref<!tpu.dma_semaphore, #tpu.memory_space<semaphore_mem>>)
    %dma_wait3A_590 = arith.constant 480 : i32
    %dma_wait3A_591 = tpu.memref_slice %arg8[%dma_wait3A_590] : memref<512xi32, #tpu.memory_space<vmem>> -> memref<32xi32, #tpu.memory_space<vmem>>
    %dma_wait3A_592 = arith.constant 0 : i32
    %dma_wait3A_593 = arith.constant 0 : i32
    %dma_wait3A_594 = tpu.memref_slice %arg3[%dma_wait3A_592, %dma_wait3A_593] : memref<16384x1024xf32, #tpu.memory_space<hbm>> -> memref<16384x1024xf32, #tpu.memory_space<hbm>>
    tpu.wait_indirect_dma semaphore(%arg13 : memref<!tpu.dma_semaphore, #tpu.memory_space<semaphore_mem>>) src(%dma_wait3A_594 : memref<16384x1024xf32, #tpu.memory_space<hbm>>) dst(%arg10 : memref<32x1024xf32, #tpu.memory_space<vmem>>)
    %dma_start3A_595 = arith.constant 15 : i32
    %dma_start3A_596 = arith.constant 0 : i32
    %dma_start3A_597 = tpu.memref_slice %arg9[%dma_start3A_595, %dma_start3A_596] : memref<16x32xi32, #tpu.memory_space<vmem>> -> memref<1x32xi32, #tpu.memory_space<vmem>>
    %dma_start3A_598 = tpu.memref_squeeze %dma_start3A_597 : memref<1x32xi32, #tpu.memory_space<vmem>> -> memref<32xi32, #tpu.memory_space<vmem>>
    %dma_start3A_599 = arith.constant 0 : i32
    %dma_start3A_600 = arith.constant 0 : i32
    %dma_start3A_601 = tpu.memref_slice %arg2[%dma_start3A_599, %dma_start3A_600] : memref<65536x1024xf32, #tpu.memory_space<hbm>> -> memref<65536x1024xf32, #tpu.memory_space<hbm>>
    tpu.enqueue_indirect_dma source(%arg10 : memref<32x1024xf32, #tpu.memory_space<vmem>>) target(%dma_start3A_601 : memref<65536x1024xf32, #tpu.memory_space<hbm>>) offsets(%dma_start3A_598 : memref<32xi32, #tpu.memory_space<vmem>>) semaphore(%arg16 : memref<!tpu.dma_semaphore, #tpu.memory_space<semaphore_mem>>)
    %dma_wait3A_602 = arith.constant 15 : i32
    %dma_wait3A_603 = arith.constant 0 : i32
    %dma_wait3A_604 = tpu.memref_slice %arg9[%dma_wait3A_602, %dma_wait3A_603] : memref<16x32xi32, #tpu.memory_space<vmem>> -> memref<1x32xi32, #tpu.memory_space<vmem>>
    %dma_wait3A_605 = tpu.memref_squeeze %dma_wait3A_604 : memref<1x32xi32, #tpu.memory_space<vmem>> -> memref<32xi32, #tpu.memory_space<vmem>>
    %dma_wait3A_606 = arith.constant 0 : i32
    %dma_wait3A_607 = arith.constant 0 : i32
    %dma_wait3A_608 = tpu.memref_slice %arg2[%dma_wait3A_606, %dma_wait3A_607] : memref<65536x1024xf32, #tpu.memory_space<hbm>> -> memref<65536x1024xf32, #tpu.memory_space<hbm>>
    tpu.wait_indirect_dma semaphore(%arg16 : memref<!tpu.dma_semaphore, #tpu.memory_space<semaphore_mem>>) src(%arg10 : memref<32x1024xf32, #tpu.memory_space<vmem>>) dst(%dma_wait3A_608 : memref<65536x1024xf32, #tpu.memory_space<hbm>>)
    %dma_wait3A_609 = arith.constant 13 : i32
    %dma_wait3A_610 = arith.constant 0 : i32
    %dma_wait3A_611 = tpu.memref_slice %arg9[%dma_wait3A_609, %dma_wait3A_610] : memref<16x32xi32, #tpu.memory_space<vmem>> -> memref<1x32xi32, #tpu.memory_space<vmem>>
    %dma_wait3A_612 = tpu.memref_squeeze %dma_wait3A_611 : memref<1x32xi32, #tpu.memory_space<vmem>> -> memref<32xi32, #tpu.memory_space<vmem>>
    %dma_wait3A_613 = arith.constant 0 : i32
    %dma_wait3A_614 = arith.constant 0 : i32
    %dma_wait3A_615 = tpu.memref_slice %arg2[%dma_wait3A_613, %dma_wait3A_614] : memref<65536x1024xf32, #tpu.memory_space<hbm>> -> memref<65536x1024xf32, #tpu.memory_space<hbm>>
    tpu.wait_indirect_dma semaphore(%arg17 : memref<!tpu.dma_semaphore, #tpu.memory_space<semaphore_mem>>) src(%arg11 : memref<32x1024xf32, #tpu.memory_space<vmem>>) dst(%dma_wait3A_615 : memref<65536x1024xf32, #tpu.memory_space<hbm>>)
    %dma_wait3A_616 = arith.constant 14 : i32
    %dma_wait3A_617 = arith.constant 0 : i32
    %dma_wait3A_618 = tpu.memref_slice %arg9[%dma_wait3A_616, %dma_wait3A_617] : memref<16x32xi32, #tpu.memory_space<vmem>> -> memref<1x32xi32, #tpu.memory_space<vmem>>
    %dma_wait3A_619 = tpu.memref_squeeze %dma_wait3A_618 : memref<1x32xi32, #tpu.memory_space<vmem>> -> memref<32xi32, #tpu.memory_space<vmem>>
    %dma_wait3A_620 = arith.constant 0 : i32
    %dma_wait3A_621 = arith.constant 0 : i32
    %dma_wait3A_622 = tpu.memref_slice %arg2[%dma_wait3A_620, %dma_wait3A_621] : memref<65536x1024xf32, #tpu.memory_space<hbm>> -> memref<65536x1024xf32, #tpu.memory_space<hbm>>
    tpu.wait_indirect_dma semaphore(%arg18 : memref<!tpu.dma_semaphore, #tpu.memory_space<semaphore_mem>>) src(%arg12 : memref<32x1024xf32, #tpu.memory_space<vmem>>) dst(%dma_wait3A_622 : memref<65536x1024xf32, #tpu.memory_space<hbm>>)
    return
  }
}

module attributes {stable_mosaic.version = 14 : i64} {
  func.func @_copy_body(%arg0: i32, %arg1: memref<2048x1024xf32, #tpu.memory_space<vmem>>, %arg2: memref<2048x1024xf32, #tpu.memory_space<vmem>>) attributes {dimension_semantics = [#tpu.dimension_semantics<arbitrary>], iteration_bounds = array<i64: 32>, scalar_prefetch = 0 : i64, scratch_operands = 0 : i64, tpu.core_type = #tpu.core_type<tc>, window_params = [{transform_indices = @transform_0, window_bounds = array<i64: 2048, 1024>}, {transform_indices = @transform_1, window_bounds = array<i64: 2048, 1024>}]} {
    %get3A = arith.constant 0 : index
    %get3A_0 = arith.constant 0 : index
    %get3A_1 = vector.load %arg1[%get3A, %get3A_0] : memref<2048x1024xf32, #tpu.memory_space<vmem>>, vector<2048x1024xf32>
    %swap3A = arith.constant 0 : index
    %swap3A_2 = arith.constant 0 : index
    %swap3A_3 = vector.load %arg2[%swap3A, %swap3A_2] : memref<2048x1024xf32, #tpu.memory_space<vmem>>, vector<2048x1024xf32>
    tpu.vector_store %arg2[%swap3A, %swap3A_2], %get3A_1 {strides = array<i32>} : memref<2048x1024xf32, #tpu.memory_space<vmem>>, vector<2048x1024xf32>,
    return
  }
  func.func @transform_0(%arg0: i32) -> (i32, i32) {
    %c0_i32 = arith.constant 0 : i32
    %c0_i32_0 = arith.constant 0 : i32
    return %arg0, %c0_i32 : i32, i32
  }
  func.func @transform_1(%arg0: i32) -> (i32, i32) {
    %c0_i32 = arith.constant 0 : i32
    %c0_i32_0 = arith.constant 0 : i32
    return %arg0, %c0_i32 : i32, i32
  }
}

</mosaic_0001>

<sc_bundles>
// kernel: kernel.5.cloned.1.call-start
scs
__scs_entry_jumppad:
0x0: {  	(pc) =	sbr.rel $0x88, $3  }
0x1: {  	(tag) =	ssettag $0x0;
	lr =	simm.s32 $0x1  }
0x2: {  	[smem:$0x3F9D] =	sst lr;
	_ =	strace $0xD0000000  }
0x3: {  	_ = 	snop  }
0x4: {  	_ = 	snop  }
0x5: {  	_ = 	snop  }
0x6: {  	_ = 	snop  }
0x7: {  	_ = 	snop  }
__scs_overlays_trampoline_lowered:
0x8: {  	[smem:$0x3FAC] =	sst s0  }
0x9: {  	[smem:$0x3FAD] =	sst s1  }
0xa: {  	[smem:$0x3FAE] =	sst s2  }
0xb: {  	[smem:$0x3FAF] =	sst s3  }
0xc: {  	[smem:$0x3FB0] =	sst s4  }
0xd: {  	[smem:$0x3FB1] =	sst s5  }
0xe: {  	[smem:$0x3FB2] =	sst s6  }
0xf: {  	[smem:$0x3FB3] =	sst s7  }
0x10: {  	[smem:$0x3FB4] =	sst s8  }
0x11: {  	[smem:$0x3FB5] =	sst s9;
	s0 =	simm.s32 @!p0 $0x0  }
0x12: {  	s1 =	sld [smem:$0x3F9B];
	s0 =	simm.s32 @p0 $0x1  }
0x13: {  	[smem:$0x3FB6] =	sst s0;
	s0 =	simm.s32 @!p1 $0x0  }
0x14: {  	s2 =	sld [smem:$0x3F9A];
	s0 =	simm.s32 @p1 $0x1  }
0x15: {  	[smem:$0x3FB7] =	sst s0;
	s0 =	simm.s32 @!p2 $0x0  }
0x16: {  	s3 =	sld [smem:$0x3FDB];
	s0 =	simm.s32 @p2 $0x1  }
0x17: {  	s4 =	simm.s32 $0x1BF5;
	[smem:$0x3FB9] =	sst s0  }
0x18: {  	s0 =	sld [smem:$0x3F9C];
	_ =	swait.ge [sflag:s4], $0x0  }
0x19: {  	s7 =	sld [smem:$0x3F9D]  }
0x1a: {  	s8 =	sadd.s32 $0xFFFFE003, lr  }
0x1b: {  	s9 =	sadd.s32 $0xFFFFFEF7, lr;
	s5 =	simm.s32 $0xFFFFFFFF;
	p2 =	slt.u32 s8, $0xFFFFF086  }
0x1c: {  	p1 =	slt.u32 s9, $0xF7A;
	s5 =	simm.s32 @!p2 $0x0  }
0x1d: {  	s5 =	simm.s32 @p1 $0x1;
	p0 =	seq.s32 s7, s2  }
0x1e: {  	s7 =	smul.u32 @!p0 $0xF7A, s2;
	p2 =	seq.s32 @!p0 s5, $0x0  }
0x1f: {  	s9 =	smul.u32 $0xF7A, s1;
	s8 =	simm.s32 @!p0 $0x1BF5;
	p2 =	por !p2, p0  }
0x20: {  	[sflag:s8] =	ssyncset.s32 @!p0 $0xFFFFF086;
	s6 =	sadd.s32 @!p0 s3, s7;
	s7 =	simm.s32 @!p0 $0x108  }
0x21: {  	s3 =	sadd.s32 s3, s9;
	s6 =	sadd.s32 @!p0 $0x88, s6;
	s7 =	simm.s32 @p2 $0x1082  }
0x22: {  	[simem:s7], [sflag:s8] =	dma.local @!p0 [hbm:s6], $0xF7A  }
0x23: {  	s9 =	sor.u32 $0xD0000000, s2;
	s6 =	simm.s32 $0x108;
	_ =	swait.ge @!p0 [sflag:s8], $0x0  }
0x24: {  	s3 =	sadd.s32 $0x88, s3;
	s6 =	simm.s32 @!p1 $0x1082;
	[sflag:s4] =	ssyncset.s32 $0xFFFFF086  }
0x25: {  	[simem:s6], [sflag:s4] =	dma.local [hbm:s3], $0xF7A  }
0x26: {  	[smem:$0x3F9D] =	sst s1;
	(tag) =	ssettag s2;
	_ =	strace s9  }
0x27: {  	s1 =	sld [smem:$0x3FAD]  }
0x28: {  	s2 =	sld [smem:$0x3FAE]  }
0x29: {  	s4 =	sld [smem:$0x3FB0]  }
0x2a: {  	p0 =	seq.s32 s5, $0x0;
	s5 =	sld [smem:$0x3FB1]  }
0x2b: {  	s6 =	sld [smem:$0x3FB2]  }
0x2c: {  	s7 =	sld [smem:$0x3FB3]  }
0x2d: {  	s3 =	simm.s32 $0x108;
	s8 =	sld [smem:$0x3FB4]  }
0x2e: {  	s3 =	simm.s32 @!p0 $0x1082;
	s9 =	sld [smem:$0x3FB5]  }
0x2f: {  	lr =	sadd.s32 s0, s3;
	s0 =	sld [smem:$0x3FAC]  }
0x30: {  	s3 =	sld [smem:$0x3FAF]  }
0x31: {  	[smem:$0x3FB8] =	sst s10  }
0x32: {  	s10 =	sld [smem:$0x3FB6];
	_ =	sdelay $0x3  }
0x33: {  	p0 =	seq.s32 s10, $0x1;
	s10 =	sld [smem:$0x3FB8];
	_ =	sdelay $0x3  }
0x34: {  	[smem:$0x3FB8] =	sst s10  }
0x35: {  	s10 =	sld [smem:$0x3FB7];
	_ =	sdelay $0x3  }
0x36: {  	p1 =	seq.s32 s10, $0x1;
	s10 =	sld [smem:$0x3FB8];
	_ =	sdelay $0x3  }
0x37: {  	[smem:$0x3FB8] =	sst s10  }
0x38: {  	s10 =	sld [smem:$0x3FB9]  }
0x39: {  	_ = 	snop;
	(pc) =	sbr.ind lr, $3  }
0x3a: {  	_ = 	snop  }
0x3b: {  	_ = 	snop  }
0x3c: {  	p2 =	seq.s32 s10, $0x1;
	s10 =	sld [smem:$0x3FB8]  }
0x3d: {  	_ =	shalt  }
0x3e: {  	_ =	shalt  }
0x3f: {  	_ =	shalt  }
0x40: {  	_ =	shalt  }
0x41: {  	_ =	shalt  }
0x42: {  	_ =	shalt  }
0x43: {  	_ =	shalt  }
0x44: {  	_ =	shalt  }
0x45: {  	_ =	shalt  }
0x46: {  	_ =	shalt  }
0x47: {  	_ =	shalt  }
0x48: {  	_ =	shalt  }
0x49: {  	_ =	shalt  }
0x4a: {  	_ =	shalt  }
0x4b: {  	_ =	shalt  }
0x4c: {  	_ =	shalt  }
0x4d: {  	_ =	shalt  }
0x4e: {  	_ =	shalt  }
0x4f: {  	_ =	shalt  }
0x50: {  	_ =	shalt  }
0x51: {  	_ =	shalt  }
0x52: {  	_ =	shalt  }
0x53: {  	_ =	shalt  }
0x54: {  	_ =	shalt  }
0x55: {  	_ =	shalt  }
0x56: {  	_ =	shalt  }
0x57: {  	_ =	shalt  }
0x58: {  	_ =	shalt  }
0x59: {  	_ =	shalt  }
0x5a: {  	_ =	shalt  }
0x5b: {  	_ =	shalt  }
0x5c: {  	_ =	shalt  }
0x5d: {  	_ =	shalt  }
0x5e: {  	_ =	shalt  }
0x5f: {  	_ =	shalt  }
0x60: {  	_ =	shalt  }
0x61: {  	_ =	shalt  }
0x62: {  	_ =	shalt  }
0x63: {  	_ =	shalt  }
0x64: {  	_ =	shalt  }
0x65: {  	_ =	shalt  }
0x66: {  	_ =	shalt  }
0x67: {  	_ =	shalt  }
0x68: {  	_ =	shalt  }
0x69: {  	_ =	shalt  }
0x6a: {  	_ =	shalt  }
0x6b: {  	_ =	shalt  }
0x6c: {  	_ =	shalt  }
0x6d: {  	_ =	shalt  }
0x6e: {  	_ =	shalt  }
0x6f: {  	_ =	shalt  }
0x70: {  	_ =	shalt  }
0x71: {  	_ =	shalt  }
0x72: {  	_ =	shalt  }
0x73: {  	_ =	shalt  }
0x74: {  	_ =	shalt  }
0x75: {  	_ =	shalt  }
0x76: {  	_ =	shalt  }
0x77: {  	_ =	shalt  }
0x78: {  	_ =	shalt  }
0x79: {  	_ =	shalt  }
0x7a: {  	_ =	shalt  }
0x7b: {  	_ =	shalt  }
0x7c: {  	_ =	shalt  }
0x7d: {  	_ =	shalt  }
0x7e: {  	_ =	shalt  }
0x7f: {  	_ =	shalt  }
0x80: {  	_ =	shalt  }
0x81: {  	_ =	shalt  }
0x82: {  	_ =	shalt  }
0x83: {  	_ =	shalt  }
0x84: {  	_ =	shalt  }
0x85: {  	_ =	shalt  }
0x86: {  	_ =	shalt  }
0x87: {  	_ =	shalt  }
.Lfunc_end0:
.L_simem_size_0:
called_computation_lowered:
.L_overlay_start_0:
0x88: {  	s2 =	sld [smem:$0x3FD9]  }
0x89: {  	s3 =	sld [smem:$0x3FFE];
	_ =	sdelay $0x1  }
0x8a: {  	s1 =	srdreg.scid  }
0x8b: {  	s0 =	sand.u32 $0x1, s1  }
0x8c: {  	s14 =	sshll.u32 s0, $0xA;
	s2 =	sadd.s32 s3, s2  }
0x8d: {  	s2 =	sadd.s32 s2, s14  }
0x8e: {  	[smem:$0x3FC4] =	sst s2  }
0x8f: {  	_ = 	snop  }
0x90: {  	s2 =	sld [smem:$0x3FD0];
	_ =	sdelay $0x2  }
0x91: {  	s4 =	simm.s32 $0xA;
	s5 =	simm.s32 $0x10;
	s15 =	sld [smem:$0x3FC6]  }
0x92: {  	[smem:s5], [sflag:s4] =	dma.local [hbm:s2], $0x1  }
0x93: {  	_ =	swait.eq [sflag:s4], $0x1  }
0x94: {  	[sflag:s4] =	ssyncset.done $0x0  }
0x95: {  	[sflag:s4] =	ssyncadd.s32 $0xFFFFFFFF  }
0x96: {  	s16 =	sld [smem:$0x11];
	(tm) =	ssettm $0x1  }
0x97: {  	s17 =	sld [smem:$0x3FFB];
	_ =	sdelay $0x3  }
0x98: {  	_ =	strace s17  }
0x99: {  	s4 =	sld [smem:$0x3FFC];
	_ =	sdelay $0x3  }
0x9a: {  	_ =	strace s4  }
0x9b: {  	s4 =	sld [smem:$0x3FFD];
	_ =	sdelay $0x3  }
0x9c: {  	_ =	strace s4  }
0x9d: {  	_ =	strace $0x8FFFFFFF  }
0x9e: {  	s18 =	sld [smem:$0x3FDB];
	_ =	sdelay $0x1  }
0x9f: {  	s19 =	simm.s32 $_scs_section_size  }
0xa0: {  	s6 =	simm.s32 $_size__tile_overlayer_lowered;
	s7 =	simm.s32 $_tile_overlayer_lowered  }
0xa1: {  	s22 =	simm.s32 $0x1BFF;
	s21 =	sshll.u32 s7, $0x1;
	s4 =	sadd.s32 s19, s18  }
0xa2: {  	s8 =	simm.s32 $0x0;
	s20 =	sshll.u32 s6, $0x1;
	s6 =	sadd.s32 s21, s4  }
0xa3: {  	[timem:s8], [sflag:s22] =	dma.local [hbm:s6], s20  }
0xa4: {  	_ =	swait.ge [sflag:s22], s20  }
0xa5: {  	s5 =	ssub.s32 $0x0, s20;
	[sflag:s22] =	ssyncset.done $0x0  }
0xa6: {  	[sflag:s22] =	ssyncadd.s32 s5;
	_ =	sdelay $0x1  }
0xa7: {  	s23 =	simm.s32 $0x1B8B  }
0xa8: {  	_ =	swait.ge [sflag:s23], $0x1  }
0xa9: {  	[sflag:s23] =	ssyncset.done $0x0  }
0xaa: {  	s25 =	simm.s32 $0x1B8E;
	s24 =	sld [smem:$0x3FFE];
	[sflag:s23] =	ssyncadd.s32 $0xFFFFFFFF  }
0xab: {  	s26 =	simm.s32 $execute0_lowered;
	[smem:$0x3FD2] =	sst s25  }
0xac: {  	s6 =	sshll.u32 s26, $0x1;
	_ =	strace $0x80000046;
	[dreg:$0x1] =	wrdreg $0xFFFFFFFF  }
0xad: {  	s28 =	simm.s32 $_size_execute0_lowered;
	s4 =	sadd.s32 s4, s6;
	[dreg:$0x0] =	wrdreg $0x0  }
0xae: {  	s6 =	sshll.u32 s28, $0x1;
	[dreg:$0x2] =	wrdreg s4  }
0xaf: {  	[dreg:$0x3] =	wrdreg s6  }
0xb0: {  	[dreg:$0x4] =	wrdreg $0xC0  }
0xb1: {  	_ =	task [dreg:s8], $0x5FFFF  }
0xb2: {  	[dreg:$0x1] =	wrdreg $0xFFFFFFFF  }
0xb3: {  	[dreg:$0x0] =	wrdreg $0x60  }
0xb4: {  	[dreg:$0x2] =	wrdreg s15  }
0xb5: {  	[dreg:$0x3] =	wrdreg s24  }
0xb6: {  	[dreg:$0x4] =	wrdreg s16  }
0xb7: {  	[dreg:$0x5] =	wrdreg $0x9  }
0xb8: {  	_ =	task.clear_ibuf [dreg:s8], $0x6FFFF;
	_ =	strace $0x90000046  }
0xb9: {  	s29 =	simm.s32 $0x9;
	_ =	strace $0x80000048  }
0xba: {  	_ =	swait.ge [sflag:s29], $0x1  }
0xbb: {  	[sflag:s29] =	ssyncadd.s32 $0xFFFFFFFF  }
0xbc: {  	_ =	strace $0x90000048  }
0xbd: {  	_ =	sfence  }
0xbe: {  	s30 =	sld [smem:$0x0];
	_ =	sdelay $0x2  }
0xbf: {  	s31 =	sshll.u32 s1, $0xD;
	s1 =	sshrl.u32 s1, $0x2  }
0xc0: {  	s3 =	sand.u32 $0x4000, s31;
	s1 =	sadd.s32 s1, s30  }
0xc1: {  	s0 =	sor.u32 s3, s0;
	s1 =	sshll.u32 s1, $0x11  }
0xc2: {  	s0 =	sor.u32 s1, s0  }
0xc3: {  	s0 =	sadd.s32 $0x8F2B, s0  }
0xc4: {  	[sflag:s0] =	ssyncadd.remote.s32 $0x1  }
0xc5: {  	_ =	sfence.sel $0xFFFF  }
0xc6: {  	[dreg:$0x0] =	wrdreg $0xFFFFFFFF;
	(pc) =	sbr.abs _section_cstart, $3  }
0xc7: {  	[dreg:$0x1] =	wrdreg $0xFFFFFFFF  }
0xc8: {  	_ =	task.clear_ibuf [dreg:s8], $0x2FFFF;
	_ =	strace $0x9FFFFFFF  }
0xc9: {  	(tm) =	ssettm $0x7FFFFFFF  }
tec
execute0_lowered:
.L_overlay_start_1:
0x0: {  	(tag) =	ssettag $0x1  }
0x1: {  	s1 =	rddreg [dreg:$0x0]  }
0x2: {  	s4 =	rddreg [dreg:$0x1];
	s0 =	srdreg.scid  }
0x3: {  	s6 =	rddreg [dreg:$0x2];
	s2 =	stileid.u32  }
0x4: {  	s3 =	simm.s32 $0x0;
	s5 =	sand.u32 $0x1, s0;
	s0 =	rddreg [dreg:$0x3]  }
0x5: {  	s13 =	simm.s32 $0x5000;
	s14 =	simm.s32 $0x0;
	[smem:$0x7FF] =	sst s3  }
0x6: {  	v0 =	vimm.s32 $0xFFEDCBA9;
	v1 =	vimm.s32 $0x87654321;
	s31 =	sshll.u32 s2, $0x4;
	s7 =	sshll.u32 s5, $0x4;
	s5 =	ssub.s32 $0x2, s5  }
0x7: {  	v0 =	vunpack.c.l.s4.s8 v0;
	v1 =	vunpack.c.l.s4.s8 v1;
	_ =	strace $0x80000047;
	s12 =	sand.u32 $0x70, s31;
	s7 =	sor.u32 s2, s7  }
0x8: {  	s9 =	sshrl.u32 s5, $0x1;
	s12 =	sadd.s32 s6, s12;
	s8 =	sshll.u32 s7, $0x8  }
0x9: {  	v2 =	vunpack.c.0.s8.s32 v0;
	v1 =	vunpack.c.0.s8.s32 v1;
	s9 =	ssub.s32 s5, s9;
	s10 =	sshll.u32 s7, $0xB;
	s7 =	sshll.u32 s7, $0x4  }
0xa: {  	s8 =	sadd.s32 s8, s4;
	s11 =	sadd.s32 $0x800, s10;
	s7 =	sand.u32 $0x180, s7  }
0xb: {  	v0 =	vmov s10;
	v4 =	vcombine.low v1, v2;
	s10 =	simm.s32 $0x4800;
	s4 =	sadd.s32 $0xC00, s8;
	s5 =	sadd.s32 $0x4C00, s8  }
0xc: {  	v3 =	vlaneseq.u32;
	vm0 =	vcmask $0x3F3C;
	v5 =	vimm.s32 $0x0;
	s6 =	sadd.s32 $0x2C00, s8;
	s7 =	sadd.s32 s7, s12;
	s8 =	smax.u32 s9, $0x1  }
0xd: {  	v2 =	vimm.s32 $0xFFFFFFFF;
	v1 =	vmov s11;
	s9 =	simm.s32 $0x1;
	s11 =	simm.s32 $0x5080;
	s12 =	simm.s32 $0x4000;
	v4 =	vand.u32 $0xF, v4  }
.LBB2_1:
0xe: {  	[tilespmem:s3], [sflag:$0x1] =	stream.linear.gather [hbm4b:s1+s3], $0x4000, $0x38;
	[tilespmem:$0x5100] =	vst v63  }
0xf: {  	_ =	swait.ge [sflag:s9], $0x4000  }
0x10: {  	[sflag:s9] =	ssyncset.done $0x0  }
0x11: {  	[sflag:s9] =	ssyncadd.s32 $0xFFFFC000  }
0x12: {  	[tilespmem:s10], [sflag:$0x1] =	stream.linear.gather [hbm4b:s4+s3], $0x800, $0x38;
	[tilespmem:$0x5100] =	vst v63  }
0x13: {  	_ =	swait.ge [sflag:s9], $0x800  }
0x14: {  	[sflag:s9] =	ssyncset.done $0x0  }
0x15: {  	s15 =	simm.s32 $0x40;
	s16 =	simm.s32 $0x0;
	[sflag:s9] =	ssyncadd.s32 $0xFFFFF800  }
.LBB2_2:
0x16: {  	p0 =	sne.s32 s15, $0x1FC0;
	[tilespmem:s16+$0x4000] =	vst v2;
	s16 =	smov.u32 s15;
	s15 =	sadd.s32 $0x40, s15  }
.Ltmp0:
0x17: {  	(pc) =	sbr.rel @p0 .LBB2_2-.Ltmp0, $2  }
0x18: {  	_ =	sdelay $0x2  }
0x19: {  	s16 =	sshra.s32 s16, $0x2  }
0x1a: {  	[tilespmem:s16+$0x4000] =	vst v2;
	s15 =	simm.s32 $0x0;
	s16 =	simm.s32 $0x0  }
.LBB2_4:
0x1b: {  	v6 =	vld [tilespmem:s15+$0x0];
	_ =	sdelay $0x4  }
0x1c: {  	v6 =	vshll.u32 v6, $0x4  }
0x1d: {  	v6 =	vor.u32 v3, v6  }
0x1e: {  	(xrf1) =	vsort.ascd.msk.u32 $0xffff, v6, v6;
	_ =	sdelay $0xd  }
0x1f: {  	v6, _, _ =	vpop (xrf1)  }
0x20: {  	v7 =	vshra.s32 v6, $0x4  }
0x21: {  	[tilespmem:$0x5080] =	vst v7  }
0x22: {  	v8 =	vld.idx.msk [tilespmem:v4+s11+$0x0], $0xffff;
	_ =	sdelay $0x4  }
0x23: {  	vm2 =	vge.s32 v7, v0;
	vm3 =	vlt.s32 v7, v1;
	vm1 =	vne.s32 v8, v7  }
0x24: {  	vm2 =	vmand vm2, vm3;
	vm1 =	vmor vm1, vm0  }
0x25: {  	v7 =	vsub.s32 v7, v0;
	vm1 =	vmand vm1, vm2  }
0x26: {  	p0 =	sne.s32 s16, $0x3FF0;
	v7 =	vnsel vm1, $0x0, v7  }
.Ltmp1:
0x27: {  	_ = 	snop;
	(pc) =	sbr.rel @p0 .LBB2_4-.Ltmp1, $4  }
0x28: {  	_ = 	snop  }
0x29: {  	v6 =	vand.u32 $0xF, v6  }
0x2a: {  	v6 =	vor.u32 s16, v6  }
0x2b: {  	s15 =	sadd.s32 $0x10, s15;
	s16 =	sadd.s32 $0x10, s16;
	[tilespmem:v7+s12+$0x0] =	vst.idx.msk vm1, v6  }
0x2c: {  	s15 =	simm.s32 $0x0  }
0x2d: {  	v8 =	vld [tilespmem:s15+$0x4000];
	_ =	sdelay $0x1  }
0x2e: {  	v7 =	vld [tilespmem:s15+$0x4800];
	_ =	sdelay $0x2  }
0x2f: {  	v6 =	vimm.s32 $0x1;
	s16 =	simm.s32 $0x40;
	s17 =	simm.s32 $0x80;
	vm1 =	vgt.s32 v8, $0xFFFFFFFF  }
.LBB2_6:
0x30: {  	p0 =	sne.s32 s17, $0x1FC0;
	s18 =	sshra.s32 s16, $0x2;
	v8 =	vsel vm1, $0x1, v5;
	s16 =	smov.u32 s17  }
0x31: {  	v9 =	vld [tilespmem:s18+$0x4000];
	v8 =	vor.u32 v8, v7  }
.Ltmp2:
0x32: {  	[tilespmem:s15+$0x4800] =	vst v8;
	vm1 =	vlt.s32 v6, v8;
	s15 =	smov.u32 s18;
	(pc) =	sbr.rel @p0 .LBB2_6-.Ltmp2, $2  }
0x33: {  	v7 =	vld [tilespmem:s15+$0x4800];
	v6 =	vsel vm1, v6, v8;
	_ =	sdelay $0x2  }
0x34: {  	s17 =	sadd.s32 $0x40, s17;
	vm1 =	vgt.s32 v9, $0xFFFFFFFF  }
0x35: {  	s16 =	sshra.s32 s16, $0x2;
	v8 =	vsel vm1, $0x1, v5  }
0x36: {  	v9 =	vld [tilespmem:s16+$0x4000];
	v7 =	vor.u32 v8, v7  }
0x37: {  	[tilespmem:s15+$0x4800] =	vst v7  }
0x38: {  	v63 =	vld [tilespmem:s16+$0x4800];
	_ =	sdelay $0x2  }
0x39: {  	vm1 =	vgt.s32 v9, $0xFFFFFFFF  }
0x3a: {  	v9 =	vsel vm1, $0x1, v5;
	vm1 =	vlt.s32 v6, v7  }
0x3b: {  	v6 =	vsel vm1, v6, v7;
	v7 =	vor.u32 v9, v63  }
0x3c: {  	vm1 =	vlt.s32 v6, v7  }
0x3d: {  	[tilespmem:s16+$0x4800] =	vst v7;
	v6 =	vsel vm1, v6, v7  }
0x3e: {  	[tilespmem:$0x5000] =	vst v6  }
0x3f: {  	[hbm4b:s5+s3] =	stream.linear.scatter [tilespmem:s12], [sflag:$0x1], $0x800, $0x38;
	[tilespmem:$0x5100] =	vst v63  }
0x40: {  	_ =	swait.ge [sflag:s9], $0x800  }
0x41: {  	[sflag:s9] =	ssyncset.done $0x0  }
0x42: {  	[sflag:s9] =	ssyncadd.s32 $0xFFFFF800  }
0x43: {  	[hbm4b:s6+s3] =	stream.linear.scatter [tilespmem:s10], [sflag:$0x1], $0x800, $0x38;
	[tilespmem:$0x5100] =	vst v63  }
0x44: {  	s14 =	sadd.s32 $0x1, s14;
	_ =	swait.ge [sflag:s9], $0x800  }
0x45: {  	p0 =	sne.s32 s14, s8;
	[sflag:s9] =	ssyncset.done $0x0  }
.Ltmp3:
0x46: {  	[sflag:s9] =	ssyncadd.s32 $0xFFFFF800;
	(pc) =	sbr.rel @p0 .LBB2_1-.Ltmp3, $4  }
0x47: {  	[hbm4b:s7+s3] =	stream.linear.scatter [tilespmem:s13], [sflag:$0x1], $0x80, $0x38;
	[tilespmem:$0x5100] =	vst v63  }
0x48: {  	_ =	swait.ge [sflag:s9], $0x80  }
0x49: {  	[sflag:s9] =	ssyncset.done $0x0  }
0x4a: {  	[sflag:s9] =	ssyncadd.s32 $0xFFFFFF80  }
0x4b: {  	_ =	sfence.sel $0x180000  }
0x4c: {  	[bflag:$0x0] =	sbarrier.arrive $0xFFFF  }
0x4d: {  	p0 =	sne.s32 s2, $0x0;
	_ =	strace $0x90000047  }
0x4e: {  	s0 =	sadd.s32 @!p0 $0x100000, s0;
	[bflag:$0x2] =	sbarrier.arrive $0xFFFF  }
0x4f: {  	[sflag:s0] =	ssyncadd.tile.s32 @!p0 $0x1;
	_ =	shalt  }
.Lfunc_end2:
_tile_overlayer_lowered:
.L_overlay_start_2:
0x50: {  	(tag) =	ssettag $0x2  }
0x51: {  	s0 =	rddreg [dreg:$0x0];
	s2 =	stileid.u32  }
0x52: {  	s1 =	rddreg [dreg:$0x1];
	p0 =	sne.s32 s2, $0x0  }
0x53: {  	s3 =	rddreg [dreg:$0x2];
	[bflag:$0x3] =	sbarrier.arrive $0xFFFF;
	s2 =	simm.s32 @!p0 $0x1C01  }
0x54: {  	[timem:s3], [sflag:s2] =	dma.local @!p0 [hbm:s0], s1  }
0x55: {  	s0 =	simm.s32 @!p0 $0x1  }
0x56: {  	_ =	swait.ge @!p0 [sflag:s0], s1  }
0x57: {  	s1 =	ssub.s32 @!p0 $0x0, s1;
	[sflag:s0] =	ssyncset.done @!p0 $0x0  }
0x58: {  	[sflag:s0] =	ssyncadd.s32 @!p0 s1  }
0x59: {  	[bflag:$0x3] =	sbarrier.arrive $0xFFFF  }
0x5a: {  	_ =	shalt  }

// kernel: kernel.8.cloned.1.call-start
scs
__scs_entry_jumppad:
0x0: {  	(pc) =	sbr.rel $0x88, $3  }
0x1: {  	(tag) =	ssettag $0x0;
	lr =	simm.s32 $0x1  }
0x2: {  	[smem:$0x3F9D] =	sst lr;
	_ =	strace $0xD0000000  }
0x3: {  	_ = 	snop  }
0x4: {  	_ = 	snop  }
0x5: {  	_ = 	snop  }
0x6: {  	_ = 	snop  }
0x7: {  	_ = 	snop  }
__scs_overlays_trampoline_lowered:
0x8: {  	[smem:$0x3FAC] =	sst s0  }
0x9: {  	[smem:$0x3FAD] =	sst s1  }
0xa: {  	[smem:$0x3FAE] =	sst s2  }
0xb: {  	[smem:$0x3FAF] =	sst s3  }
0xc: {  	[smem:$0x3FB0] =	sst s4  }
0xd: {  	[smem:$0x3FB1] =	sst s5  }
0xe: {  	[smem:$0x3FB2] =	sst s6  }
0xf: {  	[smem:$0x3FB3] =	sst s7  }
0x10: {  	[smem:$0x3FB4] =	sst s8  }
0x11: {  	[smem:$0x3FB5] =	sst s9;
	s0 =	simm.s32 @!p0 $0x0  }
0x12: {  	s1 =	sld [smem:$0x3F9B];
	s0 =	simm.s32 @p0 $0x1  }
0x13: {  	[smem:$0x3FB6] =	sst s0;
	s0 =	simm.s32 @!p1 $0x0  }
0x14: {  	s2 =	sld [smem:$0x3F9A];
	s0 =	simm.s32 @p1 $0x1  }
0x15: {  	[smem:$0x3FB7] =	sst s0;
	s0 =	simm.s32 @!p2 $0x0  }
0x16: {  	s3 =	sld [smem:$0x3FDB];
	s0 =	simm.s32 @p2 $0x1  }
0x17: {  	s4 =	simm.s32 $0x1BF5;
	[smem:$0x3FB9] =	sst s0  }
0x18: {  	s0 =	sld [smem:$0x3F9C];
	_ =	swait.ge [sflag:s4], $0x0  }
0x19: {  	s7 =	sld [smem:$0x3F9D]  }
0x1a: {  	s8 =	sadd.s32 $0xFFFFE003, lr  }
0x1b: {  	s9 =	sadd.s32 $0xFFFFFEF7, lr;
	s5 =	simm.s32 $0xFFFFFFFF;
	p2 =	slt.u32 s8, $0xFFFFF086  }
0x1c: {  	p1 =	slt.u32 s9, $0xF7A;
	s5 =	simm.s32 @!p2 $0x0  }
0x1d: {  	s5 =	simm.s32 @p1 $0x1;
	p0 =	seq.s32 s7, s2  }
0x1e: {  	s7 =	smul.u32 @!p0 $0xF7A, s2;
	p2 =	seq.s32 @!p0 s5, $0x0  }
0x1f: {  	s9 =	smul.u32 $0xF7A, s1;
	s8 =	simm.s32 @!p0 $0x1BF5;
	p2 =	por !p2, p0  }
0x20: {  	[sflag:s8] =	ssyncset.s32 @!p0 $0xFFFFF086;
	s6 =	sadd.s32 @!p0 s3, s7;
	s7 =	simm.s32 @!p0 $0x108  }
0x21: {  	s3 =	sadd.s32 s3, s9;
	s6 =	sadd.s32 @!p0 $0x88, s6;
	s7 =	simm.s32 @p2 $0x1082  }
0x22: {  	[simem:s7], [sflag:s8] =	dma.local @!p0 [hbm:s6], $0xF7A  }
0x23: {  	s9 =	sor.u32 $0xD0000000, s2;
	s6 =	simm.s32 $0x108;
	_ =	swait.ge @!p0 [sflag:s8], $0x0  }
0x24: {  	s3 =	sadd.s32 $0x88, s3;
	s6 =	simm.s32 @!p1 $0x1082;
	[sflag:s4] =	ssyncset.s32 $0xFFFFF086  }
0x25: {  	[simem:s6], [sflag:s4] =	dma.local [hbm:s3], $0xF7A  }
0x26: {  	[smem:$0x3F9D] =	sst s1;
	(tag) =	ssettag s2;
	_ =	strace s9  }
0x27: {  	s1 =	sld [smem:$0x3FAD]  }
0x28: {  	s2 =	sld [smem:$0x3FAE]  }
0x29: {  	s4 =	sld [smem:$0x3FB0]  }
0x2a: {  	p0 =	seq.s32 s5, $0x0;
	s5 =	sld [smem:$0x3FB1]  }
0x2b: {  	s6 =	sld [smem:$0x3FB2]  }
0x2c: {  	s7 =	sld [smem:$0x3FB3]  }
0x2d: {  	s3 =	simm.s32 $0x108;
	s8 =	sld [smem:$0x3FB4]  }
0x2e: {  	s3 =	simm.s32 @!p0 $0x1082;
	s9 =	sld [smem:$0x3FB5]  }
0x2f: {  	lr =	sadd.s32 s0, s3;
	s0 =	sld [smem:$0x3FAC]  }
0x30: {  	s3 =	sld [smem:$0x3FAF]  }
0x31: {  	[smem:$0x3FB8] =	sst s10  }
0x32: {  	s10 =	sld [smem:$0x3FB6];
	_ =	sdelay $0x3  }
0x33: {  	p0 =	seq.s32 s10, $0x1;
	s10 =	sld [smem:$0x3FB8];
	_ =	sdelay $0x3  }
0x34: {  	[smem:$0x3FB8] =	sst s10  }
0x35: {  	s10 =	sld [smem:$0x3FB7];
	_ =	sdelay $0x3  }
0x36: {  	p1 =	seq.s32 s10, $0x1;
	s10 =	sld [smem:$0x3FB8];
	_ =	sdelay $0x3  }
0x37: {  	[smem:$0x3FB8] =	sst s10  }
0x38: {  	s10 =	sld [smem:$0x3FB9]  }
0x39: {  	_ = 	snop;
	(pc) =	sbr.ind lr, $3  }
0x3a: {  	_ = 	snop  }
0x3b: {  	_ = 	snop  }
0x3c: {  	p2 =	seq.s32 s10, $0x1;
	s10 =	sld [smem:$0x3FB8]  }
0x3d: {  	_ =	shalt  }
0x3e: {  	_ =	shalt  }
0x3f: {  	_ =	shalt  }
0x40: {  	_ =	shalt  }
0x41: {  	_ =	shalt  }
0x42: {  	_ =	shalt  }
0x43: {  	_ =	shalt  }
0x44: {  	_ =	shalt  }
0x45: {  	_ =	shalt  }
0x46: {  	_ =	shalt  }
0x47: {  	_ =	shalt  }
0x48: {  	_ =	shalt  }
0x49: {  	_ =	shalt  }
0x4a: {  	_ =	shalt  }
0x4b: {  	_ =	shalt  }
0x4c: {  	_ =	shalt  }
0x4d: {  	_ =	shalt  }
0x4e: {  	_ =	shalt  }
0x4f: {  	_ =	shalt  }
0x50: {  	_ =	shalt  }
0x51: {  	_ =	shalt  }
0x52: {  	_ =	shalt  }
0x53: {  	_ =	shalt  }
0x54: {  	_ =	shalt  }
0x55: {  	_ =	shalt  }
0x56: {  	_ =	shalt  }
0x57: {  	_ =	shalt  }
0x58: {  	_ =	shalt  }
0x59: {  	_ =	shalt  }
0x5a: {  	_ =	shalt  }
0x5b: {  	_ =	shalt  }
0x5c: {  	_ =	shalt  }
0x5d: {  	_ =	shalt  }
0x5e: {  	_ =	shalt  }
0x5f: {  	_ =	shalt  }
0x60: {  	_ =	shalt  }
0x61: {  	_ =	shalt  }
0x62: {  	_ =	shalt  }
0x63: {  	_ =	shalt  }
0x64: {  	_ =	shalt  }
0x65: {  	_ =	shalt  }
0x66: {  	_ =	shalt  }
0x67: {  	_ =	shalt  }
0x68: {  	_ =	shalt  }
0x69: {  	_ =	shalt  }
0x6a: {  	_ =	shalt  }
0x6b: {  	_ =	shalt  }
0x6c: {  	_ =	shalt  }
0x6d: {  	_ =	shalt  }
0x6e: {  	_ =	shalt  }
0x6f: {  	_ =	shalt  }
0x70: {  	_ =	shalt  }
0x71: {  	_ =	shalt  }
0x72: {  	_ =	shalt  }
0x73: {  	_ =	shalt  }
0x74: {  	_ =	shalt  }
0x75: {  	_ =	shalt  }
0x76: {  	_ =	shalt  }
0x77: {  	_ =	shalt  }
0x78: {  	_ =	shalt  }
0x79: {  	_ =	shalt  }
0x7a: {  	_ =	shalt  }
0x7b: {  	_ =	shalt  }
0x7c: {  	_ =	shalt  }
0x7d: {  	_ =	shalt  }
0x7e: {  	_ =	shalt  }
0x7f: {  	_ =	shalt  }
0x80: {  	_ =	shalt  }
0x81: {  	_ =	shalt  }
0x82: {  	_ =	shalt  }
0x83: {  	_ =	shalt  }
0x84: {  	_ =	shalt  }
0x85: {  	_ =	shalt  }
0x86: {  	_ =	shalt  }
0x87: {  	_ =	shalt  }
.Lfunc_end0:
.L_simem_size_0:
called_computation.1_lowered:
.L_overlay_start_0:
0x88: {  	s2 =	sld [smem:$0x3FD9]  }
0x89: {  	s3 =	sld [smem:$0x3FFE];
	_ =	sdelay $0x1  }
0x8a: {  	s1 =	srdreg.scid  }
0x8b: {  	s0 =	sand.u32 $0x1, s1  }
0x8c: {  	s14 =	sshll.u32 s0, $0xA;
	s2 =	sadd.s32 s3, s2  }
0x8d: {  	s2 =	sadd.s32 s2, s14  }
0x8e: {  	[smem:$0x3FC4] =	sst s2  }
0x8f: {  	_ = 	snop  }
0x90: {  	s2 =	sld [smem:$0x3FD0];
	_ =	sdelay $0x1  }
0x91: {  	s15 =	sld [smem:$0x3FC7]  }
0x92: {  	s5 =	simm.s32 $0xA;
	s6 =	simm.s32 $0x10;
	s4 =	sld [smem:$0x3FC6]  }
0x93: {  	[smem:s6], [sflag:s5] =	dma.local [hbm:s2], $0x1  }
0x94: {  	_ =	swait.eq [sflag:s5], $0x1  }
0x95: {  	[sflag:s5] =	ssyncset.done $0x0  }
0x96: {  	[sflag:s5] =	ssyncadd.s32 $0xFFFFFFFF  }
0x97: {  	s16 =	sld [smem:$0x10];
	(tm) =	ssettm $0x1  }
0x98: {  	s17 =	sld [smem:$0x3FFB];
	_ =	sdelay $0x3  }
0x99: {  	_ =	strace s17  }
0x9a: {  	s5 =	sld [smem:$0x3FFC];
	_ =	sdelay $0x3  }
0x9b: {  	_ =	strace s5  }
0x9c: {  	s5 =	sld [smem:$0x3FFD];
	_ =	sdelay $0x3  }
0x9d: {  	_ =	strace s5  }
0x9e: {  	_ =	strace $0x8FFFFFFF  }
0x9f: {  	s18 =	sld [smem:$0x3FDB];
	_ =	sdelay $0x1  }
0xa0: {  	s19 =	simm.s32 $_scs_section_size  }
0xa1: {  	s7 =	simm.s32 $_size__tile_overlayer_lowered;
	s8 =	simm.s32 $_tile_overlayer_lowered  }
0xa2: {  	s22 =	simm.s32 $0x1BFF;
	s21 =	sshll.u32 s8, $0x1;
	s5 =	sadd.s32 s19, s18  }
0xa3: {  	s9 =	simm.s32 $0x0;
	s20 =	sshll.u32 s7, $0x1;
	s7 =	sadd.s32 s21, s5  }
0xa4: {  	[timem:s9], [sflag:s22] =	dma.local [hbm:s7], s20  }
0xa5: {  	_ =	swait.ge [sflag:s22], s20  }
0xa6: {  	s6 =	ssub.s32 $0x0, s20;
	[sflag:s22] =	ssyncset.done $0x0  }
0xa7: {  	[sflag:s22] =	ssyncadd.s32 s6;
	_ =	sdelay $0x1  }
0xa8: {  	s23 =	simm.s32 $0x1B8B  }
0xa9: {  	_ =	swait.ge [sflag:s23], $0x1  }
0xaa: {  	[sflag:s23] =	ssyncset.done $0x0  }
0xab: {  	s25 =	simm.s32 $0x1B8E;
	s24 =	sld [smem:$0x3FFE];
	[sflag:s23] =	ssyncadd.s32 $0xFFFFFFFF  }
0xac: {  	s26 =	simm.s32 $execute0_lowered;
	[smem:$0x3FD2] =	sst s25  }
0xad: {  	s7 =	sshll.u32 s26, $0x1;
	_ =	strace $0x80000049;
	[dreg:$0x1] =	wrdreg $0xFFFFFFFF  }
0xae: {  	s28 =	simm.s32 $_size_execute0_lowered;
	s5 =	sadd.s32 s5, s7;
	[dreg:$0x0] =	wrdreg $0x0  }
0xaf: {  	s7 =	sshll.u32 s28, $0x1;
	[dreg:$0x2] =	wrdreg s5  }
0xb0: {  	[dreg:$0x3] =	wrdreg s7  }
0xb1: {  	[dreg:$0x4] =	wrdreg $0xC0  }
0xb2: {  	_ =	task [dreg:s9], $0x5FFFF  }
0xb3: {  	[dreg:$0x1] =	wrdreg $0xFFFFFFFF  }
0xb4: {  	[dreg:$0x0] =	wrdreg $0x60  }
0xb5: {  	[dreg:$0x2] =	wrdreg s16  }
0xb6: {  	[dreg:$0x3] =	wrdreg s15  }
0xb7: {  	[dreg:$0x4] =	wrdreg s4  }
0xb8: {  	[dreg:$0x5] =	wrdreg s24  }
0xb9: {  	[dreg:$0x6] =	wrdreg $0x9  }
0xba: {  	_ =	task.clear_ibuf [dreg:s9], $0x7FFFF;
	_ =	strace $0x90000049  }
0xbb: {  	s29 =	simm.s32 $0x9;
	_ =	strace $0x8000004B  }
0xbc: {  	_ =	swait.ge [sflag:s29], $0x1  }
0xbd: {  	[sflag:s29] =	ssyncadd.s32 $0xFFFFFFFF  }
0xbe: {  	_ =	strace $0x9000004B  }
0xbf: {  	_ =	sfence  }
0xc0: {  	s30 =	sld [smem:$0x0];
	_ =	sdelay $0x2  }
0xc1: {  	s31 =	sshll.u32 s1, $0xD;
	s1 =	sshrl.u32 s1, $0x2  }
0xc2: {  	s3 =	sand.u32 $0x4000, s31;
	s1 =	sadd.s32 s1, s30  }
0xc3: {  	s0 =	sor.u32 s3, s0;
	s1 =	sshll.u32 s1, $0x11  }
0xc4: {  	s0 =	sor.u32 s1, s0  }
0xc5: {  	s0 =	sadd.s32 $0x8F2B, s0  }
0xc6: {  	[sflag:s0] =	ssyncadd.remote.s32 $0x1  }
0xc7: {  	_ =	sfence.sel $0xFFFF  }
0xc8: {  	[dreg:$0x0] =	wrdreg $0xFFFFFFFF;
	(pc) =	sbr.abs _section_cstart, $3  }
0xc9: {  	[dreg:$0x1] =	wrdreg $0xFFFFFFFF  }
0xca: {  	_ =	task.clear_ibuf [dreg:s9], $0x2FFFF;
	_ =	strace $0x9FFFFFFF  }
0xcb: {  	(tm) =	ssettm $0x7FFFFFFF  }
tec
execute0_lowered:
.L_overlay_start_1:
0x0: {  	(tag) =	ssettag $0x1  }
0x1: {  	s1 =	rddreg [dreg:$0x0]  }
0x2: {  	s2 =	rddreg [dreg:$0x1]  }
0x3: {  	s0 =	rddreg [dreg:$0x2]  }
0x4: {  	s3 =	rddreg [dreg:$0x3];
	s4 =	simm.s32 $0x0;
	s5 =	srdreg.scid  }
0x5: {  	s6 =	stileid.u32;
	s25 =	simm.s32 $0x200;
	s26 =	simm.s32 $0x280  }
0x6: {  	s28 =	simm.s32 $0x100;
	s29 =	simm.s32 $0x300;
	s30 =	simm.s32 $0x180  }
0x7: {  	s31 =	simm.s32 $0x380;
	[smem:$0x7FF] =	sst s4;
	s3 =	sadd.s32 $0x4C00, s3  }
0x8: {  	s5 =	sand.u32 $0x1, s5;
	_ =	strace $0x8000004A;
	[dreg:$0xc] =	wrdreg s3  }
0x9: {  	s6 =	sshll.u32 s6, $0x6;
	s8 =	sadd.s32 $0x300, s2;
	[dreg:$0x6] =	wrdreg s25  }
0xa: {  	s9 =	sadd.s32 $0x100, s1;
	s10 =	sadd.s32 $0x200, s1;
	[dreg:$0x7] =	wrdreg s26  }
0xb: {  	s11 =	sadd.s32 $0x300, s1;
	s7 =	ssub.s32 $0x2, s5;
	[dreg:$0x8] =	wrdreg s28  }
0xc: {  	s5 =	sshll.u32 s5, $0xA;
	s0 =	sadd.s32 s0, s6;
	[dreg:$0x9] =	wrdreg s29  }
0xd: {  	v2 =	vlaneseq.u32;
	s6 =	sadd.s32 $0x100, s2;
	[dreg:$0xa] =	wrdreg s30;
	s23 =	sshrl.u32 s7, $0x1  }
0xe: {  	vm0 =	vmmov $0xffff;
	v1 =	vshrl.u32 v2, $0x3;
	[dreg:$0xb] =	wrdreg s31;
	s0 =	sadd.s32 s5, s0;
	s24 =	ssub.s32 s7, s23  }
0xf: {  	v0 =	vand.u32 $0x7, v2;
	v2 =	vor.u32 $0x8, v2;
	v1 =	vmul.u32 $0x8, v1;
	[dreg:$0x5] =	wrdreg s0;
	s7 =	sadd.s32 $0x200, s2;
	s12 =	smax.u32 s24, $0x1  }
.LBB2_1:
0x10: {  	[dreg:$0xd] =	wrdreg s12  }
0x11: {  	s17 =	rddreg [dreg:$0x5];
	s18 =	simm.s32 $0x7  }
0x12: {  	[tilespmem:s4], [sflag:$0x7] =	stream.linear.gather [hbm4b:s17+s4], $0x200, $0x38;
	[tilespmem:$0x18C00] =	vst v63  }
0x13: {  	_ =	swait.ge [sflag:s18], $0x200  }
0x14: {  	s13 =	rddreg [dreg:$0x6]  }
0x15: {  	s14 =	rddreg [dreg:$0x7]  }
0x16: {  	[sflag:s18] =	ssyncset.done $0x0;
	s21 =	rddreg [dreg:$0xc]  }
0x17: {  	s22 =	simm.s32 $0x80;
	s15 =	rddreg [dreg:$0x8];
	[sflag:s18] =	ssyncadd.s32 $0xFFFFFE00  }
0x18: {  	[tilespmem:s13], [sflag:$0x1] =	stream.indirect.gather [hbm4b:s21+s22], $0x1, s4, s22, $0xb8;
	[tilespmem:$0x18C00] =	vst v63  }
0x19: {  	s16 =	rddreg [dreg:$0x9]  }
0x1a: {  	[tilespmem:s14], [sflag:$0x1] =	stream.indirect.gather [hbm4b:s21+s22], $0x1, s22, s22, $0xb8;
	[tilespmem:$0x18C00] =	vst v63  }
0x1b: {  	s19 =	rddreg [dreg:$0xa]  }
0x1c: {  	[tilespmem:s16], [sflag:$0x1] =	stream.indirect.gather [hbm4b:s21+s22], $0x1, s15, s22, $0xb8;
	[tilespmem:$0x18C00] =	vst v63  }
0x1d: {  	s20 =	rddreg [dreg:$0xb]  }
0x1e: {  	[tilespmem:s20], [sflag:$0x1] =	stream.indirect.gather [hbm4b:s21+s22], $0x1, s19, s22, $0xb8;
	[tilespmem:$0x18C00] =	vst v63  }
0x1f: {  	v3 =	vld [tilespmem:$0x0]  }
0x20: {  	v4 =	vld [tilespmem:$0x10]  }
0x21: {  	v5 =	vld [tilespmem:$0x20]  }
0x22: {  	v6 =	vld [tilespmem:$0x30]  }
0x23: {  	v7 =	vld [tilespmem:$0x40]  }
0x24: {  	v35 =	vld [tilespmem:$0x60];
	[tilespmem:$0x400] =	vst v3  }
0x25: {  	v3 =	vld [tilespmem:$0x50];
	[tilespmem:$0x410] =	vst v4  }
0x26: {  	v36 =	vld [tilespmem:$0x70];
	[tilespmem:$0x480] =	vst v5  }
0x27: {  	v37 =	vld [tilespmem:$0x80];
	[tilespmem:$0x490] =	vst v6  }
0x28: {  	v38 =	vld [tilespmem:$0x90];
	[tilespmem:$0x500] =	vst v7  }
0x29: {  	v39 =	vld [tilespmem:$0xB0];
	[tilespmem:$0x580] =	vst v35  }
0x2a: {  	[tilespmem:$0x510] =	vst v3;
	v3 =	vld [tilespmem:$0xA0]  }
0x2b: {  	v40 =	vld [tilespmem:$0xC0];
	[tilespmem:$0x590] =	vst v36  }
0x2c: {  	v41 =	vld [tilespmem:$0xD0];
	[tilespmem:$0x600] =	vst v37  }
0x2d: {  	v42 =	vld [tilespmem:$0xE0];
	[tilespmem:$0x610] =	vst v38  }
0x2e: {  	v43 =	vld [tilespmem:$0x100];
	[tilespmem:$0x690] =	vst v39  }
0x2f: {  	[tilespmem:$0x680] =	vst v3;
	v3 =	vld [tilespmem:$0xF0]  }
0x30: {  	v44 =	vld [tilespmem:$0x110];
	[tilespmem:$0x700] =	vst v40  }
0x31: {  	v45 =	vld [tilespmem:$0x120];
	[tilespmem:$0x710] =	vst v41  }
0x32: {  	v46 =	vld [tilespmem:$0x130];
	[tilespmem:$0x780] =	vst v42  }
0x33: {  	v47 =	vld [tilespmem:$0x150];
	[tilespmem:$0x800] =	vst v43  }
0x34: {  	[tilespmem:$0x790] =	vst v3;
	v3 =	vld [tilespmem:$0x140]  }
0x35: {  	v48 =	vld [tilespmem:$0x160];
	[tilespmem:$0x810] =	vst v44  }
0x36: {  	v49 =	vld [tilespmem:$0x170];
	[tilespmem:$0x880] =	vst v45  }
0x37: {  	v50 =	vld [tilespmem:$0x180];
	[tilespmem:$0x890] =	vst v46  }
0x38: {  	v51 =	vld [tilespmem:$0x1A0];
	[tilespmem:$0x910] =	vst v47  }
0x39: {  	[tilespmem:$0x900] =	vst v3;
	v3 =	vld [tilespmem:$0x190]  }
0x3a: {  	v52 =	vld [tilespmem:$0x1B0];
	[tilespmem:$0x980] =	vst v48  }
0x3b: {  	v53 =	vld [tilespmem:$0x1C0];
	[tilespmem:$0x990] =	vst v49  }
0x3c: {  	v54 =	vld [tilespmem:$0x1D0];
	[tilespmem:$0xA00] =	vst v50  }
0x3d: {  	v55 =	vld [tilespmem:$0x1F0];
	[tilespmem:$0xA80] =	vst v51  }
0x3e: {  	[tilespmem:$0xA10] =	vst v3;
	v3 =	vld [tilespmem:$0x1E0]  }
0x3f: {  	[tilespmem:$0xA90] =	vst v52  }
0x40: {  	[tilespmem:$0xB00] =	vst v53  }
0x41: {  	[tilespmem:$0xB10] =	vst v54  }
0x42: {  	[tilespmem:$0xB90] =	vst v55  }
0x43: {  	s0 =	simm.s32 $0x1;
	[tilespmem:$0xB80] =	vst v3  }
0x44: {  	_ =	swait.ge [sflag:s0], $0x80  }
0x45: {  	[sflag:s0] =	ssyncset.done $0x0  }
0x46: {  	[sflag:s0] =	ssyncadd.s32 $0xFFFFFF80  }
0x47: {  	_ =	swait.ge [sflag:s0], $0x80  }
0x48: {  	[sflag:s0] =	ssyncset.done $0x0  }
0x49: {  	[sflag:s0] =	ssyncadd.s32 $0xFFFFFF80  }
0x4a: {  	_ =	swait.ge [sflag:s0], $0x80  }
0x4b: {  	[sflag:s0] =	ssyncset.done $0x0  }
0x4c: {  	[sflag:s0] =	ssyncadd.s32 $0xFFFFFF80  }
0x4d: {  	_ =	swait.ge [sflag:s0], $0x80  }
0x4e: {  	[sflag:s0] =	ssyncset.done $0x0  }
0x4f: {  	[sflag:s0] =	ssyncadd.s32 $0xFFFFFF80  }
0x50: {  	v3 =	vld [tilespmem:$0x200];
	_ =	sdelay $0x4  }
0x51: {  	v56 =	vshll.u32 v3, $0x3  }
0x52: {  	v3 =	vand.u32 $0x7, v3;
	v4 =	vand.u32 $0xFFFFFFC0, v56  }
0x53: {  	v3 =	vor.u32 v3, v4  }
0x54: {  	v4 =	vperm.xlane v3, v0;
	_ =	sdelay $0x1  }
0x55: {  	v4 =	vadd.s32 v1, v4;
	_ =	sdelay $0x3  }
0x56: {  	s21 =	simm.s32 $0xC00;
	s1 =	rddreg [dreg:$0x1]  }
0x57: {  	[tilespmem:s21], [sflag:$0x1] =	stream.indirect_vreg.gather [hbm4b:s1+s4], $0x80, v4, vm0, $0xb8;
	[tilespmem:$0x18C00] =	vst v63  }
0x58: {  	s22 =	simm.s32 $0x1400;
	v3 =	vperm.xlane v3, v2  }
0x59: {  	[tilespmem:s22], [sflag:$0x1] =	stream.indirect_vreg.gather [hbm4b:s6+s4], $0x80, v4, vm0, $0xb8;
	[tilespmem:$0x18C00] =	vst v63  }
0x5a: {  	s23 =	simm.s32 $0x1C00;
	v3 =	vadd.s32 v1, v3  }
0x5b: {  	[tilespmem:s23], [sflag:$0x1] =	stream.indirect_vreg.gather [hbm4b:s7+s4], $0x80, v4, vm0, $0xb8;
	[tilespmem:$0x18C00] =	vst v63  }
0x5c: {  	s24 =	simm.s32 $0x2400  }
0x5d: {  	[tilespmem:s24], [sflag:$0x1] =	stream.indirect_vreg.gather [hbm4b:s8+s4], $0x80, v4, vm0, $0xb8;
	[tilespmem:$0x18C00] =	vst v63  }
0x5e: {  	s25 =	simm.s32 $0x2C00  }
0x5f: {  	[tilespmem:s25], [sflag:$0x1] =	stream.indirect_vreg.gather [hbm4b:s1+s4], $0x80, v3, vm0, $0xb8;
	[tilespmem:$0x18C00] =	vst v63  }
0x60: {  	s26 =	simm.s32 $0x3400  }
0x61: {  	[tilespmem:s26], [sflag:$0x1] =	stream.indirect_vreg.gather [hbm4b:s6+s4], $0x80, v3, vm0, $0xb8;
	[tilespmem:$0x18C00] =	vst v63  }
0x62: {  	s28 =	simm.s32 $0x3C00  }
0x63: {  	[tilespmem:s28], [sflag:$0x1] =	stream.indirect_vreg.gather [hbm4b:s7+s4], $0x80, v3, vm0, $0xb8;
	[tilespmem:$0x18C00] =	vst v63  }
0x64: {  	s29 =	simm.s32 $0x4400  }
0x65: {  	[tilespmem:s29], [sflag:$0x1] =	stream.indirect_vreg.gather [hbm4b:s8+s4], $0x80, v3, vm0, $0xb8;
	[tilespmem:$0x18C00] =	vst v63  }
0x66: {  	v3 =	vld [tilespmem:$0x210];
	_ =	sdelay $0x4  }
0x67: {  	v57 =	vshll.u32 v3, $0x3  }
0x68: {  	v3 =	vand.u32 $0x7, v3;
	v4 =	vand.u32 $0xFFFFFFC0, v57  }
0x69: {  	v3 =	vor.u32 v3, v4  }
0x6a: {  	v4 =	vperm.xlane v3, v0;
	_ =	sdelay $0x1  }
0x6b: {  	v4 =	vadd.s32 v1, v4;
	_ =	sdelay $0x3  }
0x6c: {  	s30 =	simm.s32 $0x4C00  }
0x6d: {  	[tilespmem:s30], [sflag:$0x1] =	stream.indirect_vreg.gather [hbm4b:s1+s4], $0x80, v4, vm0, $0xb8;
	[tilespmem:$0x18C00] =	vst v63  }
0x6e: {  	s31 =	simm.s32 $0x5400;
	v3 =	vperm.xlane v3, v2  }
0x6f: {  	[tilespmem:s31], [sflag:$0x1] =	stream.indirect_vreg.gather [hbm4b:s6+s4], $0x80, v4, vm0, $0xb8;
	[tilespmem:$0x18C00] =	vst v63  }
0x70: {  	s3 =	simm.s32 $0x5C00;
	v3 =	vadd.s32 v1, v3  }
0x71: {  	[tilespmem:s3], [sflag:$0x1] =	stream.indirect_vreg.gather [hbm4b:s7+s4], $0x80, v4, vm0, $0xb8;
	[tilespmem:$0x18C00] =	vst v63  }
0x72: {  	s5 =	simm.s32 $0x6400  }
0x73: {  	[tilespmem:s5], [sflag:$0x1] =	stream.indirect_vreg.gather [hbm4b:s8+s4], $0x80, v4, vm0, $0xb8;
	[tilespmem:$0x18C00] =	vst v63  }
0x74: {  	s12 =	simm.s32 $0x6C00  }
0x75: {  	[tilespmem:s12], [sflag:$0x1] =	stream.indirect_vreg.gather [hbm4b:s1+s4], $0x80, v3, vm0, $0xb8;
	[tilespmem:$0x18C00] =	vst v63  }
0x76: {  	s13 =	simm.s32 $0x7400  }
0x77: {  	[tilespmem:s13], [sflag:$0x1] =	stream.indirect_vreg.gather [hbm4b:s6+s4], $0x80, v3, vm0, $0xb8;
	[tilespmem:$0x18C00] =	vst v63  }
0x78: {  	s14 =	simm.s32 $0x7C00  }
0x79: {  	[tilespmem:s14], [sflag:$0x1] =	stream.indirect_vreg.gather [hbm4b:s7+s4], $0x80, v3, vm0, $0xb8;
	[tilespmem:$0x18C00] =	vst v63  }
0x7a: {  	s22 =	simm.s32 $0x8400  }
0x7b: {  	[tilespmem:s22], [sflag:$0x1] =	stream.indirect_vreg.gather [hbm4b:s8+s4], $0x80, v3, vm0, $0xb8;
	[tilespmem:$0x18C00] =	vst v63  }
0x7c: {  	v3 =	vld [tilespmem:$0x220];
	_ =	sdelay $0x4  }
0x7d: {  	v58 =	vshll.u32 v3, $0x3  }
0x7e: {  	v3 =	vand.u32 $0x7, v3;
	v4 =	vand.u32 $0xFFFFFFC0, v58  }
0x7f: {  	v3 =	vor.u32 v3, v4  }
0x80: {  	v4 =	vperm.xlane v3, v0;
	_ =	sdelay $0x1  }
0x81: {  	v4 =	vadd.s32 v1, v4;
	_ =	sdelay $0x3  }
0x82: {  	s24 =	simm.s32 $0x8C00  }
0x83: {  	[tilespmem:s24], [sflag:$0x2] =	stream.indirect_vreg.gather [hbm4b:s1+s4], $0x80, v4, vm0, $0xb8;
	[tilespmem:$0x18C00] =	vst v63  }
0x84: {  	s26 =	simm.s32 $0x9400;
	v3 =	vperm.xlane v3, v2  }
0x85: {  	[tilespmem:s26], [sflag:$0x2] =	stream.indirect_vreg.gather [hbm4b:s6+s4], $0x80, v4, vm0, $0xb8;
	[tilespmem:$0x18C00] =	vst v63  }
0x86: {  	s28 =	simm.s32 $0x9C00;
	v3 =	vadd.s32 v1, v3  }
0x87: {  	[tilespmem:s28], [sflag:$0x2] =	stream.indirect_vreg.gather [hbm4b:s7+s4], $0x80, v4, vm0, $0xb8;
	[tilespmem:$0x18C00] =	vst v63  }
0x88: {  	s29 =	simm.s32 $0xA400  }
0x89: {  	[tilespmem:s29], [sflag:$0x2] =	stream.indirect_vreg.gather [hbm4b:s8+s4], $0x80, v4, vm0, $0xb8;
	[tilespmem:$0x18C00] =	vst v63  }
0x8a: {  	s3 =	simm.s32 $0xAC00  }
0x8b: {  	[tilespmem:s3], [sflag:$0x2] =	stream.indirect_vreg.gather [hbm4b:s1+s4], $0x80, v3, vm0, $0xb8;
	[tilespmem:$0x18C00] =	vst v63  }
0x8c: {  	s5 =	simm.s32 $0xB400  }
0x8d: {  	[tilespmem:s5], [sflag:$0x2] =	stream.indirect_vreg.gather [hbm4b:s6+s4], $0x80, v3, vm0, $0xb8;
	[tilespmem:$0x18C00] =	vst v63  }
0x8e: {  	s12 =	simm.s32 $0xBC00  }
0x8f: {  	[tilespmem:s12], [sflag:$0x2] =	stream.indirect_vreg.gather [hbm4b:s7+s4], $0x80, v3, vm0, $0xb8;
	[tilespmem:$0x18C00] =	vst v63  }
0x90: {  	s13 =	simm.s32 $0xC400  }
0x91: {  	[tilespmem:s13], [sflag:$0x2] =	stream.indirect_vreg.gather [hbm4b:s8+s4], $0x80, v3, vm0, $0xb8;
	[tilespmem:$0x18C00] =	vst v63  }
0x92: {  	v3 =	vld [tilespmem:$0x230];
	_ =	sdelay $0x4  }
0x93: {  	v59 =	vshll.u32 v3, $0x3  }
0x94: {  	v3 =	vand.u32 $0x7, v3;
	v4 =	vand.u32 $0xFFFFFFC0, v59  }
0x95: {  	v3 =	vor.u32 v3, v4  }
0x96: {  	v4 =	vperm.xlane v3, v0;
	_ =	sdelay $0x1  }
0x97: {  	v4 =	vadd.s32 v1, v4;
	_ =	sdelay $0x3  }
0x98: {  	s14 =	simm.s32 $0xCC00  }
0x99: {  	[tilespmem:s14], [sflag:$0x2] =	stream.indirect_vreg.gather [hbm4b:s1+s4], $0x80, v4, vm0, $0xb8;
	[tilespmem:$0x18C00] =	vst v63  }
0x9a: {  	s22 =	simm.s32 $0xD400;
	v3 =	vperm.xlane v3, v2  }
0x9b: {  	[tilespmem:s22], [sflag:$0x2] =	stream.indirect_vreg.gather [hbm4b:s6+s4], $0x80, v4, vm0, $0xb8;
	[tilespmem:$0x18C00] =	vst v63  }
0x9c: {  	s26 =	simm.s32 $0xDC00;
	v3 =	vadd.s32 v1, v3  }
0x9d: {  	[tilespmem:s26], [sflag:$0x2] =	stream.indirect_vreg.gather [hbm4b:s7+s4], $0x80, v4, vm0, $0xb8;
	[tilespmem:$0x18C00] =	vst v63  }
0x9e: {  	s3 =	simm.s32 $0xE400  }
0x9f: {  	[tilespmem:s3], [sflag:$0x2] =	stream.indirect_vreg.gather [hbm4b:s8+s4], $0x80, v4, vm0, $0xb8;
	[tilespmem:$0x18C00] =	vst v63  }
0xa0: {  	s5 =	simm.s32 $0xEC00  }
0xa1: {  	[tilespmem:s5], [sflag:$0x2] =	stream.indirect_vreg.gather [hbm4b:s1+s4], $0x80, v3, vm0, $0xb8;
	[tilespmem:$0x18C00] =	vst v63  }
0xa2: {  	s12 =	simm.s32 $0xF400  }
0xa3: {  	[tilespmem:s12], [sflag:$0x2] =	stream.indirect_vreg.gather [hbm4b:s6+s4], $0x80, v3, vm0, $0xb8;
	[tilespmem:$0x18C00] =	vst v63  }
0xa4: {  	s13 =	simm.s32 $0xFC00  }
0xa5: {  	[tilespmem:s13], [sflag:$0x2] =	stream.indirect_vreg.gather [hbm4b:s7+s4], $0x80, v3, vm0, $0xb8;
	[tilespmem:$0x18C00] =	vst v63  }
0xa6: {  	s14 =	simm.s32 $0x10400  }
0xa7: {  	[tilespmem:s14], [sflag:$0x2] =	stream.indirect_vreg.gather [hbm4b:s8+s4], $0x80, v3, vm0, $0xb8;
	[tilespmem:$0x18C00] =	vst v63  }
0xa8: {  	v3 =	vld [tilespmem:$0x240];
	_ =	sdelay $0x4  }
0xa9: {  	v60 =	vshll.u32 v3, $0x3  }
0xaa: {  	v3 =	vand.u32 $0x7, v3;
	v4 =	vand.u32 $0xFFFFFFC0, v60  }
0xab: {  	v3 =	vor.u32 v3, v4  }
0xac: {  	v4 =	vperm.xlane v3, v0;
	_ =	sdelay $0x1  }
0xad: {  	v4 =	vadd.s32 v1, v4;
	_ =	sdelay $0x3  }
0xae: {  	s22 =	simm.s32 $0x10C00  }
0xaf: {  	[tilespmem:s22], [sflag:$0x3] =	stream.indirect_vreg.gather [hbm4b:s1+s4], $0x80, v4, vm0, $0xb8;
	[tilespmem:$0x18C00] =	vst v63  }
0xb0: {  	s26 =	simm.s32 $0x11400;
	v3 =	vperm.xlane v3, v2  }
0xb1: {  	[tilespmem:s26], [sflag:$0x3] =	stream.indirect_vreg.gather [hbm4b:s6+s4], $0x80, v4, vm0, $0xb8;
	[tilespmem:$0x18C00] =	vst v63  }
0xb2: {  	s3 =	simm.s32 $0x11C00;
	v3 =	vadd.s32 v1, v3  }
0xb3: {  	[tilespmem:s3], [sflag:$0x3] =	stream.indirect_vreg.gather [hbm4b:s7+s4], $0x80, v4, vm0, $0xb8;
	[tilespmem:$0x18C00] =	vst v63  }
0xb4: {  	s5 =	simm.s32 $0x12400  }
0xb5: {  	[tilespmem:s5], [sflag:$0x3] =	stream.indirect_vreg.gather [hbm4b:s8+s4], $0x80, v4, vm0, $0xb8;
	[tilespmem:$0x18C00] =	vst v63  }
0xb6: {  	s12 =	simm.s32 $0x12C00  }
0xb7: {  	[tilespmem:s12], [sflag:$0x3] =	stream.indirect_vreg.gather [hbm4b:s1+s4], $0x80, v3, vm0, $0xb8;
	[tilespmem:$0x18C00] =	vst v63  }
0xb8: {  	s13 =	simm.s32 $0x13400  }
0xb9: {  	[tilespmem:s13], [sflag:$0x3] =	stream.indirect_vreg.gather [hbm4b:s6+s4], $0x80, v3, vm0, $0xb8;
	[tilespmem:$0x18C00] =	vst v63  }
0xba: {  	s14 =	simm.s32 $0x13C00  }
0xbb: {  	[tilespmem:s14], [sflag:$0x3] =	stream.indirect_vreg.gather [hbm4b:s7+s4], $0x80, v3, vm0, $0xb8;
	[tilespmem:$0x18C00] =	vst v63  }
0xbc: {  	s22 =	simm.s32 $0x14400  }
0xbd: {  	[tilespmem:s22], [sflag:$0x3] =	stream.indirect_vreg.gather [hbm4b:s8+s4], $0x80, v3, vm0, $0xb8;
	[tilespmem:$0x18C00] =	vst v63  }
0xbe: {  	v3 =	vld [tilespmem:$0x250];
	_ =	sdelay $0x4  }
0xbf: {  	v61 =	vshll.u32 v3, $0x3  }
0xc0: {  	v3 =	vand.u32 $0x7, v3;
	v4 =	vand.u32 $0xFFFFFFC0, v61  }
0xc1: {  	v3 =	vor.u32 v3, v4  }
0xc2: {  	v4 =	vperm.xlane v3, v0;
	_ =	sdelay $0x1  }
0xc3: {  	v4 =	vadd.s32 v1, v4;
	_ =	sdelay $0x3  }
0xc4: {  	s26 =	simm.s32 $0x14C00  }
0xc5: {  	[tilespmem:s26], [sflag:$0x3] =	stream.indirect_vreg.gather [hbm4b:s1+s4], $0x80, v4, vm0, $0xb8;
	[tilespmem:$0x18C00] =	vst v63  }
0xc6: {  	s3 =	simm.s32 $0x15400;
	v3 =	vperm.xlane v3, v2  }
0xc7: {  	[tilespmem:s3], [sflag:$0x3] =	stream.indirect_vreg.gather [hbm4b:s6+s4], $0x80, v4, vm0, $0xb8;
	[tilespmem:$0x18C00] =	vst v63  }
0xc8: {  	s5 =	simm.s32 $0x15C00;
	v3 =	vadd.s32 v1, v3  }
0xc9: {  	[tilespmem:s5], [sflag:$0x3] =	stream.indirect_vreg.gather [hbm4b:s7+s4], $0x80, v4, vm0, $0xb8;
	[tilespmem:$0x18C00] =	vst v63  }
0xca: {  	s12 =	simm.s32 $0x16400  }
0xcb: {  	[tilespmem:s12], [sflag:$0x3] =	stream.indirect_vreg.gather [hbm4b:s8+s4], $0x80, v4, vm0, $0xb8;
	[tilespmem:$0x18C00] =	vst v63  }
0xcc: {  	s13 =	simm.s32 $0x16C00  }
0xcd: {  	[tilespmem:s13], [sflag:$0x3] =	stream.indirect_vreg.gather [hbm4b:s1+s4], $0x80, v3, vm0, $0xb8;
	[tilespmem:$0x18C00] =	vst v63  }
0xce: {  	s14 =	simm.s32 $0x17400  }
0xcf: {  	[tilespmem:s14], [sflag:$0x3] =	stream.indirect_vreg.gather [hbm4b:s6+s4], $0x80, v3, vm0, $0xb8;
	[tilespmem:$0x18C00] =	vst v63  }
0xd0: {  	s22 =	simm.s32 $0x17C00  }
0xd1: {  	[tilespmem:s22], [sflag:$0x3] =	stream.indirect_vreg.gather [hbm4b:s7+s4], $0x80, v3, vm0, $0xb8;
	[tilespmem:$0x18C00] =	vst v63  }
0xd2: {  	s2 =	simm.s32 $0x1;
	s26 =	simm.s32 $0x18400  }
0xd3: {  	[tilespmem:s26], [sflag:$0x3] =	stream.indirect_vreg.gather [hbm4b:s8+s4], $0x80, v3, vm0, $0xb8;
	[tilespmem:$0x18C00] =	vst v63  }
0xd4: {  	_ =	swait.ge [sflag:s2], $0x8000  }
0xd5: {  	[sflag:s2] =	ssyncset.done $0x0  }
0xd6: {  	[sflag:s2] =	ssyncadd.s32 $0xFFFF8000  }
0xd7: {  	v3 =	vld [tilespmem:$0x400];
	_ =	sdelay $0x4  }
0xd8: {  	v62 =	vshll.u32 v3, $0x3  }
0xd9: {  	v3 =	vand.u32 $0x7, v3;
	v4 =	vand.u32 $0xFFFFFFC0, v62  }
0xda: {  	v3 =	vor.u32 v3, v4  }
0xdb: {  	v4 =	vperm.xlane v3, v0;
	_ =	sdelay $0x1  }
0xdc: {  	v4 =	vadd.s32 v1, v4;
	_ =	sdelay $0x3  }
0xdd: {  	s19 =	simm.s32 $0xC00;
	s2 =	rddreg [dreg:$0x0]  }
0xde: {  	[hbm4b:s2+s4] =	stream.indirect_vreg.scatter [tilespmem:s19], [sflag:$0x4], $0x80, v4, vm0, $0xb8;
	[tilespmem:$0x18C00] =	vst v63  }
0xdf: {  	s18 =	simm.s32 $0x1400;
	v3 =	vperm.xlane v3, v2  }
0xe0: {  	[hbm4b:s9+s4] =	stream.indirect_vreg.scatter [tilespmem:s18], [sflag:$0x4], $0x80, v4, vm0, $0xb8;
	[tilespmem:$0x18C00] =	vst v63  }
0xe1: {  	s21 =	simm.s32 $0x1C00;
	v3 =	vadd.s32 v1, v3  }
0xe2: {  	[hbm4b:s10+s4] =	stream.indirect_vreg.scatter [tilespmem:s21], [sflag:$0x4], $0x80, v4, vm0, $0xb8;
	[tilespmem:$0x18C00] =	vst v63  }
0xe3: {  	s17 =	simm.s32 $0x2400  }
0xe4: {  	[hbm4b:s11+s4] =	stream.indirect_vreg.scatter [tilespmem:s17], [sflag:$0x4], $0x80, v4, vm0, $0xb8;
	[tilespmem:$0x18C00] =	vst v63  }
0xe5: {  	s20 =	simm.s32 $0x2C00  }
0xe6: {  	[hbm4b:s2+s4] =	stream.indirect_vreg.scatter [tilespmem:s20], [sflag:$0x4], $0x80, v3, vm0, $0xb8;
	[tilespmem:$0x18C00] =	vst v63  }
0xe7: {  	s16 =	simm.s32 $0x3400  }
0xe8: {  	[hbm4b:s9+s4] =	stream.indirect_vreg.scatter [tilespmem:s16], [sflag:$0x4], $0x80, v3, vm0, $0xb8;
	[tilespmem:$0x18C00] =	vst v63  }
0xe9: {  	s23 =	simm.s32 $0x3C00  }
0xea: {  	[hbm4b:s10+s4] =	stream.indirect_vreg.scatter [tilespmem:s23], [sflag:$0x4], $0x80, v3, vm0, $0xb8;
	[tilespmem:$0x18C00] =	vst v63  }
0xeb: {  	s15 =	simm.s32 $0x4400  }
0xec: {  	[hbm4b:s11+s4] =	stream.indirect_vreg.scatter [tilespmem:s15], [sflag:$0x4], $0x80, v3, vm0, $0xb8;
	[tilespmem:$0x18C00] =	vst v63  }
0xed: {  	v3 =	vld [tilespmem:$0x410];
	_ =	sdelay $0x4  }
0xee: {  	v63 =	vshll.u32 v3, $0x3  }
0xef: {  	v3 =	vand.u32 $0x7, v3;
	v4 =	vand.u32 $0xFFFFFFC0, v63  }
0xf0: {  	v3 =	vor.u32 v3, v4  }
0xf1: {  	v4 =	vperm.xlane v3, v0;
	_ =	sdelay $0x1  }
0xf2: {  	v4 =	vadd.s32 v1, v4;
	_ =	sdelay $0x3  }
0xf3: {  	s26 =	simm.s32 $0x4C00  }
0xf4: {  	[hbm4b:s2+s4] =	stream.indirect_vreg.scatter [tilespmem:s26], [sflag:$0x4], $0x80, v4, vm0, $0xb8;
	[tilespmem:$0x18C00] =	vst v63  }
0xf5: {  	s25 =	simm.s32 $0x5400;
	v3 =	vperm.xlane v3, v2  }
0xf6: {  	[hbm4b:s9+s4] =	stream.indirect_vreg.scatter [tilespmem:s25], [sflag:$0x4], $0x80, v4, vm0, $0xb8;
	[tilespmem:$0x18C00] =	vst v63  }
0xf7: {  	s3 =	simm.s32 $0x5C00;
	v3 =	vadd.s32 v1, v3  }
0xf8: {  	[hbm4b:s10+s4] =	stream.indirect_vreg.scatter [tilespmem:s3], [sflag:$0x4], $0x80, v4, vm0, $0xb8;
	[tilespmem:$0x18C00] =	vst v63  }
0xf9: {  	s5 =	simm.s32 $0x6400  }
0xfa: {  	[hbm4b:s11+s4] =	stream.indirect_vreg.scatter [tilespmem:s5], [sflag:$0x4], $0x80, v4, vm0, $0xb8;
	[tilespmem:$0x18C00] =	vst v63  }
0xfb: {  	s12 =	simm.s32 $0x6C00  }
0xfc: {  	[hbm4b:s2+s4] =	stream.indirect_vreg.scatter [tilespmem:s12], [sflag:$0x4], $0x80, v3, vm0, $0xb8;
	[tilespmem:$0x18C00] =	vst v63  }
0xfd: {  	s13 =	simm.s32 $0x7400  }
0xfe: {  	[hbm4b:s9+s4] =	stream.indirect_vreg.scatter [tilespmem:s13], [sflag:$0x4], $0x80, v3, vm0, $0xb8;
	[tilespmem:$0x18C00] =	vst v63  }
0xff: {  	s0 =	simm.s32 $0x7C00  }
0x100: {  	[hbm4b:s10+s4] =	stream.indirect_vreg.scatter [tilespmem:s0], [sflag:$0x4], $0x80, v3, vm0, $0xb8;
	[tilespmem:$0x18C00] =	vst v63  }
0x101: {  	s14 =	simm.s32 $0x8400;
	s22 =	simm.s32 $0x4  }
0x102: {  	[hbm4b:s11+s4] =	stream.indirect_vreg.scatter [tilespmem:s14], [sflag:$0x4], $0x80, v3, vm0, $0xb8;
	[tilespmem:$0x18C00] =	vst v63  }
0x103: {  	_ =	swait.ge [sflag:s22], $0x8000  }
0x104: {  	[sflag:s22] =	ssyncset.done $0x0  }
0x105: {  	[sflag:s22] =	ssyncadd.s32 $0xFFFF8000  }
0x106: {  	v3 =	vld [tilespmem:$0x260];
	_ =	sdelay $0x4  }
0x107: {  	v8 =	vshll.u32 v3, $0x3  }
0x108: {  	v3 =	vand.u32 $0x7, v3;
	v4 =	vand.u32 $0xFFFFFFC0, v8  }
0x109: {  	v3 =	vor.u32 v3, v4  }
0x10a: {  	v4 =	vperm.xlane v3, v0;
	_ =	sdelay $0x1  }
0x10b: {  	v4 =	vadd.s32 v1, v4;
	_ =	sdelay $0x4  }
0x10c: {  	[tilespmem:s19], [sflag:$0x1] =	stream.indirect_vreg.gather [hbm4b:s1+s4], $0x80, v4, vm0, $0xb8;
	[tilespmem:$0x18C00] =	vst v63  }
0x10d: {  	v3 =	vperm.xlane v3, v2  }
0x10e: {  	[tilespmem:s18], [sflag:$0x1] =	stream.indirect_vreg.gather [hbm4b:s6+s4], $0x80, v4, vm0, $0xb8;
	[tilespmem:$0x18C00] =	vst v63  }
0x10f: {  	v3 =	vadd.s32 v1, v3  }
0x110: {  	[tilespmem:s21], [sflag:$0x1] =	stream.indirect_vreg.gather [hbm4b:s7+s4], $0x80, v4, vm0, $0xb8;
	[tilespmem:$0x18C00] =	vst v63  }
0x111: {  	_ = 	snop  }
0x112: {  	[tilespmem:s17], [sflag:$0x1] =	stream.indirect_vreg.gather [hbm4b:s8+s4], $0x80, v4, vm0, $0xb8;
	[tilespmem:$0x18C00] =	vst v63  }
0x113: {  	_ = 	snop  }
0x114: {  	[tilespmem:s20], [sflag:$0x1] =	stream.indirect_vreg.gather [hbm4b:s1+s4], $0x80, v3, vm0, $0xb8;
	[tilespmem:$0x18C00] =	vst v63  }
0x115: {  	_ = 	snop  }
0x116: {  	[tilespmem:s16], [sflag:$0x1] =	stream.indirect_vreg.gather [hbm4b:s6+s4], $0x80, v3, vm0, $0xb8;
	[tilespmem:$0x18C00] =	vst v63  }
0x117: {  	_ = 	snop  }
0x118: {  	[tilespmem:s23], [sflag:$0x1] =	stream.indirect_vreg.gather [hbm4b:s7+s4], $0x80, v3, vm0, $0xb8;
	[tilespmem:$0x18C00] =	vst v63  }
0x119: {  	_ = 	snop  }
0x11a: {  	[tilespmem:s15], [sflag:$0x1] =	stream.indirect_vreg.gather [hbm4b:s8+s4], $0x80, v3, vm0, $0xb8;
	[tilespmem:$0x18C00] =	vst v63  }
0x11b: {  	v3 =	vld [tilespmem:$0x270];
	_ =	sdelay $0x4  }
0x11c: {  	v9 =	vshll.u32 v3, $0x3  }
0x11d: {  	v3 =	vand.u32 $0x7, v3;
	v4 =	vand.u32 $0xFFFFFFC0, v9  }
0x11e: {  	v3 =	vor.u32 v3, v4  }
0x11f: {  	v4 =	vperm.xlane v3, v0;
	_ =	sdelay $0x1  }
0x120: {  	v4 =	vadd.s32 v1, v4;
	_ =	sdelay $0x4  }
0x121: {  	[tilespmem:s26], [sflag:$0x1] =	stream.indirect_vreg.gather [hbm4b:s1+s4], $0x80, v4, vm0, $0xb8;
	[tilespmem:$0x18C00] =	vst v63  }
0x122: {  	v3 =	vperm.xlane v3, v2  }
0x123: {  	[tilespmem:s25], [sflag:$0x1] =	stream.indirect_vreg.gather [hbm4b:s6+s4], $0x80, v4, vm0, $0xb8;
	[tilespmem:$0x18C00] =	vst v63  }
0x124: {  	v3 =	vadd.s32 v1, v3  }
0x125: {  	[tilespmem:s3], [sflag:$0x1] =	stream.indirect_vreg.gather [hbm4b:s7+s4], $0x80, v4, vm0, $0xb8;
	[tilespmem:$0x18C00] =	vst v63  }
0x126: {  	_ = 	snop  }
0x127: {  	[tilespmem:s5], [sflag:$0x1] =	stream.indirect_vreg.gather [hbm4b:s8+s4], $0x80, v4, vm0, $0xb8;
	[tilespmem:$0x18C00] =	vst v63  }
0x128: {  	_ = 	snop  }
0x129: {  	[tilespmem:s12], [sflag:$0x1] =	stream.indirect_vreg.gather [hbm4b:s1+s4], $0x80, v3, vm0, $0xb8;
	[tilespmem:$0x18C00] =	vst v63  }
0x12a: {  	_ = 	snop  }
0x12b: {  	[tilespmem:s13], [sflag:$0x1] =	stream.indirect_vreg.gather [hbm4b:s6+s4], $0x80, v3, vm0, $0xb8;
	[tilespmem:$0x18C00] =	vst v63  }
0x12c: {  	_ = 	snop  }
0x12d: {  	[tilespmem:s0], [sflag:$0x1] =	stream.indirect_vreg.gather [hbm4b:s7+s4], $0x80, v3, vm0, $0xb8;
	[tilespmem:$0x18C00] =	vst v63  }
0x12e: {  	s26 =	simm.s32 $0x2  }
0x12f: {  	[tilespmem:s14], [sflag:$0x1] =	stream.indirect_vreg.gather [hbm4b:s8+s4], $0x80, v3, vm0, $0xb8;
	[tilespmem:$0x18C00] =	vst v63  }
0x130: {  	_ =	swait.ge [sflag:s26], $0x8000  }
0x131: {  	[sflag:s26] =	ssyncset.done $0x0  }
0x132: {  	[sflag:s26] =	ssyncadd.s32 $0xFFFF8000  }
0x133: {  	v3 =	vld [tilespmem:$0x480];
	_ =	sdelay $0x4  }
0x134: {  	v10 =	vshll.u32 v3, $0x3  }
0x135: {  	v3 =	vand.u32 $0x7, v3;
	v4 =	vand.u32 $0xFFFFFFC0, v10  }
0x136: {  	v3 =	vor.u32 v3, v4  }
0x137: {  	v4 =	vperm.xlane v3, v0;
	_ =	sdelay $0x1  }
0x138: {  	v4 =	vadd.s32 v1, v4;
	_ =	sdelay $0x3  }
0x139: {  	s30 =	simm.s32 $0x8C00  }
0x13a: {  	[hbm4b:s2+s4] =	stream.indirect_vreg.scatter [tilespmem:s30], [sflag:$0x5], $0x80, v4, vm0, $0xb8;
	[tilespmem:$0x18C00] =	vst v63  }
0x13b: {  	s31 =	simm.s32 $0x9400;
	v3 =	vperm.xlane v3, v2  }
0x13c: {  	[hbm4b:s9+s4] =	stream.indirect_vreg.scatter [tilespmem:s31], [sflag:$0x5], $0x80, v4, vm0, $0xb8;
	[tilespmem:$0x18C00] =	vst v63  }
0x13d: {  	s0 =	simm.s32 $0x9C00;
	v3 =	vadd.s32 v1, v3  }
0x13e: {  	[hbm4b:s10+s4] =	stream.indirect_vreg.scatter [tilespmem:s0], [sflag:$0x5], $0x80, v4, vm0, $0xb8;
	[tilespmem:$0x18C00] =	vst v63  }
0x13f: {  	s29 =	simm.s32 $0xA400  }
0x140: {  	[hbm4b:s11+s4] =	stream.indirect_vreg.scatter [tilespmem:s29], [sflag:$0x5], $0x80, v4, vm0, $0xb8;
	[tilespmem:$0x18C00] =	vst v63  }
0x141: {  	s15 =	simm.s32 $0xAC00  }
0x142: {  	[hbm4b:s2+s4] =	stream.indirect_vreg.scatter [tilespmem:s15], [sflag:$0x5], $0x80, v3, vm0, $0xb8;
	[tilespmem:$0x18C00] =	vst v63  }
0x143: {  	s16 =	simm.s32 $0xB400  }
0x144: {  	[hbm4b:s9+s4] =	stream.indirect_vreg.scatter [tilespmem:s16], [sflag:$0x5], $0x80, v3, vm0, $0xb8;
	[tilespmem:$0x18C00] =	vst v63  }
0x145: {  	s28 =	simm.s32 $0xBC00  }
0x146: {  	[hbm4b:s10+s4] =	stream.indirect_vreg.scatter [tilespmem:s28], [sflag:$0x5], $0x80, v3, vm0, $0xb8;
	[tilespmem:$0x18C00] =	vst v63  }
0x147: {  	s24 =	simm.s32 $0xC400  }
0x148: {  	[hbm4b:s11+s4] =	stream.indirect_vreg.scatter [tilespmem:s24], [sflag:$0x5], $0x80, v3, vm0, $0xb8;
	[tilespmem:$0x18C00] =	vst v63  }
0x149: {  	v3 =	vld [tilespmem:$0x490];
	_ =	sdelay $0x4  }
0x14a: {  	v11 =	vshll.u32 v3, $0x3  }
0x14b: {  	v3 =	vand.u32 $0x7, v3;
	v4 =	vand.u32 $0xFFFFFFC0, v11  }
0x14c: {  	v3 =	vor.u32 v3, v4  }
0x14d: {  	v4 =	vperm.xlane v3, v0;
	_ =	sdelay $0x1  }
0x14e: {  	v4 =	vadd.s32 v1, v4;
	_ =	sdelay $0x3  }
0x14f: {  	s3 =	simm.s32 $0xCC00  }
0x150: {  	[hbm4b:s2+s4] =	stream.indirect_vreg.scatter [tilespmem:s3], [sflag:$0x5], $0x80, v4, vm0, $0xb8;
	[tilespmem:$0x18C00] =	vst v63  }
0x151: {  	s5 =	simm.s32 $0xD400;
	v3 =	vperm.xlane v3, v2  }
0x152: {  	[hbm4b:s9+s4] =	stream.indirect_vreg.scatter [tilespmem:s5], [sflag:$0x5], $0x80, v4, vm0, $0xb8;
	[tilespmem:$0x18C00] =	vst v63  }
0x153: {  	s12 =	simm.s32 $0xDC00;
	v3 =	vadd.s32 v1, v3  }
0x154: {  	[hbm4b:s10+s4] =	stream.indirect_vreg.scatter [tilespmem:s12], [sflag:$0x5], $0x80, v4, vm0, $0xb8;
	[tilespmem:$0x18C00] =	vst v63  }
0x155: {  	s13 =	simm.s32 $0xE400  }
0x156: {  	[hbm4b:s11+s4] =	stream.indirect_vreg.scatter [tilespmem:s13], [sflag:$0x5], $0x80, v4, vm0, $0xb8;
	[tilespmem:$0x18C00] =	vst v63  }
0x157: {  	s14 =	simm.s32 $0xEC00  }
0x158: {  	[hbm4b:s2+s4] =	stream.indirect_vreg.scatter [tilespmem:s14], [sflag:$0x5], $0x80, v3, vm0, $0xb8;
	[tilespmem:$0x18C00] =	vst v63  }
0x159: {  	s17 =	simm.s32 $0xF400  }
0x15a: {  	[hbm4b:s9+s4] =	stream.indirect_vreg.scatter [tilespmem:s17], [sflag:$0x5], $0x80, v3, vm0, $0xb8;
	[tilespmem:$0x18C00] =	vst v63  }
0x15b: {  	s20 =	simm.s32 $0xFC00  }
0x15c: {  	[hbm4b:s10+s4] =	stream.indirect_vreg.scatter [tilespmem:s20], [sflag:$0x5], $0x80, v3, vm0, $0xb8;
	[tilespmem:$0x18C00] =	vst v63  }
0x15d: {  	s23 =	simm.s32 $0x10400;
	s25 =	simm.s32 $0x5  }
0x15e: {  	[hbm4b:s11+s4] =	stream.indirect_vreg.scatter [tilespmem:s23], [sflag:$0x5], $0x80, v3, vm0, $0xb8;
	[tilespmem:$0x18C00] =	vst v63  }
0x15f: {  	_ =	swait.ge [sflag:s25], $0x8000  }
0x160: {  	[sflag:s25] =	ssyncset.done $0x0  }
0x161: {  	[sflag:s25] =	ssyncadd.s32 $0xFFFF8000  }
0x162: {  	v3 =	vld [tilespmem:$0x280];
	_ =	sdelay $0x4  }
0x163: {  	v12 =	vshll.u32 v3, $0x3  }
0x164: {  	v3 =	vand.u32 $0x7, v3;
	v4 =	vand.u32 $0xFFFFFFC0, v12  }
0x165: {  	v3 =	vor.u32 v3, v4  }
0x166: {  	v4 =	vperm.xlane v3, v0;
	_ =	sdelay $0x1  }
0x167: {  	v4 =	vadd.s32 v1, v4;
	_ =	sdelay $0x4  }
0x168: {  	[tilespmem:s30], [sflag:$0x2] =	stream.indirect_vreg.gather [hbm4b:s1+s4], $0x80, v4, vm0, $0xb8;
	[tilespmem:$0x18C00] =	vst v63  }
0x169: {  	v3 =	vperm.xlane v3, v2  }
0x16a: {  	[tilespmem:s31], [sflag:$0x2] =	stream.indirect_vreg.gather [hbm4b:s6+s4], $0x80, v4, vm0, $0xb8;
	[tilespmem:$0x18C00] =	vst v63  }
0x16b: {  	v3 =	vadd.s32 v1, v3  }
0x16c: {  	[tilespmem:s0], [sflag:$0x2] =	stream.indirect_vreg.gather [hbm4b:s7+s4], $0x80, v4, vm0, $0xb8;
	[tilespmem:$0x18C00] =	vst v63  }
0x16d: {  	_ = 	snop  }
0x16e: {  	[tilespmem:s29], [sflag:$0x2] =	stream.indirect_vreg.gather [hbm4b:s8+s4], $0x80, v4, vm0, $0xb8;
	[tilespmem:$0x18C00] =	vst v63  }
0x16f: {  	_ = 	snop  }
0x170: {  	[tilespmem:s15], [sflag:$0x2] =	stream.indirect_vreg.gather [hbm4b:s1+s4], $0x80, v3, vm0, $0xb8;
	[tilespmem:$0x18C00] =	vst v63  }
0x171: {  	_ = 	snop  }
0x172: {  	[tilespmem:s16], [sflag:$0x2] =	stream.indirect_vreg.gather [hbm4b:s6+s4], $0x80, v3, vm0, $0xb8;
	[tilespmem:$0x18C00] =	vst v63  }
0x173: {  	_ = 	snop  }
0x174: {  	[tilespmem:s28], [sflag:$0x2] =	stream.indirect_vreg.gather [hbm4b:s7+s4], $0x80, v3, vm0, $0xb8;
	[tilespmem:$0x18C00] =	vst v63  }
0x175: {  	_ = 	snop  }
0x176: {  	[tilespmem:s24], [sflag:$0x2] =	stream.indirect_vreg.gather [hbm4b:s8+s4], $0x80, v3, vm0, $0xb8;
	[tilespmem:$0x18C00] =	vst v63  }
0x177: {  	v3 =	vld [tilespmem:$0x290];
	_ =	sdelay $0x4  }
0x178: {  	v13 =	vshll.u32 v3, $0x3  }
0x179: {  	v3 =	vand.u32 $0x7, v3;
	v4 =	vand.u32 $0xFFFFFFC0, v13  }
0x17a: {  	v3 =	vor.u32 v3, v4  }
0x17b: {  	v4 =	vperm.xlane v3, v0;
	_ =	sdelay $0x1  }
0x17c: {  	v4 =	vadd.s32 v1, v4;
	_ =	sdelay $0x4  }
0x17d: {  	[tilespmem:s3], [sflag:$0x2] =	stream.indirect_vreg.gather [hbm4b:s1+s4], $0x80, v4, vm0, $0xb8;
	[tilespmem:$0x18C00] =	vst v63  }
0x17e: {  	v3 =	vperm.xlane v3, v2  }
0x17f: {  	[tilespmem:s5], [sflag:$0x2] =	stream.indirect_vreg.gather [hbm4b:s6+s4], $0x80, v4, vm0, $0xb8;
	[tilespmem:$0x18C00] =	vst v63  }
0x180: {  	v3 =	vadd.s32 v1, v3  }
0x181: {  	[tilespmem:s12], [sflag:$0x2] =	stream.indirect_vreg.gather [hbm4b:s7+s4], $0x80, v4, vm0, $0xb8;
	[tilespmem:$0x18C00] =	vst v63  }
0x182: {  	_ = 	snop  }
0x183: {  	[tilespmem:s13], [sflag:$0x2] =	stream.indirect_vreg.gather [hbm4b:s8+s4], $0x80, v4, vm0, $0xb8;
	[tilespmem:$0x18C00] =	vst v63  }
0x184: {  	_ = 	snop  }
0x185: {  	[tilespmem:s14], [sflag:$0x2] =	stream.indirect_vreg.gather [hbm4b:s1+s4], $0x80, v3, vm0, $0xb8;
	[tilespmem:$0x18C00] =	vst v63  }
0x186: {  	_ = 	snop  }
0x187: {  	[tilespmem:s17], [sflag:$0x2] =	stream.indirect_vreg.gather [hbm4b:s6+s4], $0x80, v3, vm0, $0xb8;
	[tilespmem:$0x18C00] =	vst v63  }
0x188: {  	_ = 	snop  }
0x189: {  	[tilespmem:s20], [sflag:$0x2] =	stream.indirect_vreg.gather [hbm4b:s7+s4], $0x80, v3, vm0, $0xb8;
	[tilespmem:$0x18C00] =	vst v63  }
0x18a: {  	s28 =	simm.s32 $0x3  }
0x18b: {  	[tilespmem:s23], [sflag:$0x2] =	stream.indirect_vreg.gather [hbm4b:s8+s4], $0x80, v3, vm0, $0xb8;
	[tilespmem:$0x18C00] =	vst v63  }
0x18c: {  	_ =	swait.ge [sflag:s28], $0x8000  }
0x18d: {  	[sflag:s28] =	ssyncset.done $0x0  }
0x18e: {  	[sflag:s28] =	ssyncadd.s32 $0xFFFF8000  }
0x18f: {  	v3 =	vld [tilespmem:$0x500];
	_ =	sdelay $0x4  }
0x190: {  	v14 =	vshll.u32 v3, $0x3  }
0x191: {  	v3 =	vand.u32 $0x7, v3;
	v4 =	vand.u32 $0xFFFFFFC0, v14  }
0x192: {  	v3 =	vor.u32 v3, v4  }
0x193: {  	v4 =	vperm.xlane v3, v0;
	_ =	sdelay $0x1  }
0x194: {  	v4 =	vadd.s32 v1, v4;
	_ =	sdelay $0x3  }
0x195: {  	s30 =	simm.s32 $0x10C00  }
0x196: {  	[hbm4b:s2+s4] =	stream.indirect_vreg.scatter [tilespmem:s30], [sflag:$0x6], $0x80, v4, vm0, $0xb8;
	[tilespmem:$0x18C00] =	vst v63  }
0x197: {  	s31 =	simm.s32 $0x11400;
	v3 =	vperm.xlane v3, v2  }
0x198: {  	[hbm4b:s9+s4] =	stream.indirect_vreg.scatter [tilespmem:s31], [sflag:$0x6], $0x80, v4, vm0, $0xb8;
	[tilespmem:$0x18C00] =	vst v63  }
0x199: {  	s0 =	simm.s32 $0x11C00;
	v3 =	vadd.s32 v1, v3  }
0x19a: {  	[hbm4b:s10+s4] =	stream.indirect_vreg.scatter [tilespmem:s0], [sflag:$0x6], $0x80, v4, vm0, $0xb8;
	[tilespmem:$0x18C00] =	vst v63  }
0x19b: {  	s14 =	simm.s32 $0x12400  }
0x19c: {  	[hbm4b:s11+s4] =	stream.indirect_vreg.scatter [tilespmem:s14], [sflag:$0x6], $0x80, v4, vm0, $0xb8;
	[tilespmem:$0x18C00] =	vst v63  }
0x19d: {  	s15 =	simm.s32 $0x12C00  }
0x19e: {  	[hbm4b:s2+s4] =	stream.indirect_vreg.scatter [tilespmem:s15], [sflag:$0x6], $0x80, v3, vm0, $0xb8;
	[tilespmem:$0x18C00] =	vst v63  }
0x19f: {  	s12 =	simm.s32 $0x13400  }
0x1a0: {  	[hbm4b:s9+s4] =	stream.indirect_vreg.scatter [tilespmem:s12], [sflag:$0x6], $0x80, v3, vm0, $0xb8;
	[tilespmem:$0x18C00] =	vst v63  }
0x1a1: {  	s13 =	simm.s32 $0x13C00  }
0x1a2: {  	[hbm4b:s10+s4] =	stream.indirect_vreg.scatter [tilespmem:s13], [sflag:$0x6], $0x80, v3, vm0, $0xb8;
	[tilespmem:$0x18C00] =	vst v63  }
0x1a3: {  	s3 =	simm.s32 $0x14400  }
0x1a4: {  	[hbm4b:s11+s4] =	stream.indirect_vreg.scatter [tilespmem:s3], [sflag:$0x6], $0x80, v3, vm0, $0xb8;
	[tilespmem:$0x18C00] =	vst v63  }
0x1a5: {  	v3 =	vld [tilespmem:$0x510];
	_ =	sdelay $0x4  }
0x1a6: {  	v15 =	vshll.u32 v3, $0x3  }
0x1a7: {  	v3 =	vand.u32 $0x7, v3;
	v4 =	vand.u32 $0xFFFFFFC0, v15  }
0x1a8: {  	v3 =	vor.u32 v3, v4  }
0x1a9: {  	v4 =	vperm.xlane v3, v0;
	_ =	sdelay $0x1  }
0x1aa: {  	v4 =	vadd.s32 v1, v4;
	_ =	sdelay $0x3  }
0x1ab: {  	s18 =	simm.s32 $0x14C00  }
0x1ac: {  	[hbm4b:s2+s4] =	stream.indirect_vreg.scatter [tilespmem:s18], [sflag:$0x6], $0x80, v4, vm0, $0xb8;
	[tilespmem:$0x18C00] =	vst v63  }
0x1ad: {  	s19 =	simm.s32 $0x15400;
	v3 =	vperm.xlane v3, v2  }
0x1ae: {  	[hbm4b:s9+s4] =	stream.indirect_vreg.scatter [tilespmem:s19], [sflag:$0x6], $0x80, v4, vm0, $0xb8;
	[tilespmem:$0x18C00] =	vst v63  }
0x1af: {  	s16 =	simm.s32 $0x15C00;
	v3 =	vadd.s32 v1, v3  }
0x1b0: {  	[hbm4b:s10+s4] =	stream.indirect_vreg.scatter [tilespmem:s16], [sflag:$0x6], $0x80, v4, vm0, $0xb8;
	[tilespmem:$0x18C00] =	vst v63  }
0x1b1: {  	s17 =	simm.s32 $0x16400  }
0x1b2: {  	[hbm4b:s11+s4] =	stream.indirect_vreg.scatter [tilespmem:s17], [sflag:$0x6], $0x80, v4, vm0, $0xb8;
	[tilespmem:$0x18C00] =	vst v63  }
0x1b3: {  	s23 =	simm.s32 $0x16C00  }
0x1b4: {  	[hbm4b:s2+s4] =	stream.indirect_vreg.scatter [tilespmem:s23], [sflag:$0x6], $0x80, v3, vm0, $0xb8;
	[tilespmem:$0x18C00] =	vst v63  }
0x1b5: {  	s24 =	simm.s32 $0x17400  }
0x1b6: {  	[hbm4b:s9+s4] =	stream.indirect_vreg.scatter [tilespmem:s24], [sflag:$0x6], $0x80, v3, vm0, $0xb8;
	[tilespmem:$0x18C00] =	vst v63  }
0x1b7: {  	s29 =	simm.s32 $0x17C00  }
0x1b8: {  	[hbm4b:s10+s4] =	stream.indirect_vreg.scatter [tilespmem:s29], [sflag:$0x6], $0x80, v3, vm0, $0xb8;
	[tilespmem:$0x18C00] =	vst v63  }
0x1b9: {  	s5 =	simm.s32 $0x6;
	s20 =	simm.s32 $0x18400  }
0x1ba: {  	[hbm4b:s11+s4] =	stream.indirect_vreg.scatter [tilespmem:s20], [sflag:$0x6], $0x80, v3, vm0, $0xb8;
	[tilespmem:$0x18C00] =	vst v63  }
0x1bb: {  	_ =	swait.ge [sflag:s5], $0x8000  }
0x1bc: {  	[sflag:s5] =	ssyncset.done $0x0  }
0x1bd: {  	[sflag:s5] =	ssyncadd.s32 $0xFFFF8000  }
0x1be: {  	v3 =	vld [tilespmem:$0x2A0];
	_ =	sdelay $0x4  }
0x1bf: {  	v16 =	vshll.u32 v3, $0x3  }
0x1c0: {  	v3 =	vand.u32 $0x7, v3;
	v4 =	vand.u32 $0xFFFFFFC0, v16  }
0x1c1: {  	v3 =	vor.u32 v3, v4  }
0x1c2: {  	v4 =	vperm.xlane v3, v0;
	_ =	sdelay $0x1  }
0x1c3: {  	v4 =	vadd.s32 v1, v4;
	_ =	sdelay $0x4  }
0x1c4: {  	[tilespmem:s30], [sflag:$0x3] =	stream.indirect_vreg.gather [hbm4b:s1+s4], $0x80, v4, vm0, $0xb8;
	[tilespmem:$0x18C00] =	vst v63  }
0x1c5: {  	v3 =	vperm.xlane v3, v2  }
0x1c6: {  	[tilespmem:s31], [sflag:$0x3] =	stream.indirect_vreg.gather [hbm4b:s6+s4], $0x80, v4, vm0, $0xb8;
	[tilespmem:$0x18C00] =	vst v63  }
0x1c7: {  	v3 =	vadd.s32 v1, v3  }
0x1c8: {  	[tilespmem:s0], [sflag:$0x3] =	stream.indirect_vreg.gather [hbm4b:s7+s4], $0x80, v4, vm0, $0xb8;
	[tilespmem:$0x18C00] =	vst v63  }
0x1c9: {  	_ = 	snop  }
0x1ca: {  	[tilespmem:s14], [sflag:$0x3] =	stream.indirect_vreg.gather [hbm4b:s8+s4], $0x80, v4, vm0, $0xb8;
	[tilespmem:$0x18C00] =	vst v63  }
0x1cb: {  	_ = 	snop  }
0x1cc: {  	[tilespmem:s15], [sflag:$0x3] =	stream.indirect_vreg.gather [hbm4b:s1+s4], $0x80, v3, vm0, $0xb8;
	[tilespmem:$0x18C00] =	vst v63  }
0x1cd: {  	_ = 	snop  }
0x1ce: {  	[tilespmem:s12], [sflag:$0x3] =	stream.indirect_vreg.gather [hbm4b:s6+s4], $0x80, v3, vm0, $0xb8;
	[tilespmem:$0x18C00] =	vst v63  }
0x1cf: {  	_ = 	snop  }
0x1d0: {  	[tilespmem:s13], [sflag:$0x3] =	stream.indirect_vreg.gather [hbm4b:s7+s4], $0x80, v3, vm0, $0xb8;
	[tilespmem:$0x18C00] =	vst v63  }
0x1d1: {  	_ = 	snop  }
0x1d2: {  	[tilespmem:s3], [sflag:$0x3] =	stream.indirect_vreg.gather [hbm4b:s8+s4], $0x80, v3, vm0, $0xb8;
	[tilespmem:$0x18C00] =	vst v63  }
0x1d3: {  	v3 =	vld [tilespmem:$0x2B0];
	_ =	sdelay $0x4  }
0x1d4: {  	v17 =	vshll.u32 v3, $0x3  }
0x1d5: {  	v3 =	vand.u32 $0x7, v3;
	v4 =	vand.u32 $0xFFFFFFC0, v17  }
0x1d6: {  	v3 =	vor.u32 v3, v4  }
0x1d7: {  	v4 =	vperm.xlane v3, v0;
	_ =	sdelay $0x1  }
0x1d8: {  	v4 =	vadd.s32 v1, v4;
	_ =	sdelay $0x4  }
0x1d9: {  	[tilespmem:s18], [sflag:$0x3] =	stream.indirect_vreg.gather [hbm4b:s1+s4], $0x80, v4, vm0, $0xb8;
	[tilespmem:$0x18C00] =	vst v63  }
0x1da: {  	v3 =	vperm.xlane v3, v2  }
0x1db: {  	[tilespmem:s19], [sflag:$0x3] =	stream.indirect_vreg.gather [hbm4b:s6+s4], $0x80, v4, vm0, $0xb8;
	[tilespmem:$0x18C00] =	vst v63  }
0x1dc: {  	v3 =	vadd.s32 v1, v3  }
0x1dd: {  	[tilespmem:s16], [sflag:$0x3] =	stream.indirect_vreg.gather [hbm4b:s7+s4], $0x80, v4, vm0, $0xb8;
	[tilespmem:$0x18C00] =	vst v63  }
0x1de: {  	_ = 	snop  }
0x1df: {  	[tilespmem:s17], [sflag:$0x3] =	stream.indirect_vreg.gather [hbm4b:s8+s4], $0x80, v4, vm0, $0xb8;
	[tilespmem:$0x18C00] =	vst v63  }
0x1e0: {  	_ = 	snop  }
0x1e1: {  	[tilespmem:s23], [sflag:$0x3] =	stream.indirect_vreg.gather [hbm4b:s1+s4], $0x80, v3, vm0, $0xb8;
	[tilespmem:$0x18C00] =	vst v63  }
0x1e2: {  	_ = 	snop  }
0x1e3: {  	[tilespmem:s24], [sflag:$0x3] =	stream.indirect_vreg.gather [hbm4b:s6+s4], $0x80, v3, vm0, $0xb8;
	[tilespmem:$0x18C00] =	vst v63  }
0x1e4: {  	_ = 	snop  }
0x1e5: {  	[tilespmem:s29], [sflag:$0x3] =	stream.indirect_vreg.gather [hbm4b:s7+s4], $0x80, v3, vm0, $0xb8;
	[tilespmem:$0x18C00] =	vst v63  }
0x1e6: {  	s31 =	simm.s32 $0x1  }
0x1e7: {  	[tilespmem:s20], [sflag:$0x3] =	stream.indirect_vreg.gather [hbm4b:s8+s4], $0x80, v3, vm0, $0xb8;
	[tilespmem:$0x18C00] =	vst v63  }
0x1e8: {  	_ =	swait.ge [sflag:s31], $0x8000  }
0x1e9: {  	[sflag:s31] =	ssyncset.done $0x0  }
0x1ea: {  	[sflag:s31] =	ssyncadd.s32 $0xFFFF8000  }
0x1eb: {  	v3 =	vld [tilespmem:$0x580];
	_ =	sdelay $0x4  }
0x1ec: {  	v18 =	vshll.u32 v3, $0x3  }
0x1ed: {  	v3 =	vand.u32 $0x7, v3;
	v4 =	vand.u32 $0xFFFFFFC0, v18  }
0x1ee: {  	v3 =	vor.u32 v3, v4  }
0x1ef: {  	v4 =	vperm.xlane v3, v0;
	_ =	sdelay $0x1  }
0x1f0: {  	v4 =	vadd.s32 v1, v4;
	_ =	sdelay $0x3  }
0x1f1: {  	s17 =	simm.s32 $0xC00  }
0x1f2: {  	[hbm4b:s2+s4] =	stream.indirect_vreg.scatter [tilespmem:s17], [sflag:$0x4], $0x80, v4, vm0, $0xb8;
	[tilespmem:$0x18C00] =	vst v63  }
0x1f3: {  	s16 =	simm.s32 $0x1400;
	v3 =	vperm.xlane v3, v2  }
0x1f4: {  	[hbm4b:s9+s4] =	stream.indirect_vreg.scatter [tilespmem:s16], [sflag:$0x4], $0x80, v4, vm0, $0xb8;
	[tilespmem:$0x18C00] =	vst v63  }
0x1f5: {  	s12 =	simm.s32 $0x1C00;
	v3 =	vadd.s32 v1, v3  }
0x1f6: {  	[hbm4b:s10+s4] =	stream.indirect_vreg.scatter [tilespmem:s12], [sflag:$0x4], $0x80, v4, vm0, $0xb8;
	[tilespmem:$0x18C00] =	vst v63  }
0x1f7: {  	s15 =	simm.s32 $0x2400  }
0x1f8: {  	[hbm4b:s11+s4] =	stream.indirect_vreg.scatter [tilespmem:s15], [sflag:$0x4], $0x80, v4, vm0, $0xb8;
	[tilespmem:$0x18C00] =	vst v63  }
0x1f9: {  	s23 =	simm.s32 $0x2C00  }
0x1fa: {  	[hbm4b:s2+s4] =	stream.indirect_vreg.scatter [tilespmem:s23], [sflag:$0x4], $0x80, v3, vm0, $0xb8;
	[tilespmem:$0x18C00] =	vst v63  }
0x1fb: {  	s0 =	simm.s32 $0x3400  }
0x1fc: {  	[hbm4b:s9+s4] =	stream.indirect_vreg.scatter [tilespmem:s0], [sflag:$0x4], $0x80, v3, vm0, $0xb8;
	[tilespmem:$0x18C00] =	vst v63  }
0x1fd: {  	s13 =	simm.s32 $0x3C00  }
0x1fe: {  	[hbm4b:s10+s4] =	stream.indirect_vreg.scatter [tilespmem:s13], [sflag:$0x4], $0x80, v3, vm0, $0xb8;
	[tilespmem:$0x18C00] =	vst v63  }
0x1ff: {  	s14 =	simm.s32 $0x4400  }
0x200: {  	[hbm4b:s11+s4] =	stream.indirect_vreg.scatter [tilespmem:s14], [sflag:$0x4], $0x80, v3, vm0, $0xb8;
	[tilespmem:$0x18C00] =	vst v63  }
0x201: {  	v3 =	vld [tilespmem:$0x590];
	_ =	sdelay $0x4  }
0x202: {  	v19 =	vshll.u32 v3, $0x3  }
0x203: {  	v3 =	vand.u32 $0x7, v3;
	v4 =	vand.u32 $0xFFFFFFC0, v19  }
0x204: {  	v3 =	vor.u32 v3, v4  }
0x205: {  	v4 =	vperm.xlane v3, v0;
	_ =	sdelay $0x1  }
0x206: {  	v4 =	vadd.s32 v1, v4;
	_ =	sdelay $0x3  }
0x207: {  	s18 =	simm.s32 $0x4C00  }
0x208: {  	[hbm4b:s2+s4] =	stream.indirect_vreg.scatter [tilespmem:s18], [sflag:$0x4], $0x80, v4, vm0, $0xb8;
	[tilespmem:$0x18C00] =	vst v63  }
0x209: {  	s19 =	simm.s32 $0x5400;
	v3 =	vperm.xlane v3, v2  }
0x20a: {  	[hbm4b:s9+s4] =	stream.indirect_vreg.scatter [tilespmem:s19], [sflag:$0x4], $0x80, v4, vm0, $0xb8;
	[tilespmem:$0x18C00] =	vst v63  }
0x20b: {  	s21 =	simm.s32 $0x5C00;
	v3 =	vadd.s32 v1, v3  }
0x20c: {  	[hbm4b:s10+s4] =	stream.indirect_vreg.scatter [tilespmem:s21], [sflag:$0x4], $0x80, v4, vm0, $0xb8;
	[tilespmem:$0x18C00] =	vst v63  }
0x20d: {  	s20 =	simm.s32 $0x6400  }
0x20e: {  	[hbm4b:s11+s4] =	stream.indirect_vreg.scatter [tilespmem:s20], [sflag:$0x4], $0x80, v4, vm0, $0xb8;
	[tilespmem:$0x18C00] =	vst v63  }
0x20f: {  	s3 =	simm.s32 $0x6C00  }
0x210: {  	[hbm4b:s2+s4] =	stream.indirect_vreg.scatter [tilespmem:s3], [sflag:$0x4], $0x80, v3, vm0, $0xb8;
	[tilespmem:$0x18C00] =	vst v63  }
0x211: {  	s5 =	simm.s32 $0x7400  }
0x212: {  	[hbm4b:s9+s4] =	stream.indirect_vreg.scatter [tilespmem:s5], [sflag:$0x4], $0x80, v3, vm0, $0xb8;
	[tilespmem:$0x18C00] =	vst v63  }
0x213: {  	s24 =	simm.s32 $0x7C00  }
0x214: {  	[hbm4b:s10+s4] =	stream.indirect_vreg.scatter [tilespmem:s24], [sflag:$0x4], $0x80, v3, vm0, $0xb8;
	[tilespmem:$0x18C00] =	vst v63  }
0x215: {  	s31 =	simm.s32 $0x8400  }
0x216: {  	[hbm4b:s11+s4] =	stream.indirect_vreg.scatter [tilespmem:s31], [sflag:$0x4], $0x80, v3, vm0, $0xb8;
	[tilespmem:$0x18C00] =	vst v63  }
0x217: {  	_ =	swait.ge [sflag:s22], $0x8000  }
0x218: {  	[sflag:s22] =	ssyncset.done $0x0  }
0x219: {  	[sflag:s22] =	ssyncadd.s32 $0xFFFF8000  }
0x21a: {  	v3 =	vld [tilespmem:$0x2C0];
	_ =	sdelay $0x4  }
0x21b: {  	v20 =	vshll.u32 v3, $0x3  }
0x21c: {  	v3 =	vand.u32 $0x7, v3;
	v4 =	vand.u32 $0xFFFFFFC0, v20  }
0x21d: {  	v3 =	vor.u32 v3, v4  }
0x21e: {  	v4 =	vperm.xlane v3, v0;
	_ =	sdelay $0x1  }
0x21f: {  	v4 =	vadd.s32 v1, v4;
	_ =	sdelay $0x4  }
0x220: {  	[tilespmem:s17], [sflag:$0x1] =	stream.indirect_vreg.gather [hbm4b:s1+s4], $0x80, v4, vm0, $0xb8;
	[tilespmem:$0x18C00] =	vst v63  }
0x221: {  	v3 =	vperm.xlane v3, v2  }
0x222: {  	[tilespmem:s16], [sflag:$0x1] =	stream.indirect_vreg.gather [hbm4b:s6+s4], $0x80, v4, vm0, $0xb8;
	[tilespmem:$0x18C00] =	vst v63  }
0x223: {  	v3 =	vadd.s32 v1, v3  }
0x224: {  	[tilespmem:s12], [sflag:$0x1] =	stream.indirect_vreg.gather [hbm4b:s7+s4], $0x80, v4, vm0, $0xb8;
	[tilespmem:$0x18C00] =	vst v63  }
0x225: {  	_ = 	snop  }
0x226: {  	[tilespmem:s15], [sflag:$0x1] =	stream.indirect_vreg.gather [hbm4b:s8+s4], $0x80, v4, vm0, $0xb8;
	[tilespmem:$0x18C00] =	vst v63  }
0x227: {  	_ = 	snop  }
0x228: {  	[tilespmem:s23], [sflag:$0x1] =	stream.indirect_vreg.gather [hbm4b:s1+s4], $0x80, v3, vm0, $0xb8;
	[tilespmem:$0x18C00] =	vst v63  }
0x229: {  	_ = 	snop  }
0x22a: {  	[tilespmem:s0], [sflag:$0x1] =	stream.indirect_vreg.gather [hbm4b:s6+s4], $0x80, v3, vm0, $0xb8;
	[tilespmem:$0x18C00] =	vst v63  }
0x22b: {  	_ = 	snop  }
0x22c: {  	[tilespmem:s13], [sflag:$0x1] =	stream.indirect_vreg.gather [hbm4b:s7+s4], $0x80, v3, vm0, $0xb8;
	[tilespmem:$0x18C00] =	vst v63  }
0x22d: {  	_ = 	snop  }
0x22e: {  	[tilespmem:s14], [sflag:$0x1] =	stream.indirect_vreg.gather [hbm4b:s8+s4], $0x80, v3, vm0, $0xb8;
	[tilespmem:$0x18C00] =	vst v63  }
0x22f: {  	v3 =	vld [tilespmem:$0x2D0];
	_ =	sdelay $0x4  }
0x230: {  	v21 =	vshll.u32 v3, $0x3  }
0x231: {  	v3 =	vand.u32 $0x7, v3;
	v4 =	vand.u32 $0xFFFFFFC0, v21  }
0x232: {  	v3 =	vor.u32 v3, v4  }
0x233: {  	v4 =	vperm.xlane v3, v0;
	_ =	sdelay $0x1  }
0x234: {  	v4 =	vadd.s32 v1, v4;
	_ =	sdelay $0x4  }
0x235: {  	[tilespmem:s18], [sflag:$0x1] =	stream.indirect_vreg.gather [hbm4b:s1+s4], $0x80, v4, vm0, $0xb8;
	[tilespmem:$0x18C00] =	vst v63  }
0x236: {  	v3 =	vperm.xlane v3, v2  }
0x237: {  	[tilespmem:s19], [sflag:$0x1] =	stream.indirect_vreg.gather [hbm4b:s6+s4], $0x80, v4, vm0, $0xb8;
	[tilespmem:$0x18C00] =	vst v63  }
0x238: {  	v3 =	vadd.s32 v1, v3  }
0x239: {  	[tilespmem:s21], [sflag:$0x1] =	stream.indirect_vreg.gather [hbm4b:s7+s4], $0x80, v4, vm0, $0xb8;
	[tilespmem:$0x18C00] =	vst v63  }
0x23a: {  	_ = 	snop  }
0x23b: {  	[tilespmem:s20], [sflag:$0x1] =	stream.indirect_vreg.gather [hbm4b:s8+s4], $0x80, v4, vm0, $0xb8;
	[tilespmem:$0x18C00] =	vst v63  }
0x23c: {  	_ = 	snop  }
0x23d: {  	[tilespmem:s3], [sflag:$0x1] =	stream.indirect_vreg.gather [hbm4b:s1+s4], $0x80, v3, vm0, $0xb8;
	[tilespmem:$0x18C00] =	vst v63  }
0x23e: {  	_ = 	snop  }
0x23f: {  	[tilespmem:s5], [sflag:$0x1] =	stream.indirect_vreg.gather [hbm4b:s6+s4], $0x80, v3, vm0, $0xb8;
	[tilespmem:$0x18C00] =	vst v63  }
0x240: {  	_ = 	snop  }
0x241: {  	[tilespmem:s24], [sflag:$0x1] =	stream.indirect_vreg.gather [hbm4b:s7+s4], $0x80, v3, vm0, $0xb8;
	[tilespmem:$0x18C00] =	vst v63  }
0x242: {  	_ = 	snop  }
0x243: {  	[tilespmem:s31], [sflag:$0x1] =	stream.indirect_vreg.gather [hbm4b:s8+s4], $0x80, v3, vm0, $0xb8;
	[tilespmem:$0x18C00] =	vst v63  }
0x244: {  	_ =	swait.ge [sflag:s26], $0x8000  }
0x245: {  	[sflag:s26] =	ssyncset.done $0x0  }
0x246: {  	[sflag:s26] =	ssyncadd.s32 $0xFFFF8000  }
0x247: {  	v3 =	vld [tilespmem:$0x600];
	_ =	sdelay $0x4  }
0x248: {  	v22 =	vshll.u32 v3, $0x3  }
0x249: {  	v3 =	vand.u32 $0x7, v3;
	v4 =	vand.u32 $0xFFFFFFC0, v22  }
0x24a: {  	v3 =	vor.u32 v3, v4  }
0x24b: {  	v4 =	vperm.xlane v3, v0;
	_ =	sdelay $0x1  }
0x24c: {  	v4 =	vadd.s32 v1, v4;
	_ =	sdelay $0x3  }
0x24d: {  	s23 =	simm.s32 $0x8C00  }
0x24e: {  	[hbm4b:s2+s4] =	stream.indirect_vreg.scatter [tilespmem:s23], [sflag:$0x5], $0x80, v4, vm0, $0xb8;
	[tilespmem:$0x18C00] =	vst v63  }
0x24f: {  	s24 =	simm.s32 $0x9400;
	v3 =	vperm.xlane v3, v2  }
0x250: {  	[hbm4b:s9+s4] =	stream.indirect_vreg.scatter [tilespmem:s24], [sflag:$0x5], $0x80, v4, vm0, $0xb8;
	[tilespmem:$0x18C00] =	vst v63  }
0x251: {  	s12 =	simm.s32 $0x9C00;
	v3 =	vadd.s32 v1, v3  }
0x252: {  	[hbm4b:s10+s4] =	stream.indirect_vreg.scatter [tilespmem:s12], [sflag:$0x5], $0x80, v4, vm0, $0xb8;
	[tilespmem:$0x18C00] =	vst v63  }
0x253: {  	s5 =	simm.s32 $0xA400  }
0x254: {  	[hbm4b:s11+s4] =	stream.indirect_vreg.scatter [tilespmem:s5], [sflag:$0x5], $0x80, v4, vm0, $0xb8;
	[tilespmem:$0x18C00] =	vst v63  }
0x255: {  	s0 =	simm.s32 $0xAC00  }
0x256: {  	[hbm4b:s2+s4] =	stream.indirect_vreg.scatter [tilespmem:s0], [sflag:$0x5], $0x80, v3, vm0, $0xb8;
	[tilespmem:$0x18C00] =	vst v63  }
0x257: {  	s3 =	simm.s32 $0xB400  }
0x258: {  	[hbm4b:s9+s4] =	stream.indirect_vreg.scatter [tilespmem:s3], [sflag:$0x5], $0x80, v3, vm0, $0xb8;
	[tilespmem:$0x18C00] =	vst v63  }
0x259: {  	s13 =	simm.s32 $0xBC00  }
0x25a: {  	[hbm4b:s10+s4] =	stream.indirect_vreg.scatter [tilespmem:s13], [sflag:$0x5], $0x80, v3, vm0, $0xb8;
	[tilespmem:$0x18C00] =	vst v63  }
0x25b: {  	s19 =	simm.s32 $0xC400  }
0x25c: {  	[hbm4b:s11+s4] =	stream.indirect_vreg.scatter [tilespmem:s19], [sflag:$0x5], $0x80, v3, vm0, $0xb8;
	[tilespmem:$0x18C00] =	vst v63  }
0x25d: {  	v3 =	vld [tilespmem:$0x610];
	_ =	sdelay $0x4  }
0x25e: {  	v23 =	vshll.u32 v3, $0x3  }
0x25f: {  	v3 =	vand.u32 $0x7, v3;
	v4 =	vand.u32 $0xFFFFFFC0, v23  }
0x260: {  	v3 =	vor.u32 v3, v4  }
0x261: {  	v4 =	vperm.xlane v3, v0;
	_ =	sdelay $0x1  }
0x262: {  	v4 =	vadd.s32 v1, v4;
	_ =	sdelay $0x3  }
0x263: {  	s20 =	simm.s32 $0xCC00  }
0x264: {  	[hbm4b:s2+s4] =	stream.indirect_vreg.scatter [tilespmem:s20], [sflag:$0x5], $0x80, v4, vm0, $0xb8;
	[tilespmem:$0x18C00] =	vst v63  }
0x265: {  	s14 =	simm.s32 $0xD400;
	v3 =	vperm.xlane v3, v2  }
0x266: {  	[hbm4b:s9+s4] =	stream.indirect_vreg.scatter [tilespmem:s14], [sflag:$0x5], $0x80, v4, vm0, $0xb8;
	[tilespmem:$0x18C00] =	vst v63  }
0x267: {  	s15 =	simm.s32 $0xDC00;
	v3 =	vadd.s32 v1, v3  }
0x268: {  	[hbm4b:s10+s4] =	stream.indirect_vreg.scatter [tilespmem:s15], [sflag:$0x5], $0x80, v4, vm0, $0xb8;
	[tilespmem:$0x18C00] =	vst v63  }
0x269: {  	s16 =	simm.s32 $0xE400  }
0x26a: {  	[hbm4b:s11+s4] =	stream.indirect_vreg.scatter [tilespmem:s16], [sflag:$0x5], $0x80, v4, vm0, $0xb8;
	[tilespmem:$0x18C00] =	vst v63  }
0x26b: {  	s17 =	simm.s32 $0xEC00  }
0x26c: {  	[hbm4b:s2+s4] =	stream.indirect_vreg.scatter [tilespmem:s17], [sflag:$0x5], $0x80, v3, vm0, $0xb8;
	[tilespmem:$0x18C00] =	vst v63  }
0x26d: {  	s18 =	simm.s32 $0xF400  }
0x26e: {  	[hbm4b:s9+s4] =	stream.indirect_vreg.scatter [tilespmem:s18], [sflag:$0x5], $0x80, v3, vm0, $0xb8;
	[tilespmem:$0x18C00] =	vst v63  }
0x26f: {  	s21 =	simm.s32 $0xFC00  }
0x270: {  	[hbm4b:s10+s4] =	stream.indirect_vreg.scatter [tilespmem:s21], [sflag:$0x5], $0x80, v3, vm0, $0xb8;
	[tilespmem:$0x18C00] =	vst v63  }
0x271: {  	s31 =	simm.s32 $0x10400  }
0x272: {  	[hbm4b:s11+s4] =	stream.indirect_vreg.scatter [tilespmem:s31], [sflag:$0x5], $0x80, v3, vm0, $0xb8;
	[tilespmem:$0x18C00] =	vst v63  }
0x273: {  	_ =	swait.ge [sflag:s25], $0x8000  }
0x274: {  	[sflag:s25] =	ssyncset.done $0x0  }
0x275: {  	[sflag:s25] =	ssyncadd.s32 $0xFFFF8000  }
0x276: {  	v3 =	vld [tilespmem:$0x2E0];
	_ =	sdelay $0x4  }
0x277: {  	v24 =	vshll.u32 v3, $0x3  }
0x278: {  	v3 =	vand.u32 $0x7, v3;
	v4 =	vand.u32 $0xFFFFFFC0, v24  }
0x279: {  	v3 =	vor.u32 v3, v4  }
0x27a: {  	v4 =	vperm.xlane v3, v0;
	_ =	sdelay $0x1  }
0x27b: {  	v4 =	vadd.s32 v1, v4;
	_ =	sdelay $0x4  }
0x27c: {  	[tilespmem:s23], [sflag:$0x2] =	stream.indirect_vreg.gather [hbm4b:s1+s4], $0x80, v4, vm0, $0xb8;
	[tilespmem:$0x18C00] =	vst v63  }
0x27d: {  	v3 =	vperm.xlane v3, v2  }
0x27e: {  	[tilespmem:s24], [sflag:$0x2] =	stream.indirect_vreg.gather [hbm4b:s6+s4], $0x80, v4, vm0, $0xb8;
	[tilespmem:$0x18C00] =	vst v63  }
0x27f: {  	v3 =	vadd.s32 v1, v3  }
0x280: {  	[tilespmem:s12], [sflag:$0x2] =	stream.indirect_vreg.gather [hbm4b:s7+s4], $0x80, v4, vm0, $0xb8;
	[tilespmem:$0x18C00] =	vst v63  }
0x281: {  	_ = 	snop  }
0x282: {  	[tilespmem:s5], [sflag:$0x2] =	stream.indirect_vreg.gather [hbm4b:s8+s4], $0x80, v4, vm0, $0xb8;
	[tilespmem:$0x18C00] =	vst v63  }
0x283: {  	_ = 	snop  }
0x284: {  	[tilespmem:s0], [sflag:$0x2] =	stream.indirect_vreg.gather [hbm4b:s1+s4], $0x80, v3, vm0, $0xb8;
	[tilespmem:$0x18C00] =	vst v63  }
0x285: {  	_ = 	snop  }
0x286: {  	[tilespmem:s3], [sflag:$0x2] =	stream.indirect_vreg.gather [hbm4b:s6+s4], $0x80, v3, vm0, $0xb8;
	[tilespmem:$0x18C00] =	vst v63  }
0x287: {  	_ = 	snop  }
0x288: {  	[tilespmem:s13], [sflag:$0x2] =	stream.indirect_vreg.gather [hbm4b:s7+s4], $0x80, v3, vm0, $0xb8;
	[tilespmem:$0x18C00] =	vst v63  }
0x289: {  	_ = 	snop  }
0x28a: {  	[tilespmem:s19], [sflag:$0x2] =	stream.indirect_vreg.gather [hbm4b:s8+s4], $0x80, v3, vm0, $0xb8;
	[tilespmem:$0x18C00] =	vst v63  }
0x28b: {  	v3 =	vld [tilespmem:$0x2F0];
	_ =	sdelay $0x4  }
0x28c: {  	v25 =	vshll.u32 v3, $0x3  }
0x28d: {  	v3 =	vand.u32 $0x7, v3;
	v4 =	vand.u32 $0xFFFFFFC0, v25  }
0x28e: {  	v3 =	vor.u32 v3, v4  }
0x28f: {  	v4 =	vperm.xlane v3, v0;
	_ =	sdelay $0x1  }
0x290: {  	v4 =	vadd.s32 v1, v4;
	_ =	sdelay $0x4  }
0x291: {  	[tilespmem:s20], [sflag:$0x2] =	stream.indirect_vreg.gather [hbm4b:s1+s4], $0x80, v4, vm0, $0xb8;
	[tilespmem:$0x18C00] =	vst v63  }
0x292: {  	v3 =	vperm.xlane v3, v2  }
0x293: {  	[tilespmem:s14], [sflag:$0x2] =	stream.indirect_vreg.gather [hbm4b:s6+s4], $0x80, v4, vm0, $0xb8;
	[tilespmem:$0x18C00] =	vst v63  }
0x294: {  	v3 =	vadd.s32 v1, v3  }
0x295: {  	[tilespmem:s15], [sflag:$0x2] =	stream.indirect_vreg.gather [hbm4b:s7+s4], $0x80, v4, vm0, $0xb8;
	[tilespmem:$0x18C00] =	vst v63  }
0x296: {  	_ = 	snop  }
0x297: {  	[tilespmem:s16], [sflag:$0x2] =	stream.indirect_vreg.gather [hbm4b:s8+s4], $0x80, v4, vm0, $0xb8;
	[tilespmem:$0x18C00] =	vst v63  }
0x298: {  	_ = 	snop  }
0x299: {  	[tilespmem:s17], [sflag:$0x2] =	stream.indirect_vreg.gather [hbm4b:s1+s4], $0x80, v3, vm0, $0xb8;
	[tilespmem:$0x18C00] =	vst v63  }
0x29a: {  	_ = 	snop  }
0x29b: {  	[tilespmem:s18], [sflag:$0x2] =	stream.indirect_vreg.gather [hbm4b:s6+s4], $0x80, v3, vm0, $0xb8;
	[tilespmem:$0x18C00] =	vst v63  }
0x29c: {  	_ = 	snop  }
0x29d: {  	[tilespmem:s21], [sflag:$0x2] =	stream.indirect_vreg.gather [hbm4b:s7+s4], $0x80, v3, vm0, $0xb8;
	[tilespmem:$0x18C00] =	vst v63  }
0x29e: {  	_ = 	snop  }
0x29f: {  	[tilespmem:s31], [sflag:$0x2] =	stream.indirect_vreg.gather [hbm4b:s8+s4], $0x80, v3, vm0, $0xb8;
	[tilespmem:$0x18C00] =	vst v63  }
0x2a0: {  	_ =	swait.ge [sflag:s28], $0x8000  }
0x2a1: {  	[sflag:s28] =	ssyncset.done $0x0  }
0x2a2: {  	[sflag:s28] =	ssyncadd.s32 $0xFFFF8000  }
0x2a3: {  	v3 =	vld [tilespmem:$0x680];
	_ =	sdelay $0x4  }
0x2a4: {  	v26 =	vshll.u32 v3, $0x3  }
0x2a5: {  	v3 =	vand.u32 $0x7, v3;
	v4 =	vand.u32 $0xFFFFFFC0, v26  }
0x2a6: {  	v3 =	vor.u32 v3, v4  }
0x2a7: {  	v4 =	vperm.xlane v3, v0;
	_ =	sdelay $0x1  }
0x2a8: {  	v4 =	vadd.s32 v1, v4;
	_ =	sdelay $0x3  }
0x2a9: {  	s5 =	simm.s32 $0x10C00  }
0x2aa: {  	[hbm4b:s2+s4] =	stream.indirect_vreg.scatter [tilespmem:s5], [sflag:$0x6], $0x80, v4, vm0, $0xb8;
	[tilespmem:$0x18C00] =	vst v63  }
0x2ab: {  	s13 =	simm.s32 $0x11400;
	v3 =	vperm.xlane v3, v2  }
0x2ac: {  	[hbm4b:s9+s4] =	stream.indirect_vreg.scatter [tilespmem:s13], [sflag:$0x6], $0x80, v4, vm0, $0xb8;
	[tilespmem:$0x18C00] =	vst v63  }
0x2ad: {  	s31 =	simm.s32 $0x11C00;
	v3 =	vadd.s32 v1, v3  }
0x2ae: {  	[hbm4b:s10+s4] =	stream.indirect_vreg.scatter [tilespmem:s31], [sflag:$0x6], $0x80, v4, vm0, $0xb8;
	[tilespmem:$0x18C00] =	vst v63  }
0x2af: {  	s12 =	simm.s32 $0x12400  }
0x2b0: {  	[hbm4b:s11+s4] =	stream.indirect_vreg.scatter [tilespmem:s12], [sflag:$0x6], $0x80, v4, vm0, $0xb8;
	[tilespmem:$0x18C00] =	vst v63  }
0x2b1: {  	s17 =	simm.s32 $0x12C00  }
0x2b2: {  	[hbm4b:s2+s4] =	stream.indirect_vreg.scatter [tilespmem:s17], [sflag:$0x6], $0x80, v3, vm0, $0xb8;
	[tilespmem:$0x18C00] =	vst v63  }
0x2b3: {  	s0 =	simm.s32 $0x13400  }
0x2b4: {  	[hbm4b:s9+s4] =	stream.indirect_vreg.scatter [tilespmem:s0], [sflag:$0x6], $0x80, v3, vm0, $0xb8;
	[tilespmem:$0x18C00] =	vst v63  }
0x2b5: {  	s3 =	simm.s32 $0x13C00  }
0x2b6: {  	[hbm4b:s10+s4] =	stream.indirect_vreg.scatter [tilespmem:s3], [sflag:$0x6], $0x80, v3, vm0, $0xb8;
	[tilespmem:$0x18C00] =	vst v63  }
0x2b7: {  	s14 =	simm.s32 $0x14400  }
0x2b8: {  	[hbm4b:s11+s4] =	stream.indirect_vreg.scatter [tilespmem:s14], [sflag:$0x6], $0x80, v3, vm0, $0xb8;
	[tilespmem:$0x18C00] =	vst v63  }
0x2b9: {  	v3 =	vld [tilespmem:$0x690];
	_ =	sdelay $0x4  }
0x2ba: {  	v27 =	vshll.u32 v3, $0x3  }
0x2bb: {  	v3 =	vand.u32 $0x7, v3;
	v4 =	vand.u32 $0xFFFFFFC0, v27  }
0x2bc: {  	v3 =	vor.u32 v3, v4  }
0x2bd: {  	v4 =	vperm.xlane v3, v0;
	_ =	sdelay $0x1  }
0x2be: {  	v4 =	vadd.s32 v1, v4;
	_ =	sdelay $0x3  }
0x2bf: {  	s15 =	simm.s32 $0x14C00  }
0x2c0: {  	[hbm4b:s2+s4] =	stream.indirect_vreg.scatter [tilespmem:s15], [sflag:$0x6], $0x80, v4, vm0, $0xb8;
	[tilespmem:$0x18C00] =	vst v63  }
0x2c1: {  	s16 =	simm.s32 $0x15400;
	v3 =	vperm.xlane v3, v2  }
0x2c2: {  	[hbm4b:s9+s4] =	stream.indirect_vreg.scatter [tilespmem:s16], [sflag:$0x6], $0x80, v4, vm0, $0xb8;
	[tilespmem:$0x18C00] =	vst v63  }
0x2c3: {  	s18 =	simm.s32 $0x15C00;
	v3 =	vadd.s32 v1, v3  }
0x2c4: {  	[hbm4b:s10+s4] =	stream.indirect_vreg.scatter [tilespmem:s18], [sflag:$0x6], $0x80, v4, vm0, $0xb8;
	[tilespmem:$0x18C00] =	vst v63  }
0x2c5: {  	s19 =	simm.s32 $0x16400  }
0x2c6: {  	[hbm4b:s11+s4] =	stream.indirect_vreg.scatter [tilespmem:s19], [sflag:$0x6], $0x80, v4, vm0, $0xb8;
	[tilespmem:$0x18C00] =	vst v63  }
0x2c7: {  	s21 =	simm.s32 $0x16C00  }
0x2c8: {  	[hbm4b:s2+s4] =	stream.indirect_vreg.scatter [tilespmem:s21], [sflag:$0x6], $0x80, v3, vm0, $0xb8;
	[tilespmem:$0x18C00] =	vst v63  }
0x2c9: {  	s23 =	simm.s32 $0x17400  }
0x2ca: {  	[hbm4b:s9+s4] =	stream.indirect_vreg.scatter [tilespmem:s23], [sflag:$0x6], $0x80, v3, vm0, $0xb8;
	[tilespmem:$0x18C00] =	vst v63  }
0x2cb: {  	s24 =	simm.s32 $0x17C00  }
0x2cc: {  	[hbm4b:s10+s4] =	stream.indirect_vreg.scatter [tilespmem:s24], [sflag:$0x6], $0x80, v3, vm0, $0xb8;
	[tilespmem:$0x18C00] =	vst v63  }
0x2cd: {  	s29 =	simm.s32 $0x6;
	s20 =	simm.s32 $0x18400  }
0x2ce: {  	[hbm4b:s11+s4] =	stream.indirect_vreg.scatter [tilespmem:s20], [sflag:$0x6], $0x80, v3, vm0, $0xb8;
	[tilespmem:$0x18C00] =	vst v63  }
0x2cf: {  	_ =	swait.ge [sflag:s29], $0x8000  }
0x2d0: {  	[sflag:s29] =	ssyncset.done $0x0  }
0x2d1: {  	[sflag:s29] =	ssyncadd.s32 $0xFFFF8000  }
0x2d2: {  	v3 =	vld [tilespmem:$0x300];
	_ =	sdelay $0x4  }
0x2d3: {  	v28 =	vshll.u32 v3, $0x3  }
0x2d4: {  	v3 =	vand.u32 $0x7, v3;
	v4 =	vand.u32 $0xFFFFFFC0, v28  }
0x2d5: {  	v3 =	vor.u32 v3, v4  }
0x2d6: {  	v4 =	vperm.xlane v3, v0;
	_ =	sdelay $0x1  }
0x2d7: {  	v4 =	vadd.s32 v1, v4;
	_ =	sdelay $0x4  }
0x2d8: {  	[tilespmem:s5], [sflag:$0x3] =	stream.indirect_vreg.gather [hbm4b:s1+s4], $0x80, v4, vm0, $0xb8;
	[tilespmem:$0x18C00] =	vst v63  }
0x2d9: {  	v3 =	vperm.xlane v3, v2  }
0x2da: {  	[tilespmem:s13], [sflag:$0x3] =	stream.indirect_vreg.gather [hbm4b:s6+s4], $0x80, v4, vm0, $0xb8;
	[tilespmem:$0x18C00] =	vst v63  }
0x2db: {  	v3 =	vadd.s32 v1, v3  }
0x2dc: {  	[tilespmem:s31], [sflag:$0x3] =	stream.indirect_vreg.gather [hbm4b:s7+s4], $0x80, v4, vm0, $0xb8;
	[tilespmem:$0x18C00] =	vst v63  }
0x2dd: {  	_ = 	snop  }
0x2de: {  	[tilespmem:s12], [sflag:$0x3] =	stream.indirect_vreg.gather [hbm4b:s8+s4], $0x80, v4, vm0, $0xb8;
	[tilespmem:$0x18C00] =	vst v63  }
0x2df: {  	_ = 	snop  }
0x2e0: {  	[tilespmem:s17], [sflag:$0x3] =	stream.indirect_vreg.gather [hbm4b:s1+s4], $0x80, v3, vm0, $0xb8;
	[tilespmem:$0x18C00] =	vst v63  }
0x2e1: {  	_ = 	snop  }
0x2e2: {  	[tilespmem:s0], [sflag:$0x3] =	stream.indirect_vreg.gather [hbm4b:s6+s4], $0x80, v3, vm0, $0xb8;
	[tilespmem:$0x18C00] =	vst v63  }
0x2e3: {  	_ = 	snop  }
0x2e4: {  	[tilespmem:s3], [sflag:$0x3] =	stream.indirect_vreg.gather [hbm4b:s7+s4], $0x80, v3, vm0, $0xb8;
	[tilespmem:$0x18C00] =	vst v63  }
0x2e5: {  	_ = 	snop  }
0x2e6: {  	[tilespmem:s14], [sflag:$0x3] =	stream.indirect_vreg.gather [hbm4b:s8+s4], $0x80, v3, vm0, $0xb8;
	[tilespmem:$0x18C00] =	vst v63  }
0x2e7: {  	v3 =	vld [tilespmem:$0x310];
	_ =	sdelay $0x4  }
0x2e8: {  	v29 =	vshll.u32 v3, $0x3  }
0x2e9: {  	v3 =	vand.u32 $0x7, v3;
	v4 =	vand.u32 $0xFFFFFFC0, v29  }
0x2ea: {  	v3 =	vor.u32 v3, v4  }
0x2eb: {  	v4 =	vperm.xlane v3, v0;
	_ =	sdelay $0x1  }
0x2ec: {  	v4 =	vadd.s32 v1, v4;
	_ =	sdelay $0x4  }
0x2ed: {  	[tilespmem:s15], [sflag:$0x3] =	stream.indirect_vreg.gather [hbm4b:s1+s4], $0x80, v4, vm0, $0xb8;
	[tilespmem:$0x18C00] =	vst v63  }
0x2ee: {  	v3 =	vperm.xlane v3, v2  }
0x2ef: {  	[tilespmem:s16], [sflag:$0x3] =	stream.indirect_vreg.gather [hbm4b:s6+s4], $0x80, v4, vm0, $0xb8;
	[tilespmem:$0x18C00] =	vst v63  }
0x2f0: {  	v3 =	vadd.s32 v1, v3  }
0x2f1: {  	[tilespmem:s18], [sflag:$0x3] =	stream.indirect_vreg.gather [hbm4b:s7+s4], $0x80, v4, vm0, $0xb8;
	[tilespmem:$0x18C00] =	vst v63  }
0x2f2: {  	_ = 	snop  }
0x2f3: {  	[tilespmem:s19], [sflag:$0x3] =	stream.indirect_vreg.gather [hbm4b:s8+s4], $0x80, v4, vm0, $0xb8;
	[tilespmem:$0x18C00] =	vst v63  }
0x2f4: {  	_ = 	snop  }
0x2f5: {  	[tilespmem:s21], [sflag:$0x3] =	stream.indirect_vreg.gather [hbm4b:s1+s4], $0x80, v3, vm0, $0xb8;
	[tilespmem:$0x18C00] =	vst v63  }
0x2f6: {  	_ = 	snop  }
0x2f7: {  	[tilespmem:s23], [sflag:$0x3] =	stream.indirect_vreg.gather [hbm4b:s6+s4], $0x80, v3, vm0, $0xb8;
	[tilespmem:$0x18C00] =	vst v63  }
0x2f8: {  	_ = 	snop  }
0x2f9: {  	[tilespmem:s24], [sflag:$0x3] =	stream.indirect_vreg.gather [hbm4b:s7+s4], $0x80, v3, vm0, $0xb8;
	[tilespmem:$0x18C00] =	vst v63  }
0x2fa: {  	s15 =	simm.s32 $0x1  }
0x2fb: {  	[tilespmem:s20], [sflag:$0x3] =	stream.indirect_vreg.gather [hbm4b:s8+s4], $0x80, v3, vm0, $0xb8;
	[tilespmem:$0x18C00] =	vst v63  }
0x2fc: {  	_ =	swait.ge [sflag:s15], $0x8000  }
0x2fd: {  	[sflag:s15] =	ssyncset.done $0x0  }
0x2fe: {  	[sflag:s15] =	ssyncadd.s32 $0xFFFF8000  }
0x2ff: {  	v3 =	vld [tilespmem:$0x700];
	_ =	sdelay $0x4  }
0x300: {  	v30 =	vshll.u32 v3, $0x3  }
0x301: {  	v3 =	vand.u32 $0x7, v3;
	v4 =	vand.u32 $0xFFFFFFC0, v30  }
0x302: {  	v3 =	vor.u32 v3, v4  }
0x303: {  	v4 =	vperm.xlane v3, v0;
	_ =	sdelay $0x1  }
0x304: {  	v4 =	vadd.s32 v1, v4;
	_ =	sdelay $0x3  }
0x305: {  	s16 =	simm.s32 $0xC00  }
0x306: {  	[hbm4b:s2+s4] =	stream.indirect_vreg.scatter [tilespmem:s16], [sflag:$0x4], $0x80, v4, vm0, $0xb8;
	[tilespmem:$0x18C00] =	vst v63  }
0x307: {  	s3 =	simm.s32 $0x1400;
	v3 =	vperm.xlane v3, v2  }
0x308: {  	[hbm4b:s9+s4] =	stream.indirect_vreg.scatter [tilespmem:s3], [sflag:$0x4], $0x80, v4, vm0, $0xb8;
	[tilespmem:$0x18C00] =	vst v63  }
0x309: {  	s13 =	simm.s32 $0x1C00;
	v3 =	vadd.s32 v1, v3  }
0x30a: {  	[hbm4b:s10+s4] =	stream.indirect_vreg.scatter [tilespmem:s13], [sflag:$0x4], $0x80, v4, vm0, $0xb8;
	[tilespmem:$0x18C00] =	vst v63  }
0x30b: {  	s14 =	simm.s32 $0x2400  }
0x30c: {  	[hbm4b:s11+s4] =	stream.indirect_vreg.scatter [tilespmem:s14], [sflag:$0x4], $0x80, v4, vm0, $0xb8;
	[tilespmem:$0x18C00] =	vst v63  }
0x30d: {  	s15 =	simm.s32 $0x2C00  }
0x30e: {  	[hbm4b:s2+s4] =	stream.indirect_vreg.scatter [tilespmem:s15], [sflag:$0x4], $0x80, v3, vm0, $0xb8;
	[tilespmem:$0x18C00] =	vst v63  }
0x30f: {  	s5 =	simm.s32 $0x3400  }
0x310: {  	[hbm4b:s9+s4] =	stream.indirect_vreg.scatter [tilespmem:s5], [sflag:$0x4], $0x80, v3, vm0, $0xb8;
	[tilespmem:$0x18C00] =	vst v63  }
0x311: {  	s0 =	simm.s32 $0x3C00  }
0x312: {  	[hbm4b:s10+s4] =	stream.indirect_vreg.scatter [tilespmem:s0], [sflag:$0x4], $0x80, v3, vm0, $0xb8;
	[tilespmem:$0x18C00] =	vst v63  }
0x313: {  	s12 =	simm.s32 $0x4400  }
0x314: {  	[hbm4b:s11+s4] =	stream.indirect_vreg.scatter [tilespmem:s12], [sflag:$0x4], $0x80, v3, vm0, $0xb8;
	[tilespmem:$0x18C00] =	vst v63  }
0x315: {  	v3 =	vld [tilespmem:$0x710];
	_ =	sdelay $0x4  }
0x316: {  	v31 =	vshll.u32 v3, $0x3  }
0x317: {  	v3 =	vand.u32 $0x7, v3;
	v4 =	vand.u32 $0xFFFFFFC0, v31  }
0x318: {  	v3 =	vor.u32 v3, v4  }
0x319: {  	v4 =	vperm.xlane v3, v0;
	_ =	sdelay $0x1  }
0x31a: {  	v4 =	vadd.s32 v1, v4;
	_ =	sdelay $0x3  }
0x31b: {  	s17 =	simm.s32 $0x4C00  }
0x31c: {  	[hbm4b:s2+s4] =	stream.indirect_vreg.scatter [tilespmem:s17], [sflag:$0x4], $0x80, v4, vm0, $0xb8;
	[tilespmem:$0x18C00] =	vst v63  }
0x31d: {  	s30 =	simm.s32 $0x5400;
	v3 =	vperm.xlane v3, v2  }
0x31e: {  	[hbm4b:s9+s4] =	stream.indirect_vreg.scatter [tilespmem:s30], [sflag:$0x4], $0x80, v4, vm0, $0xb8;
	[tilespmem:$0x18C00] =	vst v63  }
0x31f: {  	s20 =	simm.s32 $0x5C00;
	v3 =	vadd.s32 v1, v3  }
0x320: {  	[hbm4b:s10+s4] =	stream.indirect_vreg.scatter [tilespmem:s20], [sflag:$0x4], $0x80, v4, vm0, $0xb8;
	[tilespmem:$0x18C00] =	vst v63  }
0x321: {  	s18 =	simm.s32 $0x6400  }
0x322: {  	[hbm4b:s11+s4] =	stream.indirect_vreg.scatter [tilespmem:s18], [sflag:$0x4], $0x80, v4, vm0, $0xb8;
	[tilespmem:$0x18C00] =	vst v63  }
0x323: {  	s23 =	simm.s32 $0x6C00  }
0x324: {  	[hbm4b:s2+s4] =	stream.indirect_vreg.scatter [tilespmem:s23], [sflag:$0x4], $0x80, v3, vm0, $0xb8;
	[tilespmem:$0x18C00] =	vst v63  }
0x325: {  	s24 =	simm.s32 $0x7400  }
0x326: {  	[hbm4b:s9+s4] =	stream.indirect_vreg.scatter [tilespmem:s24], [sflag:$0x4], $0x80, v3, vm0, $0xb8;
	[tilespmem:$0x18C00] =	vst v63  }
0x327: {  	s31 =	simm.s32 $0x7C00  }
0x328: {  	[hbm4b:s10+s4] =	stream.indirect_vreg.scatter [tilespmem:s31], [sflag:$0x4], $0x80, v3, vm0, $0xb8;
	[tilespmem:$0x18C00] =	vst v63  }
0x329: {  	s19 =	simm.s32 $0x8400  }
0x32a: {  	[hbm4b:s11+s4] =	stream.indirect_vreg.scatter [tilespmem:s19], [sflag:$0x4], $0x80, v3, vm0, $0xb8;
	[tilespmem:$0x18C00] =	vst v63  }
0x32b: {  	_ =	swait.ge [sflag:s22], $0x8000  }
0x32c: {  	[sflag:s22] =	ssyncset.done $0x0  }
0x32d: {  	[sflag:s22] =	ssyncadd.s32 $0xFFFF8000  }
0x32e: {  	v3 =	vld [tilespmem:$0x320];
	_ =	sdelay $0x4  }
0x32f: {  	v32 =	vshll.u32 v3, $0x3  }
0x330: {  	v3 =	vand.u32 $0x7, v3;
	v4 =	vand.u32 $0xFFFFFFC0, v32  }
0x331: {  	v3 =	vor.u32 v3, v4  }
0x332: {  	v4 =	vperm.xlane v3, v0;
	_ =	sdelay $0x1  }
0x333: {  	v4 =	vadd.s32 v1, v4;
	_ =	sdelay $0x4  }
0x334: {  	[tilespmem:s16], [sflag:$0x1] =	stream.indirect_vreg.gather [hbm4b:s1+s4], $0x80, v4, vm0, $0xb8;
	[tilespmem:$0x18C00] =	vst v63  }
0x335: {  	v3 =	vperm.xlane v3, v2  }
0x336: {  	[tilespmem:s3], [sflag:$0x1] =	stream.indirect_vreg.gather [hbm4b:s6+s4], $0x80, v4, vm0, $0xb8;
	[tilespmem:$0x18C00] =	vst v63  }
0x337: {  	v3 =	vadd.s32 v1, v3  }
0x338: {  	[tilespmem:s13], [sflag:$0x1] =	stream.indirect_vreg.gather [hbm4b:s7+s4], $0x80, v4, vm0, $0xb8;
	[tilespmem:$0x18C00] =	vst v63  }
0x339: {  	_ = 	snop  }
0x33a: {  	[tilespmem:s14], [sflag:$0x1] =	stream.indirect_vreg.gather [hbm4b:s8+s4], $0x80, v4, vm0, $0xb8;
	[tilespmem:$0x18C00] =	vst v63  }
0x33b: {  	_ = 	snop  }
0x33c: {  	[tilespmem:s15], [sflag:$0x1] =	stream.indirect_vreg.gather [hbm4b:s1+s4], $0x80, v3, vm0, $0xb8;
	[tilespmem:$0x18C00] =	vst v63  }
0x33d: {  	_ = 	snop  }
0x33e: {  	[tilespmem:s5], [sflag:$0x1] =	stream.indirect_vreg.gather [hbm4b:s6+s4], $0x80, v3, vm0, $0xb8;
	[tilespmem:$0x18C00] =	vst v63  }
0x33f: {  	_ = 	snop  }
0x340: {  	[tilespmem:s0], [sflag:$0x1] =	stream.indirect_vreg.gather [hbm4b:s7+s4], $0x80, v3, vm0, $0xb8;
	[tilespmem:$0x18C00] =	vst v63  }
0x341: {  	_ = 	snop  }
0x342: {  	[tilespmem:s12], [sflag:$0x1] =	stream.indirect_vreg.gather [hbm4b:s8+s4], $0x80, v3, vm0, $0xb8;
	[tilespmem:$0x18C00] =	vst v63  }
0x343: {  	v3 =	vld [tilespmem:$0x330];
	_ =	sdelay $0x4  }
0x344: {  	v33 =	vshll.u32 v3, $0x3  }
0x345: {  	v3 =	vand.u32 $0x7, v3;
	v4 =	vand.u32 $0xFFFFFFC0, v33  }
0x346: {  	v3 =	vor.u32 v3, v4  }
0x347: {  	v4 =	vperm.xlane v3, v0;
	_ =	sdelay $0x1  }
0x348: {  	v4 =	vadd.s32 v1, v4;
	_ =	sdelay $0x4  }
0x349: {  	[tilespmem:s17], [sflag:$0x1] =	stream.indirect_vreg.gather [hbm4b:s1+s4], $0x80, v4, vm0, $0xb8;
	[tilespmem:$0x18C00] =	vst v63  }
0x34a: {  	v3 =	vperm.xlane v3, v2  }
0x34b: {  	[tilespmem:s30], [sflag:$0x1] =	stream.indirect_vreg.gather [hbm4b:s6+s4], $0x80, v4, vm0, $0xb8;
	[tilespmem:$0x18C00] =	vst v63  }
0x34c: {  	v3 =	vadd.s32 v1, v3  }
0x34d: {  	[tilespmem:s20], [sflag:$0x1] =	stream.indirect_vreg.gather [hbm4b:s7+s4], $0x80, v4, vm0, $0xb8;
	[tilespmem:$0x18C00] =	vst v63  }
0x34e: {  	_ = 	snop  }
0x34f: {  	[tilespmem:s18], [sflag:$0x1] =	stream.indirect_vreg.gather [hbm4b:s8+s4], $0x80, v4, vm0, $0xb8;
	[tilespmem:$0x18C00] =	vst v63  }
0x350: {  	_ = 	snop  }
0x351: {  	[tilespmem:s23], [sflag:$0x1] =	stream.indirect_vreg.gather [hbm4b:s1+s4], $0x80, v3, vm0, $0xb8;
	[tilespmem:$0x18C00] =	vst v63  }
0x352: {  	_ = 	snop  }
0x353: {  	[tilespmem:s24], [sflag:$0x1] =	stream.indirect_vreg.gather [hbm4b:s6+s4], $0x80, v3, vm0, $0xb8;
	[tilespmem:$0x18C00] =	vst v63  }
0x354: {  	_ = 	snop  }
0x355: {  	[tilespmem:s31], [sflag:$0x1] =	stream.indirect_vreg.gather [hbm4b:s7+s4], $0x80, v3, vm0, $0xb8;
	[tilespmem:$0x18C00] =	vst v63  }
0x356: {  	_ = 	snop  }
0x357: {  	[tilespmem:s19], [sflag:$0x1] =	stream.indirect_vreg.gather [hbm4b:s8+s4], $0x80, v3, vm0, $0xb8;
	[tilespmem:$0x18C00] =	vst v63  }
0x358: {  	_ =	swait.ge [sflag:s26], $0x8000  }
0x359: {  	[sflag:s26] =	ssyncset.done $0x0  }
0x35a: {  	[sflag:s26] =	ssyncadd.s32 $0xFFFF8000  }
0x35b: {  	v3 =	vld [tilespmem:$0x780];
	_ =	sdelay $0x4  }
0x35c: {  	v34 =	vshll.u32 v3, $0x3  }
0x35d: {  	v3 =	vand.u32 $0x7, v3;
	v4 =	vand.u32 $0xFFFFFFC0, v34  }
0x35e: {  	v3 =	vor.u32 v3, v4  }
0x35f: {  	v4 =	vperm.xlane v3, v0;
	_ =	sdelay $0x1  }
0x360: {  	v4 =	vadd.s32 v1, v4;
	_ =	sdelay $0x3  }
0x361: {  	s24 =	simm.s32 $0x8C00  }
0x362: {  	[hbm4b:s2+s4] =	stream.indirect_vreg.scatter [tilespmem:s24], [sflag:$0x5], $0x80, v4, vm0, $0xb8;
	[tilespmem:$0x18C00] =	vst v63  }
0x363: {  	s30 =	simm.s32 $0x9400;
	v3 =	vperm.xlane v3, v2  }
0x364: {  	[hbm4b:s9+s4] =	stream.indirect_vreg.scatter [tilespmem:s30], [sflag:$0x5], $0x80, v4, vm0, $0xb8;
	[tilespmem:$0x18C00] =	vst v63  }
0x365: {  	s5 =	simm.s32 $0x9C00;
	v3 =	vadd.s32 v1, v3  }
0x366: {  	[hbm4b:s10+s4] =	stream.indirect_vreg.scatter [tilespmem:s5], [sflag:$0x5], $0x80, v4, vm0, $0xb8;
	[tilespmem:$0x18C00] =	vst v63  }
0x367: {  	s0 =	simm.s32 $0xA400  }
0x368: {  	[hbm4b:s11+s4] =	stream.indirect_vreg.scatter [tilespmem:s0], [sflag:$0x5], $0x80, v4, vm0, $0xb8;
	[tilespmem:$0x18C00] =	vst v63  }
0x369: {  	s14 =	simm.s32 $0xAC00  }
0x36a: {  	[hbm4b:s2+s4] =	stream.indirect_vreg.scatter [tilespmem:s14], [sflag:$0x5], $0x80, v3, vm0, $0xb8;
	[tilespmem:$0x18C00] =	vst v63  }
0x36b: {  	s26 =	simm.s32 $0xB400  }
0x36c: {  	[hbm4b:s9+s4] =	stream.indirect_vreg.scatter [tilespmem:s26], [sflag:$0x5], $0x80, v3, vm0, $0xb8;
	[tilespmem:$0x18C00] =	vst v63  }
0x36d: {  	s13 =	simm.s32 $0xBC00  }
0x36e: {  	[hbm4b:s10+s4] =	stream.indirect_vreg.scatter [tilespmem:s13], [sflag:$0x5], $0x80, v3, vm0, $0xb8;
	[tilespmem:$0x18C00] =	vst v63  }
0x36f: {  	s31 =	simm.s32 $0xC400  }
0x370: {  	[hbm4b:s11+s4] =	stream.indirect_vreg.scatter [tilespmem:s31], [sflag:$0x5], $0x80, v3, vm0, $0xb8;
	[tilespmem:$0x18C00] =	vst v63  }
0x371: {  	v3 =	vld [tilespmem:$0x790];
	_ =	sdelay $0x4  }
0x372: {  	v35 =	vshll.u32 v3, $0x3  }
0x373: {  	v3 =	vand.u32 $0x7, v3;
	v4 =	vand.u32 $0xFFFFFFC0, v35  }
0x374: {  	v3 =	vor.u32 v3, v4  }
0x375: {  	v4 =	vperm.xlane v3, v0;
	_ =	sdelay $0x1  }
0x376: {  	v4 =	vadd.s32 v1, v4;
	_ =	sdelay $0x3  }
0x377: {  	s16 =	simm.s32 $0xCC00  }
0x378: {  	[hbm4b:s2+s4] =	stream.indirect_vreg.scatter [tilespmem:s16], [sflag:$0x5], $0x80, v4, vm0, $0xb8;
	[tilespmem:$0x18C00] =	vst v63  }
0x379: {  	s3 =	simm.s32 $0xD400;
	v3 =	vperm.xlane v3, v2  }
0x37a: {  	[hbm4b:s9+s4] =	stream.indirect_vreg.scatter [tilespmem:s3], [sflag:$0x5], $0x80, v4, vm0, $0xb8;
	[tilespmem:$0x18C00] =	vst v63  }
0x37b: {  	s15 =	simm.s32 $0xDC00;
	v3 =	vadd.s32 v1, v3  }
0x37c: {  	[hbm4b:s10+s4] =	stream.indirect_vreg.scatter [tilespmem:s15], [sflag:$0x5], $0x80, v4, vm0, $0xb8;
	[tilespmem:$0x18C00] =	vst v63  }
0x37d: {  	s17 =	simm.s32 $0xE400  }
0x37e: {  	[hbm4b:s11+s4] =	stream.indirect_vreg.scatter [tilespmem:s17], [sflag:$0x5], $0x80, v4, vm0, $0xb8;
	[tilespmem:$0x18C00] =	vst v63  }
0x37f: {  	s18 =	simm.s32 $0xEC00  }
0x380: {  	[hbm4b:s2+s4] =	stream.indirect_vreg.scatter [tilespmem:s18], [sflag:$0x5], $0x80, v3, vm0, $0xb8;
	[tilespmem:$0x18C00] =	vst v63  }
0x381: {  	s19 =	simm.s32 $0xF400  }
0x382: {  	[hbm4b:s9+s4] =	stream.indirect_vreg.scatter [tilespmem:s19], [sflag:$0x5], $0x80, v3, vm0, $0xb8;
	[tilespmem:$0x18C00] =	vst v63  }
0x383: {  	s23 =	simm.s32 $0xFC00  }
0x384: {  	[hbm4b:s10+s4] =	stream.indirect_vreg.scatter [tilespmem:s23], [sflag:$0x5], $0x80, v3, vm0, $0xb8;
	[tilespmem:$0x18C00] =	vst v63  }
0x385: {  	s12 =	simm.s32 $0x10400  }
0x386: {  	[hbm4b:s11+s4] =	stream.indirect_vreg.scatter [tilespmem:s12], [sflag:$0x5], $0x80, v3, vm0, $0xb8;
	[tilespmem:$0x18C00] =	vst v63  }
0x387: {  	_ =	swait.ge [sflag:s25], $0x8000  }
0x388: {  	[sflag:s25] =	ssyncset.done $0x0  }
0x389: {  	[sflag:s25] =	ssyncadd.s32 $0xFFFF8000  }
0x38a: {  	v3 =	vld [tilespmem:$0x340];
	_ =	sdelay $0x4  }
0x38b: {  	v36 =	vshll.u32 v3, $0x3  }
0x38c: {  	v3 =	vand.u32 $0x7, v3;
	v4 =	vand.u32 $0xFFFFFFC0, v36  }
0x38d: {  	v3 =	vor.u32 v3, v4  }
0x38e: {  	v4 =	vperm.xlane v3, v0;
	_ =	sdelay $0x1  }
0x38f: {  	v4 =	vadd.s32 v1, v4;
	_ =	sdelay $0x4  }
0x390: {  	[tilespmem:s24], [sflag:$0x2] =	stream.indirect_vreg.gather [hbm4b:s1+s4], $0x80, v4, vm0, $0xb8;
	[tilespmem:$0x18C00] =	vst v63  }
0x391: {  	v3 =	vperm.xlane v3, v2  }
0x392: {  	[tilespmem:s30], [sflag:$0x2] =	stream.indirect_vreg.gather [hbm4b:s6+s4], $0x80, v4, vm0, $0xb8;
	[tilespmem:$0x18C00] =	vst v63  }
0x393: {  	v3 =	vadd.s32 v1, v3  }
0x394: {  	[tilespmem:s5], [sflag:$0x2] =	stream.indirect_vreg.gather [hbm4b:s7+s4], $0x80, v4, vm0, $0xb8;
	[tilespmem:$0x18C00] =	vst v63  }
0x395: {  	_ = 	snop  }
0x396: {  	[tilespmem:s0], [sflag:$0x2] =	stream.indirect_vreg.gather [hbm4b:s8+s4], $0x80, v4, vm0, $0xb8;
	[tilespmem:$0x18C00] =	vst v63  }
0x397: {  	_ = 	snop  }
0x398: {  	[tilespmem:s14], [sflag:$0x2] =	stream.indirect_vreg.gather [hbm4b:s1+s4], $0x80, v3, vm0, $0xb8;
	[tilespmem:$0x18C00] =	vst v63  }
0x399: {  	_ = 	snop  }
0x39a: {  	[tilespmem:s26], [sflag:$0x2] =	stream.indirect_vreg.gather [hbm4b:s6+s4], $0x80, v3, vm0, $0xb8;
	[tilespmem:$0x18C00] =	vst v63  }
0x39b: {  	_ = 	snop  }
0x39c: {  	[tilespmem:s13], [sflag:$0x2] =	stream.indirect_vreg.gather [hbm4b:s7+s4], $0x80, v3, vm0, $0xb8;
	[tilespmem:$0x18C00] =	vst v63  }
0x39d: {  	_ = 	snop  }
0x39e: {  	[tilespmem:s31], [sflag:$0x2] =	stream.indirect_vreg.gather [hbm4b:s8+s4], $0x80, v3, vm0, $0xb8;
	[tilespmem:$0x18C00] =	vst v63  }
0x39f: {  	v3 =	vld [tilespmem:$0x350];
	_ =	sdelay $0x4  }
0x3a0: {  	v37 =	vshll.u32 v3, $0x3  }
0x3a1: {  	v3 =	vand.u32 $0x7, v3;
	v4 =	vand.u32 $0xFFFFFFC0, v37  }
0x3a2: {  	v3 =	vor.u32 v3, v4  }
0x3a3: {  	v4 =	vperm.xlane v3, v0;
	_ =	sdelay $0x1  }
0x3a4: {  	v4 =	vadd.s32 v1, v4;
	_ =	sdelay $0x4  }
0x3a5: {  	[tilespmem:s16], [sflag:$0x2] =	stream.indirect_vreg.gather [hbm4b:s1+s4], $0x80, v4, vm0, $0xb8;
	[tilespmem:$0x18C00] =	vst v63  }
0x3a6: {  	v3 =	vperm.xlane v3, v2  }
0x3a7: {  	[tilespmem:s3], [sflag:$0x2] =	stream.indirect_vreg.gather [hbm4b:s6+s4], $0x80, v4, vm0, $0xb8;
	[tilespmem:$0x18C00] =	vst v63  }
0x3a8: {  	v3 =	vadd.s32 v1, v3  }
0x3a9: {  	[tilespmem:s15], [sflag:$0x2] =	stream.indirect_vreg.gather [hbm4b:s7+s4], $0x80, v4, vm0, $0xb8;
	[tilespmem:$0x18C00] =	vst v63  }
0x3aa: {  	_ = 	snop  }
0x3ab: {  	[tilespmem:s17], [sflag:$0x2] =	stream.indirect_vreg.gather [hbm4b:s8+s4], $0x80, v4, vm0, $0xb8;
	[tilespmem:$0x18C00] =	vst v63  }
0x3ac: {  	_ = 	snop  }
0x3ad: {  	[tilespmem:s18], [sflag:$0x2] =	stream.indirect_vreg.gather [hbm4b:s1+s4], $0x80, v3, vm0, $0xb8;
	[tilespmem:$0x18C00] =	vst v63  }
0x3ae: {  	_ = 	snop  }
0x3af: {  	[tilespmem:s19], [sflag:$0x2] =	stream.indirect_vreg.gather [hbm4b:s6+s4], $0x80, v3, vm0, $0xb8;
	[tilespmem:$0x18C00] =	vst v63  }
0x3b0: {  	_ = 	snop  }
0x3b1: {  	[tilespmem:s23], [sflag:$0x2] =	stream.indirect_vreg.gather [hbm4b:s7+s4], $0x80, v3, vm0, $0xb8;
	[tilespmem:$0x18C00] =	vst v63  }
0x3b2: {  	_ = 	snop  }
0x3b3: {  	[tilespmem:s12], [sflag:$0x2] =	stream.indirect_vreg.gather [hbm4b:s8+s4], $0x80, v3, vm0, $0xb8;
	[tilespmem:$0x18C00] =	vst v63  }
0x3b4: {  	_ =	swait.ge [sflag:s28], $0x8000  }
0x3b5: {  	[sflag:s28] =	ssyncset.done $0x0  }
0x3b6: {  	[sflag:s28] =	ssyncadd.s32 $0xFFFF8000  }
0x3b7: {  	v3 =	vld [tilespmem:$0x800];
	_ =	sdelay $0x4  }
0x3b8: {  	v38 =	vshll.u32 v3, $0x3  }
0x3b9: {  	v3 =	vand.u32 $0x7, v3;
	v4 =	vand.u32 $0xFFFFFFC0, v38  }
0x3ba: {  	v3 =	vor.u32 v3, v4  }
0x3bb: {  	v4 =	vperm.xlane v3, v0;
	_ =	sdelay $0x1  }
0x3bc: {  	v4 =	vadd.s32 v1, v4;
	_ =	sdelay $0x3  }
0x3bd: {  	s3 =	simm.s32 $0x10C00  }
0x3be: {  	[hbm4b:s2+s4] =	stream.indirect_vreg.scatter [tilespmem:s3], [sflag:$0x6], $0x80, v4, vm0, $0xb8;
	[tilespmem:$0x18C00] =	vst v63  }
0x3bf: {  	s12 =	simm.s32 $0x11400;
	v3 =	vperm.xlane v3, v2  }
0x3c0: {  	[hbm4b:s9+s4] =	stream.indirect_vreg.scatter [tilespmem:s12], [sflag:$0x6], $0x80, v4, vm0, $0xb8;
	[tilespmem:$0x18C00] =	vst v63  }
0x3c1: {  	s13 =	simm.s32 $0x11C00;
	v3 =	vadd.s32 v1, v3  }
0x3c2: {  	[hbm4b:s10+s4] =	stream.indirect_vreg.scatter [tilespmem:s13], [sflag:$0x6], $0x80, v4, vm0, $0xb8;
	[tilespmem:$0x18C00] =	vst v63  }
0x3c3: {  	s17 =	simm.s32 $0x12400  }
0x3c4: {  	[hbm4b:s11+s4] =	stream.indirect_vreg.scatter [tilespmem:s17], [sflag:$0x6], $0x80, v4, vm0, $0xb8;
	[tilespmem:$0x18C00] =	vst v63  }
0x3c5: {  	s25 =	simm.s32 $0x12C00  }
0x3c6: {  	[hbm4b:s2+s4] =	stream.indirect_vreg.scatter [tilespmem:s25], [sflag:$0x6], $0x80, v3, vm0, $0xb8;
	[tilespmem:$0x18C00] =	vst v63  }
0x3c7: {  	s0 =	simm.s32 $0x13400  }
0x3c8: {  	[hbm4b:s9+s4] =	stream.indirect_vreg.scatter [tilespmem:s0], [sflag:$0x6], $0x80, v3, vm0, $0xb8;
	[tilespmem:$0x18C00] =	vst v63  }
0x3c9: {  	s5 =	simm.s32 $0x13C00  }
0x3ca: {  	[hbm4b:s10+s4] =	stream.indirect_vreg.scatter [tilespmem:s5], [sflag:$0x6], $0x80, v3, vm0, $0xb8;
	[tilespmem:$0x18C00] =	vst v63  }
0x3cb: {  	s15 =	simm.s32 $0x14400  }
0x3cc: {  	[hbm4b:s11+s4] =	stream.indirect_vreg.scatter [tilespmem:s15], [sflag:$0x6], $0x80, v3, vm0, $0xb8;
	[tilespmem:$0x18C00] =	vst v63  }
0x3cd: {  	v3 =	vld [tilespmem:$0x810];
	_ =	sdelay $0x4  }
0x3ce: {  	v39 =	vshll.u32 v3, $0x3  }
0x3cf: {  	v3 =	vand.u32 $0x7, v3;
	v4 =	vand.u32 $0xFFFFFFC0, v39  }
0x3d0: {  	v3 =	vor.u32 v3, v4  }
0x3d1: {  	v4 =	vperm.xlane v3, v0;
	_ =	sdelay $0x1  }
0x3d2: {  	v4 =	vadd.s32 v1, v4;
	_ =	sdelay $0x3  }
0x3d3: {  	s18 =	simm.s32 $0x14C00  }
0x3d4: {  	[hbm4b:s2+s4] =	stream.indirect_vreg.scatter [tilespmem:s18], [sflag:$0x6], $0x80, v4, vm0, $0xb8;
	[tilespmem:$0x18C00] =	vst v63  }
0x3d5: {  	s19 =	simm.s32 $0x15400;
	v3 =	vperm.xlane v3, v2  }
0x3d6: {  	[hbm4b:s9+s4] =	stream.indirect_vreg.scatter [tilespmem:s19], [sflag:$0x6], $0x80, v4, vm0, $0xb8;
	[tilespmem:$0x18C00] =	vst v63  }
0x3d7: {  	s23 =	simm.s32 $0x15C00;
	v3 =	vadd.s32 v1, v3  }
0x3d8: {  	[hbm4b:s10+s4] =	stream.indirect_vreg.scatter [tilespmem:s23], [sflag:$0x6], $0x80, v4, vm0, $0xb8;
	[tilespmem:$0x18C00] =	vst v63  }
0x3d9: {  	s24 =	simm.s32 $0x16400  }
0x3da: {  	[hbm4b:s11+s4] =	stream.indirect_vreg.scatter [tilespmem:s24], [sflag:$0x6], $0x80, v4, vm0, $0xb8;
	[tilespmem:$0x18C00] =	vst v63  }
0x3db: {  	s26 =	simm.s32 $0x16C00  }
0x3dc: {  	[hbm4b:s2+s4] =	stream.indirect_vreg.scatter [tilespmem:s26], [sflag:$0x6], $0x80, v3, vm0, $0xb8;
	[tilespmem:$0x18C00] =	vst v63  }
0x3dd: {  	s28 =	simm.s32 $0x17400  }
0x3de: {  	[hbm4b:s9+s4] =	stream.indirect_vreg.scatter [tilespmem:s28], [sflag:$0x6], $0x80, v3, vm0, $0xb8;
	[tilespmem:$0x18C00] =	vst v63  }
0x3df: {  	s14 =	simm.s32 $0x17C00  }
0x3e0: {  	[hbm4b:s10+s4] =	stream.indirect_vreg.scatter [tilespmem:s14], [sflag:$0x6], $0x80, v3, vm0, $0xb8;
	[tilespmem:$0x18C00] =	vst v63  }
0x3e1: {  	s29 =	simm.s32 $0x6;
	s16 =	simm.s32 $0x18400  }
0x3e2: {  	[hbm4b:s11+s4] =	stream.indirect_vreg.scatter [tilespmem:s16], [sflag:$0x6], $0x80, v3, vm0, $0xb8;
	[tilespmem:$0x18C00] =	vst v63  }
0x3e3: {  	_ =	swait.ge [sflag:s29], $0x8000  }
0x3e4: {  	[sflag:s29] =	ssyncset.done $0x0  }
0x3e5: {  	[sflag:s29] =	ssyncadd.s32 $0xFFFF8000  }
0x3e6: {  	v3 =	vld [tilespmem:$0x360];
	_ =	sdelay $0x4  }
0x3e7: {  	v40 =	vshll.u32 v3, $0x3  }
0x3e8: {  	v3 =	vand.u32 $0x7, v3;
	v4 =	vand.u32 $0xFFFFFFC0, v40  }
0x3e9: {  	v3 =	vor.u32 v3, v4  }
0x3ea: {  	v4 =	vperm.xlane v3, v0;
	_ =	sdelay $0x1  }
0x3eb: {  	v4 =	vadd.s32 v1, v4;
	_ =	sdelay $0x4  }
0x3ec: {  	[tilespmem:s3], [sflag:$0x3] =	stream.indirect_vreg.gather [hbm4b:s1+s4], $0x80, v4, vm0, $0xb8;
	[tilespmem:$0x18C00] =	vst v63  }
0x3ed: {  	v3 =	vperm.xlane v3, v2  }
0x3ee: {  	[tilespmem:s12], [sflag:$0x3] =	stream.indirect_vreg.gather [hbm4b:s6+s4], $0x80, v4, vm0, $0xb8;
	[tilespmem:$0x18C00] =	vst v63  }
0x3ef: {  	v3 =	vadd.s32 v1, v3  }
0x3f0: {  	[tilespmem:s13], [sflag:$0x3] =	stream.indirect_vreg.gather [hbm4b:s7+s4], $0x80, v4, vm0, $0xb8;
	[tilespmem:$0x18C00] =	vst v63  }
0x3f1: {  	_ = 	snop  }
0x3f2: {  	[tilespmem:s17], [sflag:$0x3] =	stream.indirect_vreg.gather [hbm4b:s8+s4], $0x80, v4, vm0, $0xb8;
	[tilespmem:$0x18C00] =	vst v63  }
0x3f3: {  	_ = 	snop  }
0x3f4: {  	[tilespmem:s25], [sflag:$0x3] =	stream.indirect_vreg.gather [hbm4b:s1+s4], $0x80, v3, vm0, $0xb8;
	[tilespmem:$0x18C00] =	vst v63  }
0x3f5: {  	_ = 	snop  }
0x3f6: {  	[tilespmem:s0], [sflag:$0x3] =	stream.indirect_vreg.gather [hbm4b:s6+s4], $0x80, v3, vm0, $0xb8;
	[tilespmem:$0x18C00] =	vst v63  }
0x3f7: {  	_ = 	snop  }
0x3f8: {  	[tilespmem:s5], [sflag:$0x3] =	stream.indirect_vreg.gather [hbm4b:s7+s4], $0x80, v3, vm0, $0xb8;
	[tilespmem:$0x18C00] =	vst v63  }
0x3f9: {  	_ = 	snop  }
0x3fa: {  	[tilespmem:s15], [sflag:$0x3] =	stream.indirect_vreg.gather [hbm4b:s8+s4], $0x80, v3, vm0, $0xb8;
	[tilespmem:$0x18C00] =	vst v63  }
0x3fb: {  	v3 =	vld [tilespmem:$0x370];
	_ =	sdelay $0x4  }
0x3fc: {  	v41 =	vshll.u32 v3, $0x3  }
0x3fd: {  	v3 =	vand.u32 $0x7, v3;
	v4 =	vand.u32 $0xFFFFFFC0, v41  }
0x3fe: {  	v3 =	vor.u32 v3, v4  }
0x3ff: {  	v4 =	vperm.xlane v3, v0;
	_ =	sdelay $0x1  }
0x400: {  	v4 =	vadd.s32 v1, v4;
	_ =	sdelay $0x4  }
0x401: {  	[tilespmem:s18], [sflag:$0x3] =	stream.indirect_vreg.gather [hbm4b:s1+s4], $0x80, v4, vm0, $0xb8;
	[tilespmem:$0x18C00] =	vst v63  }
0x402: {  	v3 =	vperm.xlane v3, v2  }
0x403: {  	[tilespmem:s19], [sflag:$0x3] =	stream.indirect_vreg.gather [hbm4b:s6+s4], $0x80, v4, vm0, $0xb8;
	[tilespmem:$0x18C00] =	vst v63  }
0x404: {  	v3 =	vadd.s32 v1, v3  }
0x405: {  	[tilespmem:s23], [sflag:$0x3] =	stream.indirect_vreg.gather [hbm4b:s7+s4], $0x80, v4, vm0, $0xb8;
	[tilespmem:$0x18C00] =	vst v63  }
0x406: {  	_ = 	snop  }
0x407: {  	[tilespmem:s24], [sflag:$0x3] =	stream.indirect_vreg.gather [hbm4b:s8+s4], $0x80, v4, vm0, $0xb8;
	[tilespmem:$0x18C00] =	vst v63  }
0x408: {  	_ = 	snop  }
0x409: {  	[tilespmem:s26], [sflag:$0x3] =	stream.indirect_vreg.gather [hbm4b:s1+s4], $0x80, v3, vm0, $0xb8;
	[tilespmem:$0x18C00] =	vst v63  }
0x40a: {  	_ = 	snop  }
0x40b: {  	[tilespmem:s28], [sflag:$0x3] =	stream.indirect_vreg.gather [hbm4b:s6+s4], $0x80, v3, vm0, $0xb8;
	[tilespmem:$0x18C00] =	vst v63  }
0x40c: {  	_ = 	snop  }
0x40d: {  	[tilespmem:s14], [sflag:$0x3] =	stream.indirect_vreg.gather [hbm4b:s7+s4], $0x80, v3, vm0, $0xb8;
	[tilespmem:$0x18C00] =	vst v63  }
0x40e: {  	s23 =	simm.s32 $0x1  }
0x40f: {  	[tilespmem:s16], [sflag:$0x3] =	stream.indirect_vreg.gather [hbm4b:s8+s4], $0x80, v3, vm0, $0xb8;
	[tilespmem:$0x18C00] =	vst v63  }
0x410: {  	_ =	swait.ge [sflag:s23], $0x8000  }
0x411: {  	[sflag:s23] =	ssyncset.done $0x0  }
0x412: {  	[sflag:s23] =	ssyncadd.s32 $0xFFFF8000  }
0x413: {  	v3 =	vld [tilespmem:$0x880];
	_ =	sdelay $0x4  }
0x414: {  	v42 =	vshll.u32 v3, $0x3  }
0x415: {  	v3 =	vand.u32 $0x7, v3;
	v4 =	vand.u32 $0xFFFFFFC0, v42  }
0x416: {  	v3 =	vor.u32 v3, v4  }
0x417: {  	v4 =	vperm.xlane v3, v0;
	_ =	sdelay $0x1  }
0x418: {  	v4 =	vadd.s32 v1, v4;
	_ =	sdelay $0x3  }
0x419: {  	s24 =	simm.s32 $0xC00  }
0x41a: {  	[hbm4b:s2+s4] =	stream.indirect_vreg.scatter [tilespmem:s24], [sflag:$0x4], $0x80, v4, vm0, $0xb8;
	[tilespmem:$0x18C00] =	vst v63  }
0x41b: {  	s13 =	simm.s32 $0x1400;
	v3 =	vperm.xlane v3, v2  }
0x41c: {  	[hbm4b:s9+s4] =	stream.indirect_vreg.scatter [tilespmem:s13], [sflag:$0x4], $0x80, v4, vm0, $0xb8;
	[tilespmem:$0x18C00] =	vst v63  }
0x41d: {  	s17 =	simm.s32 $0x1C00;
	v3 =	vadd.s32 v1, v3  }
0x41e: {  	[hbm4b:s10+s4] =	stream.indirect_vreg.scatter [tilespmem:s17], [sflag:$0x4], $0x80, v4, vm0, $0xb8;
	[tilespmem:$0x18C00] =	vst v63  }
0x41f: {  	s18 =	simm.s32 $0x2400  }
0x420: {  	[hbm4b:s11+s4] =	stream.indirect_vreg.scatter [tilespmem:s18], [sflag:$0x4], $0x80, v4, vm0, $0xb8;
	[tilespmem:$0x18C00] =	vst v63  }
0x421: {  	s19 =	simm.s32 $0x2C00  }
0x422: {  	[hbm4b:s2+s4] =	stream.indirect_vreg.scatter [tilespmem:s19], [sflag:$0x4], $0x80, v3, vm0, $0xb8;
	[tilespmem:$0x18C00] =	vst v63  }
0x423: {  	s12 =	simm.s32 $0x3400  }
0x424: {  	[hbm4b:s9+s4] =	stream.indirect_vreg.scatter [tilespmem:s12], [sflag:$0x4], $0x80, v3, vm0, $0xb8;
	[tilespmem:$0x18C00] =	vst v63  }
0x425: {  	s15 =	simm.s32 $0x3C00  }
0x426: {  	[hbm4b:s10+s4] =	stream.indirect_vreg.scatter [tilespmem:s15], [sflag:$0x4], $0x80, v3, vm0, $0xb8;
	[tilespmem:$0x18C00] =	vst v63  }
0x427: {  	s0 =	simm.s32 $0x4400  }
0x428: {  	[hbm4b:s11+s4] =	stream.indirect_vreg.scatter [tilespmem:s0], [sflag:$0x4], $0x80, v3, vm0, $0xb8;
	[tilespmem:$0x18C00] =	vst v63  }
0x429: {  	v3 =	vld [tilespmem:$0x890];
	_ =	sdelay $0x4  }
0x42a: {  	v43 =	vshll.u32 v3, $0x3  }
0x42b: {  	v3 =	vand.u32 $0x7, v3;
	v4 =	vand.u32 $0xFFFFFFC0, v43  }
0x42c: {  	v3 =	vor.u32 v3, v4  }
0x42d: {  	v4 =	vperm.xlane v3, v0;
	_ =	sdelay $0x1  }
0x42e: {  	v4 =	vadd.s32 v1, v4;
	_ =	sdelay $0x3  }
0x42f: {  	s14 =	simm.s32 $0x4C00  }
0x430: {  	[hbm4b:s2+s4] =	stream.indirect_vreg.scatter [tilespmem:s14], [sflag:$0x4], $0x80, v4, vm0, $0xb8;
	[tilespmem:$0x18C00] =	vst v63  }
0x431: {  	s25 =	simm.s32 $0x5400;
	v3 =	vperm.xlane v3, v2  }
0x432: {  	[hbm4b:s9+s4] =	stream.indirect_vreg.scatter [tilespmem:s25], [sflag:$0x4], $0x80, v4, vm0, $0xb8;
	[tilespmem:$0x18C00] =	vst v63  }
0x433: {  	s20 =	simm.s32 $0x5C00;
	v3 =	vadd.s32 v1, v3  }
0x434: {  	[hbm4b:s10+s4] =	stream.indirect_vreg.scatter [tilespmem:s20], [sflag:$0x4], $0x80, v4, vm0, $0xb8;
	[tilespmem:$0x18C00] =	vst v63  }
0x435: {  	s29 =	simm.s32 $0x6400  }
0x436: {  	[hbm4b:s11+s4] =	stream.indirect_vreg.scatter [tilespmem:s29], [sflag:$0x4], $0x80, v4, vm0, $0xb8;
	[tilespmem:$0x18C00] =	vst v63  }
0x437: {  	s21 =	simm.s32 $0x6C00  }
0x438: {  	[hbm4b:s2+s4] =	stream.indirect_vreg.scatter [tilespmem:s21], [sflag:$0x4], $0x80, v3, vm0, $0xb8;
	[tilespmem:$0x18C00] =	vst v63  }
0x439: {  	s22 =	simm.s32 $0x7400  }
0x43a: {  	[hbm4b:s9+s4] =	stream.indirect_vreg.scatter [tilespmem:s22], [sflag:$0x4], $0x80, v3, vm0, $0xb8;
	[tilespmem:$0x18C00] =	vst v63  }
0x43b: {  	s30 =	simm.s32 $0x7C00  }
0x43c: {  	[hbm4b:s10+s4] =	stream.indirect_vreg.scatter [tilespmem:s30], [sflag:$0x4], $0x80, v3, vm0, $0xb8;
	[tilespmem:$0x18C00] =	vst v63  }
0x43d: {  	s31 =	simm.s32 $0x8400;
	s5 =	simm.s32 $0x4  }
0x43e: {  	[hbm4b:s11+s4] =	stream.indirect_vreg.scatter [tilespmem:s31], [sflag:$0x4], $0x80, v3, vm0, $0xb8;
	[tilespmem:$0x18C00] =	vst v63  }
0x43f: {  	_ =	swait.ge [sflag:s5], $0x8000  }
0x440: {  	[sflag:s5] =	ssyncset.done $0x0  }
0x441: {  	[sflag:s5] =	ssyncadd.s32 $0xFFFF8000  }
0x442: {  	v3 =	vld [tilespmem:$0x380];
	_ =	sdelay $0x4  }
0x443: {  	v44 =	vshll.u32 v3, $0x3  }
0x444: {  	v3 =	vand.u32 $0x7, v3;
	v4 =	vand.u32 $0xFFFFFFC0, v44  }
0x445: {  	v3 =	vor.u32 v3, v4  }
0x446: {  	v4 =	vperm.xlane v3, v0;
	_ =	sdelay $0x1  }
0x447: {  	v4 =	vadd.s32 v1, v4;
	_ =	sdelay $0x4  }
0x448: {  	[tilespmem:s24], [sflag:$0x1] =	stream.indirect_vreg.gather [hbm4b:s1+s4], $0x80, v4, vm0, $0xb8;
	[tilespmem:$0x18C00] =	vst v63  }
0x449: {  	v3 =	vperm.xlane v3, v2  }
0x44a: {  	[tilespmem:s13], [sflag:$0x1] =	stream.indirect_vreg.gather [hbm4b:s6+s4], $0x80, v4, vm0, $0xb8;
	[tilespmem:$0x18C00] =	vst v63  }
0x44b: {  	v3 =	vadd.s32 v1, v3  }
0x44c: {  	[tilespmem:s17], [sflag:$0x1] =	stream.indirect_vreg.gather [hbm4b:s7+s4], $0x80, v4, vm0, $0xb8;
	[tilespmem:$0x18C00] =	vst v63  }
0x44d: {  	_ = 	snop  }
0x44e: {  	[tilespmem:s18], [sflag:$0x1] =	stream.indirect_vreg.gather [hbm4b:s8+s4], $0x80, v4, vm0, $0xb8;
	[tilespmem:$0x18C00] =	vst v63  }
0x44f: {  	_ = 	snop  }
0x450: {  	[tilespmem:s19], [sflag:$0x1] =	stream.indirect_vreg.gather [hbm4b:s1+s4], $0x80, v3, vm0, $0xb8;
	[tilespmem:$0x18C00] =	vst v63  }
0x451: {  	_ = 	snop  }
0x452: {  	[tilespmem:s12], [sflag:$0x1] =	stream.indirect_vreg.gather [hbm4b:s6+s4], $0x80, v3, vm0, $0xb8;
	[tilespmem:$0x18C00] =	vst v63  }
0x453: {  	_ = 	snop  }
0x454: {  	[tilespmem:s15], [sflag:$0x1] =	stream.indirect_vreg.gather [hbm4b:s7+s4], $0x80, v3, vm0, $0xb8;
	[tilespmem:$0x18C00] =	vst v63  }
0x455: {  	_ = 	snop  }
0x456: {  	[tilespmem:s0], [sflag:$0x1] =	stream.indirect_vreg.gather [hbm4b:s8+s4], $0x80, v3, vm0, $0xb8;
	[tilespmem:$0x18C00] =	vst v63  }
0x457: {  	v3 =	vld [tilespmem:$0x390];
	_ =	sdelay $0x4  }
0x458: {  	v45 =	vshll.u32 v3, $0x3  }
0x459: {  	v3 =	vand.u32 $0x7, v3;
	v4 =	vand.u32 $0xFFFFFFC0, v45  }
0x45a: {  	v3 =	vor.u32 v3, v4  }
0x45b: {  	v4 =	vperm.xlane v3, v0;
	_ =	sdelay $0x1  }
0x45c: {  	v4 =	vadd.s32 v1, v4;
	_ =	sdelay $0x4  }
0x45d: {  	[tilespmem:s14], [sflag:$0x1] =	stream.indirect_vreg.gather [hbm4b:s1+s4], $0x80, v4, vm0, $0xb8;
	[tilespmem:$0x18C00] =	vst v63  }
0x45e: {  	v3 =	vperm.xlane v3, v2  }
0x45f: {  	[tilespmem:s25], [sflag:$0x1] =	stream.indirect_vreg.gather [hbm4b:s6+s4], $0x80, v4, vm0, $0xb8;
	[tilespmem:$0x18C00] =	vst v63  }
0x460: {  	v3 =	vadd.s32 v1, v3  }
0x461: {  	[tilespmem:s20], [sflag:$0x1] =	stream.indirect_vreg.gather [hbm4b:s7+s4], $0x80, v4, vm0, $0xb8;
	[tilespmem:$0x18C00] =	vst v63  }
0x462: {  	_ = 	snop  }
0x463: {  	[tilespmem:s29], [sflag:$0x1] =	stream.indirect_vreg.gather [hbm4b:s8+s4], $0x80, v4, vm0, $0xb8;
	[tilespmem:$0x18C00] =	vst v63  }
0x464: {  	_ = 	snop  }
0x465: {  	[tilespmem:s21], [sflag:$0x1] =	stream.indirect_vreg.gather [hbm4b:s1+s4], $0x80, v3, vm0, $0xb8;
	[tilespmem:$0x18C00] =	vst v63  }
0x466: {  	_ = 	snop  }
0x467: {  	[tilespmem:s22], [sflag:$0x1] =	stream.indirect_vreg.gather [hbm4b:s6+s4], $0x80, v3, vm0, $0xb8;
	[tilespmem:$0x18C00] =	vst v63  }
0x468: {  	_ = 	snop  }
0x469: {  	[tilespmem:s30], [sflag:$0x1] =	stream.indirect_vreg.gather [hbm4b:s7+s4], $0x80, v3, vm0, $0xb8;
	[tilespmem:$0x18C00] =	vst v63  }
0x46a: {  	s29 =	simm.s32 $0x2  }
0x46b: {  	[tilespmem:s31], [sflag:$0x1] =	stream.indirect_vreg.gather [hbm4b:s8+s4], $0x80, v3, vm0, $0xb8;
	[tilespmem:$0x18C00] =	vst v63  }
0x46c: {  	_ =	swait.ge [sflag:s29], $0x8000  }
0x46d: {  	[sflag:s29] =	ssyncset.done $0x0  }
0x46e: {  	[sflag:s29] =	ssyncadd.s32 $0xFFFF8000  }
0x46f: {  	v3 =	vld [tilespmem:$0x900];
	_ =	sdelay $0x4  }
0x470: {  	v46 =	vshll.u32 v3, $0x3  }
0x471: {  	v3 =	vand.u32 $0x7, v3;
	v4 =	vand.u32 $0xFFFFFFC0, v46  }
0x472: {  	v3 =	vor.u32 v3, v4  }
0x473: {  	v4 =	vperm.xlane v3, v0;
	_ =	sdelay $0x1  }
0x474: {  	v4 =	vadd.s32 v1, v4;
	_ =	sdelay $0x3  }
0x475: {  	s21 =	simm.s32 $0x8C00  }
0x476: {  	[hbm4b:s2+s4] =	stream.indirect_vreg.scatter [tilespmem:s21], [sflag:$0x5], $0x80, v4, vm0, $0xb8;
	[tilespmem:$0x18C00] =	vst v63  }
0x477: {  	s22 =	simm.s32 $0x9400;
	v3 =	vperm.xlane v3, v2  }
0x478: {  	[hbm4b:s9+s4] =	stream.indirect_vreg.scatter [tilespmem:s22], [sflag:$0x5], $0x80, v4, vm0, $0xb8;
	[tilespmem:$0x18C00] =	vst v63  }
0x479: {  	s0 =	simm.s32 $0x9C00;
	v3 =	vadd.s32 v1, v3  }
0x47a: {  	[hbm4b:s10+s4] =	stream.indirect_vreg.scatter [tilespmem:s0], [sflag:$0x5], $0x80, v4, vm0, $0xb8;
	[tilespmem:$0x18C00] =	vst v63  }
0x47b: {  	s14 =	simm.s32 $0xA400  }
0x47c: {  	[hbm4b:s11+s4] =	stream.indirect_vreg.scatter [tilespmem:s14], [sflag:$0x5], $0x80, v4, vm0, $0xb8;
	[tilespmem:$0x18C00] =	vst v63  }
0x47d: {  	s3 =	simm.s32 $0xAC00  }
0x47e: {  	[hbm4b:s2+s4] =	stream.indirect_vreg.scatter [tilespmem:s3], [sflag:$0x5], $0x80, v3, vm0, $0xb8;
	[tilespmem:$0x18C00] =	vst v63  }
0x47f: {  	s29 =	simm.s32 $0xB400  }
0x480: {  	[hbm4b:s9+s4] =	stream.indirect_vreg.scatter [tilespmem:s29], [sflag:$0x5], $0x80, v3, vm0, $0xb8;
	[tilespmem:$0x18C00] =	vst v63  }
0x481: {  	s12 =	simm.s32 $0xBC00  }
0x482: {  	[hbm4b:s10+s4] =	stream.indirect_vreg.scatter [tilespmem:s12], [sflag:$0x5], $0x80, v3, vm0, $0xb8;
	[tilespmem:$0x18C00] =	vst v63  }
0x483: {  	s23 =	simm.s32 $0xC400  }
0x484: {  	[hbm4b:s11+s4] =	stream.indirect_vreg.scatter [tilespmem:s23], [sflag:$0x5], $0x80, v3, vm0, $0xb8;
	[tilespmem:$0x18C00] =	vst v63  }
0x485: {  	v3 =	vld [tilespmem:$0x910];
	_ =	sdelay $0x4  }
0x486: {  	v47 =	vshll.u32 v3, $0x3  }
0x487: {  	v3 =	vand.u32 $0x7, v3;
	v4 =	vand.u32 $0xFFFFFFC0, v47  }
0x488: {  	v3 =	vor.u32 v3, v4  }
0x489: {  	v4 =	vperm.xlane v3, v0;
	_ =	sdelay $0x1  }
0x48a: {  	v4 =	vadd.s32 v1, v4;
	_ =	sdelay $0x3  }
0x48b: {  	s24 =	simm.s32 $0xCC00  }
0x48c: {  	[hbm4b:s2+s4] =	stream.indirect_vreg.scatter [tilespmem:s24], [sflag:$0x5], $0x80, v4, vm0, $0xb8;
	[tilespmem:$0x18C00] =	vst v63  }
0x48d: {  	s26 =	simm.s32 $0xD400;
	v3 =	vperm.xlane v3, v2  }
0x48e: {  	[hbm4b:s9+s4] =	stream.indirect_vreg.scatter [tilespmem:s26], [sflag:$0x5], $0x80, v4, vm0, $0xb8;
	[tilespmem:$0x18C00] =	vst v63  }
0x48f: {  	s13 =	simm.s32 $0xDC00;
	v3 =	vadd.s32 v1, v3  }
0x490: {  	[hbm4b:s10+s4] =	stream.indirect_vreg.scatter [tilespmem:s13], [sflag:$0x5], $0x80, v4, vm0, $0xb8;
	[tilespmem:$0x18C00] =	vst v63  }
0x491: {  	s17 =	simm.s32 $0xE400  }
0x492: {  	[hbm4b:s11+s4] =	stream.indirect_vreg.scatter [tilespmem:s17], [sflag:$0x5], $0x80, v4, vm0, $0xb8;
	[tilespmem:$0x18C00] =	vst v63  }
0x493: {  	s18 =	simm.s32 $0xEC00  }
0x494: {  	[hbm4b:s2+s4] =	stream.indirect_vreg.scatter [tilespmem:s18], [sflag:$0x5], $0x80, v3, vm0, $0xb8;
	[tilespmem:$0x18C00] =	vst v63  }
0x495: {  	s19 =	simm.s32 $0xF400  }
0x496: {  	[hbm4b:s9+s4] =	stream.indirect_vreg.scatter [tilespmem:s19], [sflag:$0x5], $0x80, v3, vm0, $0xb8;
	[tilespmem:$0x18C00] =	vst v63  }
0x497: {  	s20 =	simm.s32 $0xFC00  }
0x498: {  	[hbm4b:s10+s4] =	stream.indirect_vreg.scatter [tilespmem:s20], [sflag:$0x5], $0x80, v3, vm0, $0xb8;
	[tilespmem:$0x18C00] =	vst v63  }
0x499: {  	s30 =	simm.s32 $0x10400;
	s31 =	simm.s32 $0x5  }
0x49a: {  	[hbm4b:s11+s4] =	stream.indirect_vreg.scatter [tilespmem:s30], [sflag:$0x5], $0x80, v3, vm0, $0xb8;
	[tilespmem:$0x18C00] =	vst v63  }
0x49b: {  	_ =	swait.ge [sflag:s31], $0x8000  }
0x49c: {  	[sflag:s31] =	ssyncset.done $0x0  }
0x49d: {  	[sflag:s31] =	ssyncadd.s32 $0xFFFF8000  }
0x49e: {  	v3 =	vld [tilespmem:$0x3A0];
	_ =	sdelay $0x4  }
0x49f: {  	v48 =	vshll.u32 v3, $0x3  }
0x4a0: {  	v3 =	vand.u32 $0x7, v3;
	v4 =	vand.u32 $0xFFFFFFC0, v48  }
0x4a1: {  	v3 =	vor.u32 v3, v4  }
0x4a2: {  	v4 =	vperm.xlane v3, v0;
	_ =	sdelay $0x1  }
0x4a3: {  	v4 =	vadd.s32 v1, v4;
	_ =	sdelay $0x4  }
0x4a4: {  	[tilespmem:s21], [sflag:$0x2] =	stream.indirect_vreg.gather [hbm4b:s1+s4], $0x80, v4, vm0, $0xb8;
	[tilespmem:$0x18C00] =	vst v63  }
0x4a5: {  	v3 =	vperm.xlane v3, v2  }
0x4a6: {  	[tilespmem:s22], [sflag:$0x2] =	stream.indirect_vreg.gather [hbm4b:s6+s4], $0x80, v4, vm0, $0xb8;
	[tilespmem:$0x18C00] =	vst v63  }
0x4a7: {  	v3 =	vadd.s32 v1, v3  }
0x4a8: {  	[tilespmem:s0], [sflag:$0x2] =	stream.indirect_vreg.gather [hbm4b:s7+s4], $0x80, v4, vm0, $0xb8;
	[tilespmem:$0x18C00] =	vst v63  }
0x4a9: {  	_ = 	snop  }
0x4aa: {  	[tilespmem:s14], [sflag:$0x2] =	stream.indirect_vreg.gather [hbm4b:s8+s4], $0x80, v4, vm0, $0xb8;
	[tilespmem:$0x18C00] =	vst v63  }
0x4ab: {  	_ = 	snop  }
0x4ac: {  	[tilespmem:s3], [sflag:$0x2] =	stream.indirect_vreg.gather [hbm4b:s1+s4], $0x80, v3, vm0, $0xb8;
	[tilespmem:$0x18C00] =	vst v63  }
0x4ad: {  	_ = 	snop  }
0x4ae: {  	[tilespmem:s29], [sflag:$0x2] =	stream.indirect_vreg.gather [hbm4b:s6+s4], $0x80, v3, vm0, $0xb8;
	[tilespmem:$0x18C00] =	vst v63  }
0x4af: {  	_ = 	snop  }
0x4b0: {  	[tilespmem:s12], [sflag:$0x2] =	stream.indirect_vreg.gather [hbm4b:s7+s4], $0x80, v3, vm0, $0xb8;
	[tilespmem:$0x18C00] =	vst v63  }
0x4b1: {  	_ = 	snop  }
0x4b2: {  	[tilespmem:s23], [sflag:$0x2] =	stream.indirect_vreg.gather [hbm4b:s8+s4], $0x80, v3, vm0, $0xb8;
	[tilespmem:$0x18C00] =	vst v63  }
0x4b3: {  	v3 =	vld [tilespmem:$0x3B0];
	_ =	sdelay $0x4  }
0x4b4: {  	v49 =	vshll.u32 v3, $0x3  }
0x4b5: {  	v3 =	vand.u32 $0x7, v3;
	v4 =	vand.u32 $0xFFFFFFC0, v49  }
0x4b6: {  	v3 =	vor.u32 v3, v4  }
0x4b7: {  	v4 =	vperm.xlane v3, v0;
	_ =	sdelay $0x1  }
0x4b8: {  	v4 =	vadd.s32 v1, v4;
	_ =	sdelay $0x4  }
0x4b9: {  	[tilespmem:s24], [sflag:$0x2] =	stream.indirect_vreg.gather [hbm4b:s1+s4], $0x80, v4, vm0, $0xb8;
	[tilespmem:$0x18C00] =	vst v63  }
0x4ba: {  	v3 =	vperm.xlane v3, v2  }
0x4bb: {  	[tilespmem:s26], [sflag:$0x2] =	stream.indirect_vreg.gather [hbm4b:s6+s4], $0x80, v4, vm0, $0xb8;
	[tilespmem:$0x18C00] =	vst v63  }
0x4bc: {  	v3 =	vadd.s32 v1, v3  }
0x4bd: {  	[tilespmem:s13], [sflag:$0x2] =	stream.indirect_vreg.gather [hbm4b:s7+s4], $0x80, v4, vm0, $0xb8;
	[tilespmem:$0x18C00] =	vst v63  }
0x4be: {  	_ = 	snop  }
0x4bf: {  	[tilespmem:s17], [sflag:$0x2] =	stream.indirect_vreg.gather [hbm4b:s8+s4], $0x80, v4, vm0, $0xb8;
	[tilespmem:$0x18C00] =	vst v63  }
0x4c0: {  	_ = 	snop  }
0x4c1: {  	[tilespmem:s18], [sflag:$0x2] =	stream.indirect_vreg.gather [hbm4b:s1+s4], $0x80, v3, vm0, $0xb8;
	[tilespmem:$0x18C00] =	vst v63  }
0x4c2: {  	_ = 	snop  }
0x4c3: {  	[tilespmem:s19], [sflag:$0x2] =	stream.indirect_vreg.gather [hbm4b:s6+s4], $0x80, v3, vm0, $0xb8;
	[tilespmem:$0x18C00] =	vst v63  }
0x4c4: {  	_ = 	snop  }
0x4c5: {  	[tilespmem:s20], [sflag:$0x2] =	stream.indirect_vreg.gather [hbm4b:s7+s4], $0x80, v3, vm0, $0xb8;
	[tilespmem:$0x18C00] =	vst v63  }
0x4c6: {  	s14 =	simm.s32 $0x3  }
0x4c7: {  	[tilespmem:s30], [sflag:$0x2] =	stream.indirect_vreg.gather [hbm4b:s8+s4], $0x80, v3, vm0, $0xb8;
	[tilespmem:$0x18C00] =	vst v63  }
0x4c8: {  	_ =	swait.ge [sflag:s14], $0x8000  }
0x4c9: {  	[sflag:s14] =	ssyncset.done $0x0  }
0x4ca: {  	[sflag:s14] =	ssyncadd.s32 $0xFFFF8000  }
0x4cb: {  	v3 =	vld [tilespmem:$0x980];
	_ =	sdelay $0x4  }
0x4cc: {  	v50 =	vshll.u32 v3, $0x3  }
0x4cd: {  	v3 =	vand.u32 $0x7, v3;
	v4 =	vand.u32 $0xFFFFFFC0, v50  }
0x4ce: {  	v3 =	vor.u32 v3, v4  }
0x4cf: {  	v4 =	vperm.xlane v3, v0;
	_ =	sdelay $0x1  }
0x4d0: {  	v4 =	vadd.s32 v1, v4;
	_ =	sdelay $0x3  }
0x4d1: {  	s20 =	simm.s32 $0x10C00  }
0x4d2: {  	[hbm4b:s2+s4] =	stream.indirect_vreg.scatter [tilespmem:s20], [sflag:$0x6], $0x80, v4, vm0, $0xb8;
	[tilespmem:$0x18C00] =	vst v63  }
0x4d3: {  	s21 =	simm.s32 $0x11400;
	v3 =	vperm.xlane v3, v2  }
0x4d4: {  	[hbm4b:s9+s4] =	stream.indirect_vreg.scatter [tilespmem:s21], [sflag:$0x6], $0x80, v4, vm0, $0xb8;
	[tilespmem:$0x18C00] =	vst v63  }
0x4d5: {  	s22 =	simm.s32 $0x11C00;
	v3 =	vadd.s32 v1, v3  }
0x4d6: {  	[hbm4b:s10+s4] =	stream.indirect_vreg.scatter [tilespmem:s22], [sflag:$0x6], $0x80, v4, vm0, $0xb8;
	[tilespmem:$0x18C00] =	vst v63  }
0x4d7: {  	s0 =	simm.s32 $0x12400  }
0x4d8: {  	[hbm4b:s11+s4] =	stream.indirect_vreg.scatter [tilespmem:s0], [sflag:$0x6], $0x80, v4, vm0, $0xb8;
	[tilespmem:$0x18C00] =	vst v63  }
0x4d9: {  	s13 =	simm.s32 $0x12C00  }
0x4da: {  	[hbm4b:s2+s4] =	stream.indirect_vreg.scatter [tilespmem:s13], [sflag:$0x6], $0x80, v3, vm0, $0xb8;
	[tilespmem:$0x18C00] =	vst v63  }
0x4db: {  	s31 =	simm.s32 $0x13400  }
0x4dc: {  	[hbm4b:s9+s4] =	stream.indirect_vreg.scatter [tilespmem:s31], [sflag:$0x6], $0x80, v3, vm0, $0xb8;
	[tilespmem:$0x18C00] =	vst v63  }
0x4dd: {  	s30 =	simm.s32 $0x13C00  }
0x4de: {  	[hbm4b:s10+s4] =	stream.indirect_vreg.scatter [tilespmem:s30], [sflag:$0x6], $0x80, v3, vm0, $0xb8;
	[tilespmem:$0x18C00] =	vst v63  }
0x4df: {  	s23 =	simm.s32 $0x14400  }
0x4e0: {  	[hbm4b:s11+s4] =	stream.indirect_vreg.scatter [tilespmem:s23], [sflag:$0x6], $0x80, v3, vm0, $0xb8;
	[tilespmem:$0x18C00] =	vst v63  }
0x4e1: {  	v3 =	vld [tilespmem:$0x990];
	_ =	sdelay $0x4  }
0x4e2: {  	v51 =	vshll.u32 v3, $0x3  }
0x4e3: {  	v3 =	vand.u32 $0x7, v3;
	v4 =	vand.u32 $0xFFFFFFC0, v51  }
0x4e4: {  	v3 =	vor.u32 v3, v4  }
0x4e5: {  	v4 =	vperm.xlane v3, v0;
	_ =	sdelay $0x1  }
0x4e6: {  	v4 =	vadd.s32 v1, v4;
	_ =	sdelay $0x3  }
0x4e7: {  	s26 =	simm.s32 $0x14C00  }
0x4e8: {  	[hbm4b:s2+s4] =	stream.indirect_vreg.scatter [tilespmem:s26], [sflag:$0x6], $0x80, v4, vm0, $0xb8;
	[tilespmem:$0x18C00] =	vst v63  }
0x4e9: {  	s28 =	simm.s32 $0x15400;
	v3 =	vperm.xlane v3, v2  }
0x4ea: {  	[hbm4b:s9+s4] =	stream.indirect_vreg.scatter [tilespmem:s28], [sflag:$0x6], $0x80, v4, vm0, $0xb8;
	[tilespmem:$0x18C00] =	vst v63  }
0x4eb: {  	s24 =	simm.s32 $0x15C00;
	v3 =	vadd.s32 v1, v3  }
0x4ec: {  	[hbm4b:s10+s4] =	stream.indirect_vreg.scatter [tilespmem:s24], [sflag:$0x6], $0x80, v4, vm0, $0xb8;
	[tilespmem:$0x18C00] =	vst v63  }
0x4ed: {  	s12 =	simm.s32 $0x16400  }
0x4ee: {  	[hbm4b:s11+s4] =	stream.indirect_vreg.scatter [tilespmem:s12], [sflag:$0x6], $0x80, v4, vm0, $0xb8;
	[tilespmem:$0x18C00] =	vst v63  }
0x4ef: {  	s17 =	simm.s32 $0x16C00  }
0x4f0: {  	[hbm4b:s2+s4] =	stream.indirect_vreg.scatter [tilespmem:s17], [sflag:$0x6], $0x80, v3, vm0, $0xb8;
	[tilespmem:$0x18C00] =	vst v63  }
0x4f1: {  	s18 =	simm.s32 $0x17400  }
0x4f2: {  	[hbm4b:s9+s4] =	stream.indirect_vreg.scatter [tilespmem:s18], [sflag:$0x6], $0x80, v3, vm0, $0xb8;
	[tilespmem:$0x18C00] =	vst v63  }
0x4f3: {  	s19 =	simm.s32 $0x17C00  }
0x4f4: {  	[hbm4b:s10+s4] =	stream.indirect_vreg.scatter [tilespmem:s19], [sflag:$0x6], $0x80, v3, vm0, $0xb8;
	[tilespmem:$0x18C00] =	vst v63  }
0x4f5: {  	s3 =	simm.s32 $0x6;
	s29 =	simm.s32 $0x18400  }
0x4f6: {  	[hbm4b:s11+s4] =	stream.indirect_vreg.scatter [tilespmem:s29], [sflag:$0x6], $0x80, v3, vm0, $0xb8;
	[tilespmem:$0x18C00] =	vst v63  }
0x4f7: {  	_ =	swait.ge [sflag:s3], $0x8000  }
0x4f8: {  	[sflag:s3] =	ssyncset.done $0x0  }
0x4f9: {  	[sflag:s3] =	ssyncadd.s32 $0xFFFF8000  }
0x4fa: {  	v3 =	vld [tilespmem:$0x3C0];
	_ =	sdelay $0x4  }
0x4fb: {  	v52 =	vshll.u32 v3, $0x3  }
0x4fc: {  	v3 =	vand.u32 $0x7, v3;
	v4 =	vand.u32 $0xFFFFFFC0, v52  }
0x4fd: {  	v3 =	vor.u32 v3, v4  }
0x4fe: {  	v4 =	vperm.xlane v3, v0;
	_ =	sdelay $0x1  }
0x4ff: {  	v4 =	vadd.s32 v1, v4;
	_ =	sdelay $0x4  }
0x500: {  	[tilespmem:s20], [sflag:$0x3] =	stream.indirect_vreg.gather [hbm4b:s1+s4], $0x80, v4, vm0, $0xb8;
	[tilespmem:$0x18C00] =	vst v63  }
0x501: {  	v3 =	vperm.xlane v3, v2  }
0x502: {  	[tilespmem:s21], [sflag:$0x3] =	stream.indirect_vreg.gather [hbm4b:s6+s4], $0x80, v4, vm0, $0xb8;
	[tilespmem:$0x18C00] =	vst v63  }
0x503: {  	v3 =	vadd.s32 v1, v3  }
0x504: {  	[tilespmem:s22], [sflag:$0x3] =	stream.indirect_vreg.gather [hbm4b:s7+s4], $0x80, v4, vm0, $0xb8;
	[tilespmem:$0x18C00] =	vst v63  }
0x505: {  	_ = 	snop  }
0x506: {  	[tilespmem:s0], [sflag:$0x3] =	stream.indirect_vreg.gather [hbm4b:s8+s4], $0x80, v4, vm0, $0xb8;
	[tilespmem:$0x18C00] =	vst v63  }
0x507: {  	_ = 	snop  }
0x508: {  	[tilespmem:s13], [sflag:$0x3] =	stream.indirect_vreg.gather [hbm4b:s1+s4], $0x80, v3, vm0, $0xb8;
	[tilespmem:$0x18C00] =	vst v63  }
0x509: {  	_ = 	snop  }
0x50a: {  	[tilespmem:s31], [sflag:$0x3] =	stream.indirect_vreg.gather [hbm4b:s6+s4], $0x80, v3, vm0, $0xb8;
	[tilespmem:$0x18C00] =	vst v63  }
0x50b: {  	_ = 	snop  }
0x50c: {  	[tilespmem:s30], [sflag:$0x3] =	stream.indirect_vreg.gather [hbm4b:s7+s4], $0x80, v3, vm0, $0xb8;
	[tilespmem:$0x18C00] =	vst v63  }
0x50d: {  	_ = 	snop  }
0x50e: {  	[tilespmem:s23], [sflag:$0x3] =	stream.indirect_vreg.gather [hbm4b:s8+s4], $0x80, v3, vm0, $0xb8;
	[tilespmem:$0x18C00] =	vst v63  }
0x50f: {  	v3 =	vld [tilespmem:$0x3D0];
	_ =	sdelay $0x4  }
0x510: {  	v53 =	vshll.u32 v3, $0x3  }
0x511: {  	v3 =	vand.u32 $0x7, v3;
	v4 =	vand.u32 $0xFFFFFFC0, v53  }
0x512: {  	v3 =	vor.u32 v3, v4  }
0x513: {  	v4 =	vperm.xlane v3, v0;
	_ =	sdelay $0x1  }
0x514: {  	v4 =	vadd.s32 v1, v4;
	_ =	sdelay $0x4  }
0x515: {  	[tilespmem:s26], [sflag:$0x3] =	stream.indirect_vreg.gather [hbm4b:s1+s4], $0x80, v4, vm0, $0xb8;
	[tilespmem:$0x18C00] =	vst v63  }
0x516: {  	v3 =	vperm.xlane v3, v2  }
0x517: {  	[tilespmem:s28], [sflag:$0x3] =	stream.indirect_vreg.gather [hbm4b:s6+s4], $0x80, v4, vm0, $0xb8;
	[tilespmem:$0x18C00] =	vst v63  }
0x518: {  	v3 =	vadd.s32 v1, v3  }
0x519: {  	[tilespmem:s24], [sflag:$0x3] =	stream.indirect_vreg.gather [hbm4b:s7+s4], $0x80, v4, vm0, $0xb8;
	[tilespmem:$0x18C00] =	vst v63  }
0x51a: {  	_ = 	snop  }
0x51b: {  	[tilespmem:s12], [sflag:$0x3] =	stream.indirect_vreg.gather [hbm4b:s8+s4], $0x80, v4, vm0, $0xb8;
	[tilespmem:$0x18C00] =	vst v63  }
0x51c: {  	_ = 	snop  }
0x51d: {  	[tilespmem:s17], [sflag:$0x3] =	stream.indirect_vreg.gather [hbm4b:s1+s4], $0x80, v3, vm0, $0xb8;
	[tilespmem:$0x18C00] =	vst v63  }
0x51e: {  	_ = 	snop  }
0x51f: {  	[tilespmem:s18], [sflag:$0x3] =	stream.indirect_vreg.gather [hbm4b:s6+s4], $0x80, v3, vm0, $0xb8;
	[tilespmem:$0x18C00] =	vst v63  }
0x520: {  	_ = 	snop  }
0x521: {  	[tilespmem:s19], [sflag:$0x3] =	stream.indirect_vreg.gather [hbm4b:s7+s4], $0x80, v3, vm0, $0xb8;
	[tilespmem:$0x18C00] =	vst v63  }
0x522: {  	s16 =	simm.s32 $0x1  }
0x523: {  	[tilespmem:s29], [sflag:$0x3] =	stream.indirect_vreg.gather [hbm4b:s8+s4], $0x80, v3, vm0, $0xb8;
	[tilespmem:$0x18C00] =	vst v63  }
0x524: {  	_ =	swait.ge [sflag:s16], $0x8000  }
0x525: {  	[sflag:s16] =	ssyncset.done $0x0  }
0x526: {  	[sflag:s16] =	ssyncadd.s32 $0xFFFF8000  }
0x527: {  	v3 =	vld [tilespmem:$0xA00];
	_ =	sdelay $0x4  }
0x528: {  	v54 =	vshll.u32 v3, $0x3  }
0x529: {  	v3 =	vand.u32 $0x7, v3;
	v4 =	vand.u32 $0xFFFFFFC0, v54  }
0x52a: {  	v3 =	vor.u32 v3, v4  }
0x52b: {  	v4 =	vperm.xlane v3, v0;
	_ =	sdelay $0x1  }
0x52c: {  	v4 =	vadd.s32 v1, v4;
	_ =	sdelay $0x3  }
0x52d: {  	s0 =	simm.s32 $0xC00  }
0x52e: {  	[hbm4b:s2+s4] =	stream.indirect_vreg.scatter [tilespmem:s0], [sflag:$0x4], $0x80, v4, vm0, $0xb8;
	[tilespmem:$0x18C00] =	vst v63  }
0x52f: {  	s12 =	simm.s32 $0x1400;
	v3 =	vperm.xlane v3, v2  }
0x530: {  	[hbm4b:s9+s4] =	stream.indirect_vreg.scatter [tilespmem:s12], [sflag:$0x4], $0x80, v4, vm0, $0xb8;
	[tilespmem:$0x18C00] =	vst v63  }
0x531: {  	s13 =	simm.s32 $0x1C00;
	v3 =	vadd.s32 v1, v3  }
0x532: {  	[hbm4b:s10+s4] =	stream.indirect_vreg.scatter [tilespmem:s13], [sflag:$0x4], $0x80, v4, vm0, $0xb8;
	[tilespmem:$0x18C00] =	vst v63  }
0x533: {  	s17 =	simm.s32 $0x2400  }
0x534: {  	[hbm4b:s11+s4] =	stream.indirect_vreg.scatter [tilespmem:s17], [sflag:$0x4], $0x80, v4, vm0, $0xb8;
	[tilespmem:$0x18C00] =	vst v63  }
0x535: {  	s18 =	simm.s32 $0x2C00  }
0x536: {  	[hbm4b:s2+s4] =	stream.indirect_vreg.scatter [tilespmem:s18], [sflag:$0x4], $0x80, v3, vm0, $0xb8;
	[tilespmem:$0x18C00] =	vst v63  }
0x537: {  	s19 =	simm.s32 $0x3400  }
0x538: {  	[hbm4b:s9+s4] =	stream.indirect_vreg.scatter [tilespmem:s19], [sflag:$0x4], $0x80, v3, vm0, $0xb8;
	[tilespmem:$0x18C00] =	vst v63  }
0x539: {  	s22 =	simm.s32 $0x3C00  }
0x53a: {  	[hbm4b:s10+s4] =	stream.indirect_vreg.scatter [tilespmem:s22], [sflag:$0x4], $0x80, v3, vm0, $0xb8;
	[tilespmem:$0x18C00] =	vst v63  }
0x53b: {  	s23 =	simm.s32 $0x4400  }
0x53c: {  	[hbm4b:s11+s4] =	stream.indirect_vreg.scatter [tilespmem:s23], [sflag:$0x4], $0x80, v3, vm0, $0xb8;
	[tilespmem:$0x18C00] =	vst v63  }
0x53d: {  	v3 =	vld [tilespmem:$0xA10];
	_ =	sdelay $0x4  }
0x53e: {  	v55 =	vshll.u32 v3, $0x3  }
0x53f: {  	v3 =	vand.u32 $0x7, v3;
	v4 =	vand.u32 $0xFFFFFFC0, v55  }
0x540: {  	v3 =	vor.u32 v3, v4  }
0x541: {  	v4 =	vperm.xlane v3, v0;
	_ =	sdelay $0x1  }
0x542: {  	v4 =	vadd.s32 v1, v4;
	_ =	sdelay $0x3  }
0x543: {  	s24 =	simm.s32 $0x4C00  }
0x544: {  	[hbm4b:s2+s4] =	stream.indirect_vreg.scatter [tilespmem:s24], [sflag:$0x4], $0x80, v4, vm0, $0xb8;
	[tilespmem:$0x18C00] =	vst v63  }
0x545: {  	s21 =	simm.s32 $0x5400;
	v3 =	vperm.xlane v3, v2  }
0x546: {  	[hbm4b:s9+s4] =	stream.indirect_vreg.scatter [tilespmem:s21], [sflag:$0x4], $0x80, v4, vm0, $0xb8;
	[tilespmem:$0x18C00] =	vst v63  }
0x547: {  	s28 =	simm.s32 $0x5C00;
	v3 =	vadd.s32 v1, v3  }
0x548: {  	[hbm4b:s10+s4] =	stream.indirect_vreg.scatter [tilespmem:s28], [sflag:$0x4], $0x80, v4, vm0, $0xb8;
	[tilespmem:$0x18C00] =	vst v63  }
0x549: {  	s29 =	simm.s32 $0x6400  }
0x54a: {  	[hbm4b:s11+s4] =	stream.indirect_vreg.scatter [tilespmem:s29], [sflag:$0x4], $0x80, v4, vm0, $0xb8;
	[tilespmem:$0x18C00] =	vst v63  }
0x54b: {  	s30 =	simm.s32 $0x6C00  }
0x54c: {  	[hbm4b:s2+s4] =	stream.indirect_vreg.scatter [tilespmem:s30], [sflag:$0x4], $0x80, v3, vm0, $0xb8;
	[tilespmem:$0x18C00] =	vst v63  }
0x54d: {  	s31 =	simm.s32 $0x7400  }
0x54e: {  	[hbm4b:s9+s4] =	stream.indirect_vreg.scatter [tilespmem:s31], [sflag:$0x4], $0x80, v3, vm0, $0xb8;
	[tilespmem:$0x18C00] =	vst v63  }
0x54f: {  	s20 =	simm.s32 $0x7C00  }
0x550: {  	[hbm4b:s10+s4] =	stream.indirect_vreg.scatter [tilespmem:s20], [sflag:$0x4], $0x80, v3, vm0, $0xb8;
	[tilespmem:$0x18C00] =	vst v63  }
0x551: {  	s5 =	simm.s32 $0x4;
	s26 =	simm.s32 $0x8400  }
0x552: {  	[hbm4b:s11+s4] =	stream.indirect_vreg.scatter [tilespmem:s26], [sflag:$0x4], $0x80, v3, vm0, $0xb8;
	[tilespmem:$0x18C00] =	vst v63  }
0x553: {  	_ =	swait.ge [sflag:s5], $0x8000  }
0x554: {  	[sflag:s5] =	ssyncset.done $0x0  }
0x555: {  	[sflag:s5] =	ssyncadd.s32 $0xFFFF8000  }
0x556: {  	v3 =	vld [tilespmem:$0x3E0];
	_ =	sdelay $0x4  }
0x557: {  	v56 =	vshll.u32 v3, $0x3  }
0x558: {  	v3 =	vand.u32 $0x7, v3;
	v4 =	vand.u32 $0xFFFFFFC0, v56  }
0x559: {  	v3 =	vor.u32 v3, v4  }
0x55a: {  	v4 =	vperm.xlane v3, v0;
	_ =	sdelay $0x1  }
0x55b: {  	v4 =	vadd.s32 v1, v4;
	_ =	sdelay $0x4  }
0x55c: {  	[tilespmem:s0], [sflag:$0x1] =	stream.indirect_vreg.gather [hbm4b:s1+s4], $0x80, v4, vm0, $0xb8;
	[tilespmem:$0x18C00] =	vst v63  }
0x55d: {  	v3 =	vperm.xlane v3, v2  }
0x55e: {  	[tilespmem:s12], [sflag:$0x1] =	stream.indirect_vreg.gather [hbm4b:s6+s4], $0x80, v4, vm0, $0xb8;
	[tilespmem:$0x18C00] =	vst v63  }
0x55f: {  	v3 =	vadd.s32 v1, v3  }
0x560: {  	[tilespmem:s13], [sflag:$0x1] =	stream.indirect_vreg.gather [hbm4b:s7+s4], $0x80, v4, vm0, $0xb8;
	[tilespmem:$0x18C00] =	vst v63  }
0x561: {  	_ = 	snop  }
0x562: {  	[tilespmem:s17], [sflag:$0x1] =	stream.indirect_vreg.gather [hbm4b:s8+s4], $0x80, v4, vm0, $0xb8;
	[tilespmem:$0x18C00] =	vst v63  }
0x563: {  	_ = 	snop  }
0x564: {  	[tilespmem:s18], [sflag:$0x1] =	stream.indirect_vreg.gather [hbm4b:s1+s4], $0x80, v3, vm0, $0xb8;
	[tilespmem:$0x18C00] =	vst v63  }
0x565: {  	_ = 	snop  }
0x566: {  	[tilespmem:s19], [sflag:$0x1] =	stream.indirect_vreg.gather [hbm4b:s6+s4], $0x80, v3, vm0, $0xb8;
	[tilespmem:$0x18C00] =	vst v63  }
0x567: {  	_ = 	snop  }
0x568: {  	[tilespmem:s22], [sflag:$0x1] =	stream.indirect_vreg.gather [hbm4b:s7+s4], $0x80, v3, vm0, $0xb8;
	[tilespmem:$0x18C00] =	vst v63  }
0x569: {  	_ = 	snop  }
0x56a: {  	[tilespmem:s23], [sflag:$0x1] =	stream.indirect_vreg.gather [hbm4b:s8+s4], $0x80, v3, vm0, $0xb8;
	[tilespmem:$0x18C00] =	vst v63  }
0x56b: {  	v3 =	vld [tilespmem:$0x3F0];
	_ =	sdelay $0x4  }
0x56c: {  	v57 =	vshll.u32 v3, $0x3  }
0x56d: {  	v3 =	vand.u32 $0x7, v3;
	v4 =	vand.u32 $0xFFFFFFC0, v57  }
0x56e: {  	v3 =	vor.u32 v3, v4  }
0x56f: {  	v4 =	vperm.xlane v3, v0;
	_ =	sdelay $0x1  }
0x570: {  	v4 =	vadd.s32 v1, v4;
	_ =	sdelay $0x4  }
0x571: {  	[tilespmem:s24], [sflag:$0x1] =	stream.indirect_vreg.gather [hbm4b:s1+s4], $0x80, v4, vm0, $0xb8;
	[tilespmem:$0x18C00] =	vst v63  }
0x572: {  	v3 =	vperm.xlane v3, v2  }
0x573: {  	[tilespmem:s21], [sflag:$0x1] =	stream.indirect_vreg.gather [hbm4b:s6+s4], $0x80, v4, vm0, $0xb8;
	[tilespmem:$0x18C00] =	vst v63  }
0x574: {  	v3 =	vadd.s32 v1, v3  }
0x575: {  	[tilespmem:s28], [sflag:$0x1] =	stream.indirect_vreg.gather [hbm4b:s7+s4], $0x80, v4, vm0, $0xb8;
	[tilespmem:$0x18C00] =	vst v63  }
0x576: {  	_ = 	snop  }
0x577: {  	[tilespmem:s29], [sflag:$0x1] =	stream.indirect_vreg.gather [hbm4b:s8+s4], $0x80, v4, vm0, $0xb8;
	[tilespmem:$0x18C00] =	vst v63  }
0x578: {  	_ = 	snop  }
0x579: {  	[tilespmem:s30], [sflag:$0x1] =	stream.indirect_vreg.gather [hbm4b:s1+s4], $0x80, v3, vm0, $0xb8;
	[tilespmem:$0x18C00] =	vst v63  }
0x57a: {  	_ = 	snop  }
0x57b: {  	[tilespmem:s31], [sflag:$0x1] =	stream.indirect_vreg.gather [hbm4b:s6+s4], $0x80, v3, vm0, $0xb8;
	[tilespmem:$0x18C00] =	vst v63  }
0x57c: {  	_ = 	snop  }
0x57d: {  	[tilespmem:s20], [sflag:$0x1] =	stream.indirect_vreg.gather [hbm4b:s7+s4], $0x80, v3, vm0, $0xb8;
	[tilespmem:$0x18C00] =	vst v63  }
0x57e: {  	s15 =	simm.s32 $0x2  }
0x57f: {  	[tilespmem:s26], [sflag:$0x1] =	stream.indirect_vreg.gather [hbm4b:s8+s4], $0x80, v3, vm0, $0xb8;
	[tilespmem:$0x18C00] =	vst v63  }
0x580: {  	_ =	swait.ge [sflag:s15], $0x8000  }
0x581: {  	[sflag:s15] =	ssyncset.done $0x0  }
0x582: {  	[sflag:s15] =	ssyncadd.s32 $0xFFFF8000  }
0x583: {  	v3 =	vld [tilespmem:$0xA80];
	_ =	sdelay $0x4  }
0x584: {  	v58 =	vshll.u32 v3, $0x3  }
0x585: {  	v3 =	vand.u32 $0x7, v3;
	v4 =	vand.u32 $0xFFFFFFC0, v58  }
0x586: {  	v3 =	vor.u32 v3, v4  }
0x587: {  	v4 =	vperm.xlane v3, v0;
	_ =	sdelay $0x1  }
0x588: {  	v4 =	vadd.s32 v1, v4;
	_ =	sdelay $0x3  }
0x589: {  	s15 =	simm.s32 $0x8C00  }
0x58a: {  	[hbm4b:s2+s4] =	stream.indirect_vreg.scatter [tilespmem:s15], [sflag:$0x5], $0x80, v4, vm0, $0xb8;
	[tilespmem:$0x18C00] =	vst v63  }
0x58b: {  	v3 =	vperm.xlane v3, v2;
	s15 =	simm.s32 $0x9400  }
0x58c: {  	[hbm4b:s9+s4] =	stream.indirect_vreg.scatter [tilespmem:s15], [sflag:$0x5], $0x80, v4, vm0, $0xb8;
	[tilespmem:$0x18C00] =	vst v63  }
0x58d: {  	v3 =	vadd.s32 v1, v3;
	s15 =	simm.s32 $0x9C00  }
0x58e: {  	[hbm4b:s10+s4] =	stream.indirect_vreg.scatter [tilespmem:s15], [sflag:$0x5], $0x80, v4, vm0, $0xb8;
	[tilespmem:$0x18C00] =	vst v63  }
0x58f: {  	s15 =	simm.s32 $0xA400  }
0x590: {  	[hbm4b:s11+s4] =	stream.indirect_vreg.scatter [tilespmem:s15], [sflag:$0x5], $0x80, v4, vm0, $0xb8;
	[tilespmem:$0x18C00] =	vst v63  }
0x591: {  	s15 =	simm.s32 $0xAC00  }
0x592: {  	[hbm4b:s2+s4] =	stream.indirect_vreg.scatter [tilespmem:s15], [sflag:$0x5], $0x80, v3, vm0, $0xb8;
	[tilespmem:$0x18C00] =	vst v63  }
0x593: {  	s15 =	simm.s32 $0xB400  }
0x594: {  	[hbm4b:s9+s4] =	stream.indirect_vreg.scatter [tilespmem:s15], [sflag:$0x5], $0x80, v3, vm0, $0xb8;
	[tilespmem:$0x18C00] =	vst v63  }
0x595: {  	s15 =	simm.s32 $0xBC00  }
0x596: {  	[hbm4b:s10+s4] =	stream.indirect_vreg.scatter [tilespmem:s15], [sflag:$0x5], $0x80, v3, vm0, $0xb8;
	[tilespmem:$0x18C00] =	vst v63  }
0x597: {  	s15 =	simm.s32 $0xC400  }
0x598: {  	[hbm4b:s11+s4] =	stream.indirect_vreg.scatter [tilespmem:s15], [sflag:$0x5], $0x80, v3, vm0, $0xb8;
	[tilespmem:$0x18C00] =	vst v63  }
0x599: {  	v3 =	vld [tilespmem:$0xA90];
	_ =	sdelay $0x4  }
0x59a: {  	v59 =	vshll.u32 v3, $0x3  }
0x59b: {  	v3 =	vand.u32 $0x7, v3;
	v4 =	vand.u32 $0xFFFFFFC0, v59  }
0x59c: {  	v3 =	vor.u32 v3, v4  }
0x59d: {  	v4 =	vperm.xlane v3, v0;
	_ =	sdelay $0x1  }
0x59e: {  	v4 =	vadd.s32 v1, v4;
	_ =	sdelay $0x3  }
0x59f: {  	s15 =	simm.s32 $0xCC00  }
0x5a0: {  	[hbm4b:s2+s4] =	stream.indirect_vreg.scatter [tilespmem:s15], [sflag:$0x5], $0x80, v4, vm0, $0xb8;
	[tilespmem:$0x18C00] =	vst v63  }
0x5a1: {  	v3 =	vperm.xlane v3, v2;
	s15 =	simm.s32 $0xD400  }
0x5a2: {  	[hbm4b:s9+s4] =	stream.indirect_vreg.scatter [tilespmem:s15], [sflag:$0x5], $0x80, v4, vm0, $0xb8;
	[tilespmem:$0x18C00] =	vst v63  }
0x5a3: {  	v3 =	vadd.s32 v1, v3;
	s15 =	simm.s32 $0xDC00  }
0x5a4: {  	[hbm4b:s10+s4] =	stream.indirect_vreg.scatter [tilespmem:s15], [sflag:$0x5], $0x80, v4, vm0, $0xb8;
	[tilespmem:$0x18C00] =	vst v63  }
0x5a5: {  	s15 =	simm.s32 $0xE400  }
0x5a6: {  	[hbm4b:s11+s4] =	stream.indirect_vreg.scatter [tilespmem:s15], [sflag:$0x5], $0x80, v4, vm0, $0xb8;
	[tilespmem:$0x18C00] =	vst v63  }
0x5a7: {  	s15 =	simm.s32 $0xEC00  }
0x5a8: {  	[hbm4b:s2+s4] =	stream.indirect_vreg.scatter [tilespmem:s15], [sflag:$0x5], $0x80, v3, vm0, $0xb8;
	[tilespmem:$0x18C00] =	vst v63  }
0x5a9: {  	s15 =	simm.s32 $0xF400  }
0x5aa: {  	[hbm4b:s9+s4] =	stream.indirect_vreg.scatter [tilespmem:s15], [sflag:$0x5], $0x80, v3, vm0, $0xb8;
	[tilespmem:$0x18C00] =	vst v63  }
0x5ab: {  	s15 =	simm.s32 $0xFC00  }
0x5ac: {  	[hbm4b:s10+s4] =	stream.indirect_vreg.scatter [tilespmem:s15], [sflag:$0x5], $0x80, v3, vm0, $0xb8;
	[tilespmem:$0x18C00] =	vst v63  }
0x5ad: {  	s14 =	simm.s32 $0x3;
	s15 =	simm.s32 $0x10400  }
0x5ae: {  	[hbm4b:s11+s4] =	stream.indirect_vreg.scatter [tilespmem:s15], [sflag:$0x5], $0x80, v3, vm0, $0xb8;
	[tilespmem:$0x18C00] =	vst v63  }
0x5af: {  	_ =	swait.ge [sflag:s14], $0x8000  }
0x5b0: {  	[sflag:s14] =	ssyncset.done $0x0  }
0x5b1: {  	[sflag:s14] =	ssyncadd.s32 $0xFFFF8000  }
0x5b2: {  	v3 =	vld [tilespmem:$0xB00];
	_ =	sdelay $0x4  }
0x5b3: {  	v60 =	vshll.u32 v3, $0x3  }
0x5b4: {  	v3 =	vand.u32 $0x7, v3;
	v4 =	vand.u32 $0xFFFFFFC0, v60  }
0x5b5: {  	v3 =	vor.u32 v3, v4  }
0x5b6: {  	v4 =	vperm.xlane v3, v0;
	_ =	sdelay $0x1  }
0x5b7: {  	v4 =	vadd.s32 v1, v4;
	_ =	sdelay $0x3  }
0x5b8: {  	s14 =	simm.s32 $0x10C00  }
0x5b9: {  	[hbm4b:s2+s4] =	stream.indirect_vreg.scatter [tilespmem:s14], [sflag:$0x6], $0x80, v4, vm0, $0xb8;
	[tilespmem:$0x18C00] =	vst v63  }
0x5ba: {  	s15 =	simm.s32 $0x11400;
	v3 =	vperm.xlane v3, v2  }
0x5bb: {  	[hbm4b:s9+s4] =	stream.indirect_vreg.scatter [tilespmem:s15], [sflag:$0x6], $0x80, v4, vm0, $0xb8;
	[tilespmem:$0x18C00] =	vst v63  }
0x5bc: {  	v3 =	vadd.s32 v1, v3;
	s14 =	simm.s32 $0x11C00  }
0x5bd: {  	[hbm4b:s10+s4] =	stream.indirect_vreg.scatter [tilespmem:s14], [sflag:$0x6], $0x80, v4, vm0, $0xb8;
	[tilespmem:$0x18C00] =	vst v63  }
0x5be: {  	s15 =	simm.s32 $0x12400  }
0x5bf: {  	[hbm4b:s11+s4] =	stream.indirect_vreg.scatter [tilespmem:s15], [sflag:$0x6], $0x80, v4, vm0, $0xb8;
	[tilespmem:$0x18C00] =	vst v63  }
0x5c0: {  	s14 =	simm.s32 $0x12C00  }
0x5c1: {  	[hbm4b:s2+s4] =	stream.indirect_vreg.scatter [tilespmem:s14], [sflag:$0x6], $0x80, v3, vm0, $0xb8;
	[tilespmem:$0x18C00] =	vst v63  }
0x5c2: {  	s15 =	simm.s32 $0x13400  }
0x5c3: {  	[hbm4b:s9+s4] =	stream.indirect_vreg.scatter [tilespmem:s15], [sflag:$0x6], $0x80, v3, vm0, $0xb8;
	[tilespmem:$0x18C00] =	vst v63  }
0x5c4: {  	s14 =	simm.s32 $0x13C00  }
0x5c5: {  	[hbm4b:s10+s4] =	stream.indirect_vreg.scatter [tilespmem:s14], [sflag:$0x6], $0x80, v3, vm0, $0xb8;
	[tilespmem:$0x18C00] =	vst v63  }
0x5c6: {  	s15 =	simm.s32 $0x14400  }
0x5c7: {  	[hbm4b:s11+s4] =	stream.indirect_vreg.scatter [tilespmem:s15], [sflag:$0x6], $0x80, v3, vm0, $0xb8;
	[tilespmem:$0x18C00] =	vst v63  }
0x5c8: {  	v3 =	vld [tilespmem:$0xB10];
	_ =	sdelay $0x4  }
0x5c9: {  	v61 =	vshll.u32 v3, $0x3  }
0x5ca: {  	v3 =	vand.u32 $0x7, v3;
	v4 =	vand.u32 $0xFFFFFFC0, v61  }
0x5cb: {  	v3 =	vor.u32 v3, v4  }
0x5cc: {  	v4 =	vperm.xlane v3, v0;
	_ =	sdelay $0x1  }
0x5cd: {  	v4 =	vadd.s32 v1, v4;
	_ =	sdelay $0x3  }
0x5ce: {  	s14 =	simm.s32 $0x14C00  }
0x5cf: {  	[hbm4b:s2+s4] =	stream.indirect_vreg.scatter [tilespmem:s14], [sflag:$0x6], $0x80, v4, vm0, $0xb8;
	[tilespmem:$0x18C00] =	vst v63  }
0x5d0: {  	s15 =	simm.s32 $0x15400;
	v3 =	vperm.xlane v3, v2  }
0x5d1: {  	[hbm4b:s9+s4] =	stream.indirect_vreg.scatter [tilespmem:s15], [sflag:$0x6], $0x80, v4, vm0, $0xb8;
	[tilespmem:$0x18C00] =	vst v63  }
0x5d2: {  	v3 =	vadd.s32 v1, v3;
	s14 =	simm.s32 $0x15C00  }
0x5d3: {  	[hbm4b:s10+s4] =	stream.indirect_vreg.scatter [tilespmem:s14], [sflag:$0x6], $0x80, v4, vm0, $0xb8;
	[tilespmem:$0x18C00] =	vst v63  }
0x5d4: {  	s15 =	simm.s32 $0x16400  }
0x5d5: {  	[hbm4b:s11+s4] =	stream.indirect_vreg.scatter [tilespmem:s15], [sflag:$0x6], $0x80, v4, vm0, $0xb8;
	[tilespmem:$0x18C00] =	vst v63  }
0x5d6: {  	s14 =	simm.s32 $0x16C00  }
0x5d7: {  	[hbm4b:s2+s4] =	stream.indirect_vreg.scatter [tilespmem:s14], [sflag:$0x6], $0x80, v3, vm0, $0xb8;
	[tilespmem:$0x18C00] =	vst v63  }
0x5d8: {  	s15 =	simm.s32 $0x17400  }
0x5d9: {  	[hbm4b:s9+s4] =	stream.indirect_vreg.scatter [tilespmem:s15], [sflag:$0x6], $0x80, v3, vm0, $0xb8;
	[tilespmem:$0x18C00] =	vst v63  }
0x5da: {  	s14 =	simm.s32 $0x17C00  }
0x5db: {  	[hbm4b:s10+s4] =	stream.indirect_vreg.scatter [tilespmem:s14], [sflag:$0x6], $0x80, v3, vm0, $0xb8;
	[tilespmem:$0x18C00] =	vst v63  }
0x5dc: {  	s15 =	simm.s32 $0x18400  }
0x5dd: {  	[hbm4b:s11+s4] =	stream.indirect_vreg.scatter [tilespmem:s15], [sflag:$0x6], $0x80, v3, vm0, $0xb8;
	[tilespmem:$0x18C00] =	vst v63  }
0x5de: {  	_ =	swait.ge [sflag:s16], $0x8000  }
0x5df: {  	[sflag:s16] =	ssyncset.done $0x0  }
0x5e0: {  	[sflag:s16] =	ssyncadd.s32 $0xFFFF8000  }
0x5e1: {  	v3 =	vld [tilespmem:$0xB80];
	_ =	sdelay $0x4  }
0x5e2: {  	v62 =	vshll.u32 v3, $0x3  }
0x5e3: {  	v3 =	vand.u32 $0x7, v3;
	v4 =	vand.u32 $0xFFFFFFC0, v62  }
0x5e4: {  	v3 =	vor.u32 v3, v4  }
0x5e5: {  	v4 =	vperm.xlane v3, v0;
	_ =	sdelay $0x1  }
0x5e6: {  	v4 =	vadd.s32 v1, v4;
	_ =	sdelay $0x3  }
0x5e7: {  	s0 =	simm.s32 $0xC00  }
0x5e8: {  	[hbm4b:s2+s4] =	stream.indirect_vreg.scatter [tilespmem:s0], [sflag:$0x4], $0x80, v4, vm0, $0xb8;
	[tilespmem:$0x18C00] =	vst v63  }
0x5e9: {  	s12 =	simm.s32 $0x1400;
	v3 =	vperm.xlane v3, v2  }
0x5ea: {  	[hbm4b:s9+s4] =	stream.indirect_vreg.scatter [tilespmem:s12], [sflag:$0x4], $0x80, v4, vm0, $0xb8;
	[tilespmem:$0x18C00] =	vst v63  }
0x5eb: {  	s13 =	simm.s32 $0x1C00;
	v3 =	vadd.s32 v1, v3  }
0x5ec: {  	[hbm4b:s10+s4] =	stream.indirect_vreg.scatter [tilespmem:s13], [sflag:$0x4], $0x80, v4, vm0, $0xb8;
	[tilespmem:$0x18C00] =	vst v63  }
0x5ed: {  	s17 =	simm.s32 $0x2400  }
0x5ee: {  	[hbm4b:s11+s4] =	stream.indirect_vreg.scatter [tilespmem:s17], [sflag:$0x4], $0x80, v4, vm0, $0xb8;
	[tilespmem:$0x18C00] =	vst v63  }
0x5ef: {  	s18 =	simm.s32 $0x2C00  }
0x5f0: {  	[hbm4b:s2+s4] =	stream.indirect_vreg.scatter [tilespmem:s18], [sflag:$0x4], $0x80, v3, vm0, $0xb8;
	[tilespmem:$0x18C00] =	vst v63  }
0x5f1: {  	s19 =	simm.s32 $0x3400  }
0x5f2: {  	[hbm4b:s9+s4] =	stream.indirect_vreg.scatter [tilespmem:s19], [sflag:$0x4], $0x80, v3, vm0, $0xb8;
	[tilespmem:$0x18C00] =	vst v63  }
0x5f3: {  	s22 =	simm.s32 $0x3C00  }
0x5f4: {  	[hbm4b:s10+s4] =	stream.indirect_vreg.scatter [tilespmem:s22], [sflag:$0x4], $0x80, v3, vm0, $0xb8;
	[tilespmem:$0x18C00] =	vst v63  }
0x5f5: {  	s23 =	simm.s32 $0x4400  }
0x5f6: {  	[hbm4b:s11+s4] =	stream.indirect_vreg.scatter [tilespmem:s23], [sflag:$0x4], $0x80, v3, vm0, $0xb8;
	[tilespmem:$0x18C00] =	vst v63  }
0x5f7: {  	v3 =	vld [tilespmem:$0xB90];
	_ =	sdelay $0x4  }
0x5f8: {  	v63 =	vshll.u32 v3, $0x3  }
0x5f9: {  	v3 =	vand.u32 $0x7, v3;
	v4 =	vand.u32 $0xFFFFFFC0, v63  }
0x5fa: {  	v3 =	vor.u32 v3, v4  }
0x5fb: {  	v4 =	vperm.xlane v3, v0;
	_ =	sdelay $0x1  }
0x5fc: {  	v4 =	vadd.s32 v1, v4;
	_ =	sdelay $0x3  }
0x5fd: {  	s24 =	simm.s32 $0x4C00  }
0x5fe: {  	[hbm4b:s2+s4] =	stream.indirect_vreg.scatter [tilespmem:s24], [sflag:$0x4], $0x80, v4, vm0, $0xb8;
	[tilespmem:$0x18C00] =	vst v63  }
0x5ff: {  	s21 =	simm.s32 $0x5400;
	v3 =	vperm.xlane v3, v2  }
0x600: {  	[hbm4b:s9+s4] =	stream.indirect_vreg.scatter [tilespmem:s21], [sflag:$0x4], $0x80, v4, vm0, $0xb8;
	[tilespmem:$0x18C00] =	vst v63  }
0x601: {  	s28 =	simm.s32 $0x5C00;
	v3 =	vadd.s32 v1, v3  }
0x602: {  	[hbm4b:s10+s4] =	stream.indirect_vreg.scatter [tilespmem:s28], [sflag:$0x4], $0x80, v4, vm0, $0xb8;
	[tilespmem:$0x18C00] =	vst v63  }
0x603: {  	s29 =	simm.s32 $0x6400  }
0x604: {  	[hbm4b:s11+s4] =	stream.indirect_vreg.scatter [tilespmem:s29], [sflag:$0x4], $0x80, v4, vm0, $0xb8;
	[tilespmem:$0x18C00] =	vst v63  }
0x605: {  	s30 =	simm.s32 $0x6C00  }
0x606: {  	[hbm4b:s2+s4] =	stream.indirect_vreg.scatter [tilespmem:s30], [sflag:$0x4], $0x80, v3, vm0, $0xb8;
	[tilespmem:$0x18C00] =	vst v63  }
0x607: {  	s31 =	simm.s32 $0x7400  }
0x608: {  	[hbm4b:s9+s4] =	stream.indirect_vreg.scatter [tilespmem:s31], [sflag:$0x4], $0x80, v3, vm0, $0xb8;
	[tilespmem:$0x18C00] =	vst v63  }
0x609: {  	s20 =	simm.s32 $0x7C00  }
0x60a: {  	[hbm4b:s10+s4] =	stream.indirect_vreg.scatter [tilespmem:s20], [sflag:$0x4], $0x80, v3, vm0, $0xb8;
	[tilespmem:$0x18C00] =	vst v63  }
0x60b: {  	s26 =	simm.s32 $0x8400  }
0x60c: {  	[hbm4b:s11+s4] =	stream.indirect_vreg.scatter [tilespmem:s26], [sflag:$0x4], $0x80, v3, vm0, $0xb8;
	[tilespmem:$0x18C00] =	vst v63  }
0x60d: {  	s31 =	rddreg [dreg:$0xd];
	_ =	swait.ge [sflag:s5], $0x8000  }
0x60e: {  	[sflag:s5] =	ssyncset.done $0x0  }
0x60f: {  	s25 =	simm.s32 $0x5;
	[sflag:s5] =	ssyncadd.s32 $0xFFFF8000  }
0x610: {  	p0 =	sne.s32 s31, $0x1;
	_ =	swait.ge [sflag:s25], $0x8000  }
.Ltmp0:
0x611: {  	[sflag:s25] =	ssyncset.done $0x0;
	(pc) =	sbr.rel @p0 .LBB2_1-.Ltmp0, $4  }
0x612: {  	s3 =	simm.s32 $0x6;
	[sflag:s25] =	ssyncadd.s32 $0xFFFF8000  }
0x613: {  	_ =	swait.ge [sflag:s3], $0x8000  }
0x614: {  	[sflag:s3] =	ssyncset.done $0x0  }
0x615: {  	s12 =	sadd.s32 $0xFFFFFFFF, s31;
	[sflag:s3] =	ssyncadd.s32 $0xFFFF8000  }
0x616: {  	_ =	sfence.sel $0x180000  }
0x617: {  	[bflag:$0x0] =	sbarrier.arrive $0xFFFF  }
0x618: {  	_ =	strace $0x9000004A  }
0x619: {  	s0 =	stileid.u32;
	[bflag:$0x2] =	sbarrier.arrive $0xFFFF  }
0x61a: {  	p0 =	sne.s32 s0, $0x0;
	s0 =	rddreg [dreg:$0x4]  }
0x61b: {  	s0 =	sadd.s32 @!p0 $0x100000, s0  }
0x61c: {  	[sflag:s0] =	ssyncadd.tile.s32 @!p0 $0x1;
	_ =	shalt  }
.Lfunc_end2:
_tile_overlayer_lowered:
.L_overlay_start_2:
0x61d: {  	(tag) =	ssettag $0x2  }
0x61e: {  	s0 =	rddreg [dreg:$0x0];
	s2 =	stileid.u32  }
0x61f: {  	s1 =	rddreg [dreg:$0x1];
	p0 =	sne.s32 s2, $0x0  }
0x620: {  	s3 =	rddreg [dreg:$0x2];
	[bflag:$0x3] =	sbarrier.arrive $0xFFFF;
	s2 =	simm.s32 @!p0 $0x1C07  }
0x621: {  	[timem:s3], [sflag:s2] =	dma.local @!p0 [hbm:s0], s1  }
0x622: {  	s0 =	simm.s32 @!p0 $0x7  }
0x623: {  	_ =	swait.ge @!p0 [sflag:s0], s1  }
0x624: {  	s1 =	ssub.s32 @!p0 $0x0, s1;
	[sflag:s0] =	ssyncset.done @!p0 $0x0  }
0x625: {  	[sflag:s0] =	ssyncadd.s32 @!p0 s1  }
0x626: {  	[bflag:$0x3] =	sbarrier.arrive $0xFFFF  }
0x627: {  	_ =	shalt  }

</sc_bundles>
